<compile_context>
chip_gen: v7x
topology: tpu7x:2x2x1
jax: 0.10.2.dev20260603
libtpu: 0.0.44.dev20260713+nightly
codegen_flags: <defaults>
</compile_context>

<pallas_src>
import jax
import jax.numpy as jnp
from jax import lax
from jax.experimental import pallas as pl
from jax.experimental.pallas import tpu as pltpu
from jax.experimental.pallas import tpu_sc as plsc

B, K, C, S = 8, 32768, 256, 4096
NC, NS = 2, 16
NW = NC * NS
PARTS = NW // B
C_PER = C // PARTS
S_PER = S // PARTS
L = 16
SPLIT = 1


def _body(xyz_hbm, feat_hbm, inds_hbm, oxyz_hbm, ofeat_hbm,
          big, idx_buf, fout,
          sem_in0, sem_in1, sem_in2, sem_out0, sem_out1):
    cid = lax.axis_index("c")
    sid = lax.axis_index("s")
    wid = sid * NC + cid
    b = wid // PARTS
    part = wid % PARTS
    sem_in = (sem_in0, sem_in1, sem_in2)
    sem_out = (sem_out0, sem_out1)

    s0 = part * S_PER
    c0 = part * C_PER

    pltpu.async_copy(inds_hbm.at[b], idx_buf, sem_out[0])
    for j in range(3):
        pltpu.async_copy(xyz_hbm.at[j * B + b], big.at[pl.ds(j * K, K)],
                         sem_in[j])
    pltpu.make_async_copy(inds_hbm.at[b], idx_buf, sem_out[0]).wait()
    for j in range(3):
        pltpu.make_async_copy(xyz_hbm.at[j * B + b], big.at[pl.ds(j * K, K)],
                              sem_in[j]).wait()

        @plsc.parallel_loop(0, S_PER, step=L, unroll=8)
        def xyz_chunk(i):
            idxv = idx_buf[pl.ds(s0 + i, L)]
            g = plsc.load_gather(big.at[pl.ds(j * K, K)], [idxv])
            fout[0, pl.ds(i, L)] = g

        pltpu.async_copy(feat_hbm.at[b, c0 + j], big.at[pl.ds(j * K, K)],
                         sem_in[j])
        pltpu.async_copy(fout.at[pl.ds(0, 1), pl.ds(0, S_PER)],
                         oxyz_hbm.at[j, pl.ds(b, 1), pl.ds(s0, S_PER)],
                         sem_out[0])
        pltpu.make_async_copy(fout.at[pl.ds(0, 1), pl.ds(0, S_PER)],
                              oxyz_hbm.at[j, pl.ds(b, 1), pl.ds(s0, S_PER)],
                              sem_out[0]).wait()

    def process(r, slot, oslot):
        off = slot * K
        pltpu.make_async_copy(feat_hbm.at[b, c0],
                              big.at[pl.ds(off, K)], sem_in[slot]).wait()

        def _wait_out():
            pltpu.make_async_copy(fout.at[oslot], ofeat_hbm.at[b, c0],
                                  sem_out[oslot]).wait()

        if isinstance(r, int):
            if r >= 2:
                _wait_out()
        else:
            pl.when(r >= 2)(_wait_out)

        @plsc.parallel_loop(0, S, step=L, unroll=8)
        def inner(i):
            idxv = idx_buf[pl.ds(i, L)]
            gv = plsc.load_gather(big.at[pl.ds(off, K)], [idxv])
            fout[oslot, pl.ds(i, L)] = gv

        def _refill():
            for q in range(SPLIT):
                pltpu.async_copy(
                    feat_hbm.at[b, c0 + r + 3,
                                pl.ds(q * (K // SPLIT), K // SPLIT)],
                    big.at[pl.ds(off + q * (K // SPLIT), K // SPLIT)],
                    sem_in[slot])

        if isinstance(r, int):
            if r + 3 < C_PER:
                _refill()
        else:
            pl.when(r + 3 < C_PER)(_refill)

        pltpu.async_copy(fout.at[oslot], ofeat_hbm.at[b, c0 + r],
                         sem_out[oslot])

    def outer(it, carry):
        g = it * 6
        for k in range(6):
            process(g + k, k % 3, k % 2)
        return carry

    lax.fori_loop(0, (C_PER - 4) // 6, outer, 0)
    for k in range(4):
        r = C_PER - 4 + k
        process(r, r % 3, r % 2)

    for k in range(2):
        pltpu.make_async_copy(fout.at[k], ofeat_hbm.at[b, c0],
                              sem_out[k]).wait()


def _build(interpret=False):
    mesh = plsc.VectorSubcoreMesh(core_axis_name="c", subcore_axis_name="s",
                                  num_cores=NC, num_subcores=NS)
    return pl.kernel(
        _body,
        out_type=(jax.ShapeDtypeStruct((3, B, S), jnp.float32),
                  jax.ShapeDtypeStruct((B, C, S), jnp.float32)),
        mesh=mesh,
        scratch_types=(
            pltpu.VMEM((3 * K,), jnp.float32),
            pltpu.VMEM((S,), jnp.int32),
            pltpu.VMEM((2, S), jnp.float32),
            pltpu.SemaphoreType.DMA,
            pltpu.SemaphoreType.DMA,
            pltpu.SemaphoreType.DMA,
            pltpu.SemaphoreType.DMA,
            pltpu.SemaphoreType.DMA,
        ),
        compiler_params=pltpu.CompilerParams(needs_layout_passes=False),
        interpret=interpret,
    )


@jax.jit
def kernel(xyz, features, sample_inds):
    xyz24 = jnp.transpose(xyz, (2, 0, 1)).reshape(3 * B, K)
    oxyz, ofeat = _build()(xyz24, features, sample_inds)
    return jnp.transpose(oxyz, (1, 2, 0)), ofeat, sample_inds

# --- scband reference (transcript-rebuilt; emitter-appended) ---
"""Pipeline reference for scband-general-sampling-module-13460427505770 (READ-ONLY COPY).

The authoritative reference and input builder live on the scoring server;
editing this copy changes nothing except your own understanding.
"""

import jax, jax.numpy as jnp
import numpy as np

B, K, C, S = 8, 32768, 256, 4096

def setup_inputs(seed: int = 0) -> dict:
    key = jax.random.key(seed)
    k1, k2, k3 = jax.random.split(key, 3)
    xyz = jax.random.normal(k1, (B, K, 3), dtype=jnp.float32)
    features = jax.random.normal(k2, (B, C, K), dtype=jnp.float32)
    sample_inds = jax.random.randint(k3, (B, S), 0, K, dtype=jnp.int32)
    return {"xyz": xyz, "features": features, "sample_inds": sample_inds}

def reference(xyz, features, sample_inds):
    # gather_operation(xyz_flipped (B,3,K), inds (B,S)) -> (B,3,S); transpose -> (B,S,3)
    new_xyz = jnp.take_along_axis(xyz, sample_inds[:, :, None].astype(jnp.int32), axis=1)
    # gather_operation(features (B,C,K), inds (B,S)) -> (B,C,S)
    new_features = jnp.take_along_axis(features, sample_inds[:, None, :].astype(jnp.int32), axis=2)
    return (new_xyz, new_features, sample_inds)

if __name__ == "__main__":
    import jax
    _d = setup_inputs()
    print(jax.jit(kernel)(*tuple(_d.values())))

</pallas_src>

<mosaic_0001>
#map = affine_map<(d0, d1) -> (0, 0)>
#map1 = affine_map<(d0, d1) -> (0, 0, 0)>
module attributes {stable_mosaic.version = 14 : i64} {
  func.func @_body(%arg0: i32, %arg1: i32, %arg2: memref<24x32768xf32, #tpu.memory_space<hbm>>, %arg3: memref<8x256x32768xf32, #tpu.memory_space<hbm>>, %arg4: memref<8x4096xi32, #tpu.memory_space<hbm>>, %arg5: memref<3x8x4096xf32, #tpu.memory_space<hbm>>, %arg6: memref<8x256x4096xf32, #tpu.memory_space<hbm>>, %arg7: memref<98304xf32, #tpu.memory_space<vmem>>, %arg8: memref<4096xi32, #tpu.memory_space<vmem>>, %arg9: memref<2x4096xf32, #tpu.memory_space<vmem>>, %arg10: memref<!tpu.dma_semaphore, #tpu.memory_space<semaphore_mem>>, %arg11: memref<!tpu.dma_semaphore, #tpu.memory_space<semaphore_mem>>, %arg12: memref<!tpu.dma_semaphore, #tpu.memory_space<semaphore_mem>>, %arg13: memref<!tpu.dma_semaphore, #tpu.memory_space<semaphore_mem>>, %arg14: memref<!tpu.dma_semaphore, #tpu.memory_space<semaphore_mem>>) attributes {dimension_semantics = [#tpu.dimension_semantics<core_parallel>, #tpu.dimension_semantics<subcore_parallel>], iteration_bounds = array<i64: 2, 16>, scalar_prefetch = 0 : i64, scratch_operands = 8 : i64, tpu.core_type = #tpu.core_type<sc_vector_subcore>, window_params = [{transform_indices = #map}, {transform_indices = #map1}, {transform_indices = #map}, {transform_indices = #map1}, {transform_indices = #map1}]} {
    %mul3A = arith.constant 2 : i32
    %mul3A_0 = arith.muli %arg1, %mul3A : i32
    %add3A = arith.addi %mul3A_0, %arg0 : i32
    %jit3A = arith.constant 4 : i32
    %div3A = arith.divsi %add3A, %jit3A : i32
    %sign3A = arith.constant 0 : i32
    %sign3A_1 = arith.cmpi sgt, %add3A, %sign3A : i32
    %sign3A_2 = arith.extui %sign3A_1 : i1 to i32
    %sign3A_3 = arith.constant 0 : i32
    %sign3A_4 = arith.cmpi slt, %add3A, %sign3A_3 : i32
    %sign3A_5 = arith.extui %sign3A_4 : i1 to i32
    %sign3A_6 = arith.subi %sign3A_2, %sign3A_5 : i32
    %sign3A_7 = arith.constant 0 : i32
    %sign3A_8 = arith.cmpi sgt, %jit3A, %sign3A_7 : i32
    %sign3A_9 = arith.extui %sign3A_8 : i1 to i32
    %sign3A_10 = arith.constant 0 : i32
    %sign3A_11 = arith.cmpi slt, %jit3A, %sign3A_10 : i32
    %sign3A_12 = arith.extui %sign3A_11 : i1 to i32
    %sign3A_13 = arith.subi %sign3A_9, %sign3A_12 : i32
    %ne3A = arith.cmpi ne, %sign3A_6, %sign3A_13 : i32
    %rem3A = arith.remsi %add3A, %jit3A : i32
    %ne3A_14 = arith.constant 0 : i32
    %ne3A_15 = arith.cmpi ne, %rem3A, %ne3A_14 : i32
    %and3A = arith.andi %ne3A, %ne3A_15 : i1
    %sub3A = arith.constant 1 : i32
    %sub3A_16 = arith.subi %div3A, %sub3A : i32
    %select_n3A = arith.select %and3A, %sub3A_16, %div3A : i32
    %jit3A_17 = arith.constant 4 : i32
    %eq3A = arith.constant 0 : i32
    %eq3A_18 = arith.cmpi eq, %jit3A_17, %eq3A : i32
    %jit3A_19 = arith.constant 1 : i32
    %select_n3A_20 = arith.select %eq3A_18, %jit3A_19, %jit3A_17 : i32
    %rem3A_21 = arith.remsi %add3A, %select_n3A_20 : i32
    %ne3A_22 = arith.constant 0 : i32
    %ne3A_23 = arith.cmpi ne, %rem3A_21, %ne3A_22 : i32
    %lt3A = arith.constant 0 : i32
    %lt3A_24 = arith.cmpi slt, %rem3A_21, %lt3A : i32
    %lt3A_25 = arith.constant 0 : i32
    %lt3A_26 = arith.cmpi slt, %select_n3A_20, %lt3A_25 : i32
    %ne3A_27 = arith.xori %lt3A_24, %lt3A_26 : i1
    %and3A_28 = arith.andi %ne3A_27, %ne3A_23 : i1
    %add3A_29 = arith.addi %rem3A_21, %select_n3A_20 : i32
    %select_n3A_30 = arith.select %and3A_28, %add3A_29, %rem3A_21 : i32
    %mul3A_31 = arith.constant 1024 : i32
    %mul3A_32 = arith.muli %select_n3A_30, %mul3A_31 : i32
    %mul3A_33 = arith.constant 64 : i32
    %mul3A_34 = arith.muli %select_n3A_30, %mul3A_33 : i32
    %dma_start3A = arith.constant 0 : i32
    %dma_start3A_35 = tpu.memref_slice %arg4[%select_n3A, %dma_start3A] : memref<8x4096xi32, #tpu.memory_space<hbm>> -> memref<1x4096xi32, #tpu.memory_space<hbm>>
    %dma_start3A_36 = tpu.memref_squeeze %dma_start3A_35 : memref<1x4096xi32, #tpu.memory_space<hbm>> -> memref<4096xi32, #tpu.memory_space<hbm>>
    %dma_start3A_37 = arith.constant 0 : i32
    %dma_start3A_38 = tpu.memref_slice %arg4[%select_n3A, %dma_start3A_37] : memref<8x4096xi32, #tpu.memory_space<hbm>> -> memref<1x4096xi32, #tpu.memory_space<hbm>>
    %dma_start3A_39 = tpu.memref_squeeze %dma_start3A_38 : memref<1x4096xi32, #tpu.memory_space<hbm>> -> memref<4096xi32, #tpu.memory_space<hbm>>
    tpu.enqueue_dma source(%dma_start3A_39 : memref<4096xi32, #tpu.memory_space<hbm>>) target(%arg8 : memref<4096xi32, #tpu.memory_space<vmem>>) target_semaphore(%arg13 : memref<!tpu.dma_semaphore, #tpu.memory_space<semaphore_mem>>)
    %add3A_40 = arith.constant 0 : i32
    %add3A_41 = arith.addi %add3A_40, %select_n3A : i32
    %dma_start3A_42 = arith.constant 0 : i32
    %dma_start3A_43 = tpu.memref_slice %arg7[%dma_start3A_42] : memref<98304xf32, #tpu.memory_space<vmem>> -> memref<32768xf32, #tpu.memory_space<vmem>>
    %dma_start3A_44 = arith.constant 0 : i32
    %dma_start3A_45 = tpu.memref_slice %arg2[%add3A_41, %dma_start3A_44] : memref<24x32768xf32, #tpu.memory_space<hbm>> -> memref<1x32768xf32, #tpu.memory_space<hbm>>
    %dma_start3A_46 = tpu.memref_squeeze %dma_start3A_45 : memref<1x32768xf32, #tpu.memory_space<hbm>> -> memref<32768xf32, #tpu.memory_space<hbm>>
    %dma_start3A_47 = arith.constant 0 : i32
    %dma_start3A_48 = tpu.memref_slice %arg7[%dma_start3A_47] : memref<98304xf32, #tpu.memory_space<vmem>> -> memref<32768xf32, #tpu.memory_space<vmem>>
    %dma_start3A_49 = arith.constant 0 : i32
    %dma_start3A_50 = tpu.memref_slice %arg2[%add3A_41, %dma_start3A_49] : memref<24x32768xf32, #tpu.memory_space<hbm>> -> memref<1x32768xf32, #tpu.memory_space<hbm>>
    %dma_start3A_51 = tpu.memref_squeeze %dma_start3A_50 : memref<1x32768xf32, #tpu.memory_space<hbm>> -> memref<32768xf32, #tpu.memory_space<hbm>>
    tpu.enqueue_dma source(%dma_start3A_51 : memref<32768xf32, #tpu.memory_space<hbm>>) target(%dma_start3A_48 : memref<32768xf32, #tpu.memory_space<vmem>>) target_semaphore(%arg10 : memref<!tpu.dma_semaphore, #tpu.memory_space<semaphore_mem>>)
    %add3A_52 = arith.constant 8 : i32
    %add3A_53 = arith.addi %add3A_52, %select_n3A : i32
    %dma_start3A_54 = arith.constant 32768 : i32
    %dma_start3A_55 = tpu.memref_slice %arg7[%dma_start3A_54] : memref<98304xf32, #tpu.memory_space<vmem>> -> memref<32768xf32, #tpu.memory_space<vmem>>
    %dma_start3A_56 = arith.constant 0 : i32
    %dma_start3A_57 = tpu.memref_slice %arg2[%add3A_53, %dma_start3A_56] : memref<24x32768xf32, #tpu.memory_space<hbm>> -> memref<1x32768xf32, #tpu.memory_space<hbm>>
    %dma_start3A_58 = tpu.memref_squeeze %dma_start3A_57 : memref<1x32768xf32, #tpu.memory_space<hbm>> -> memref<32768xf32, #tpu.memory_space<hbm>>
    %dma_start3A_59 = arith.constant 32768 : i32
    %dma_start3A_60 = tpu.memref_slice %arg7[%dma_start3A_59] : memref<98304xf32, #tpu.memory_space<vmem>> -> memref<32768xf32, #tpu.memory_space<vmem>>
    %dma_start3A_61 = arith.constant 0 : i32
    %dma_start3A_62 = tpu.memref_slice %arg2[%add3A_53, %dma_start3A_61] : memref<24x32768xf32, #tpu.memory_space<hbm>> -> memref<1x32768xf32, #tpu.memory_space<hbm>>
    %dma_start3A_63 = tpu.memref_squeeze %dma_start3A_62 : memref<1x32768xf32, #tpu.memory_space<hbm>> -> memref<32768xf32, #tpu.memory_space<hbm>>
    tpu.enqueue_dma source(%dma_start3A_63 : memref<32768xf32, #tpu.memory_space<hbm>>) target(%dma_start3A_60 : memref<32768xf32, #tpu.memory_space<vmem>>) target_semaphore(%arg11 : memref<!tpu.dma_semaphore, #tpu.memory_space<semaphore_mem>>)
    %add3A_64 = arith.constant 16 : i32
    %add3A_65 = arith.addi %add3A_64, %select_n3A : i32
    %dma_start3A_66 = arith.constant 65536 : i32
    %dma_start3A_67 = tpu.memref_slice %arg7[%dma_start3A_66] : memref<98304xf32, #tpu.memory_space<vmem>> -> memref<32768xf32, #tpu.memory_space<vmem>>
    %dma_start3A_68 = arith.constant 0 : i32
    %dma_start3A_69 = tpu.memref_slice %arg2[%add3A_65, %dma_start3A_68] : memref<24x32768xf32, #tpu.memory_space<hbm>> -> memref<1x32768xf32, #tpu.memory_space<hbm>>
    %dma_start3A_70 = tpu.memref_squeeze %dma_start3A_69 : memref<1x32768xf32, #tpu.memory_space<hbm>> -> memref<32768xf32, #tpu.memory_space<hbm>>
    %dma_start3A_71 = arith.constant 65536 : i32
    %dma_start3A_72 = tpu.memref_slice %arg7[%dma_start3A_71] : memref<98304xf32, #tpu.memory_space<vmem>> -> memref<32768xf32, #tpu.memory_space<vmem>>
    %dma_start3A_73 = arith.constant 0 : i32
    %dma_start3A_74 = tpu.memref_slice %arg2[%add3A_65, %dma_start3A_73] : memref<24x32768xf32, #tpu.memory_space<hbm>> -> memref<1x32768xf32, #tpu.memory_space<hbm>>
    %dma_start3A_75 = tpu.memref_squeeze %dma_start3A_74 : memref<1x32768xf32, #tpu.memory_space<hbm>> -> memref<32768xf32, #tpu.memory_space<hbm>>
    tpu.enqueue_dma source(%dma_start3A_75 : memref<32768xf32, #tpu.memory_space<hbm>>) target(%dma_start3A_72 : memref<32768xf32, #tpu.memory_space<vmem>>) target_semaphore(%arg12 : memref<!tpu.dma_semaphore, #tpu.memory_space<semaphore_mem>>)
    %dma_wait3A = arith.constant 0 : i32
    %dma_wait3A_76 = tpu.memref_slice %arg4[%select_n3A, %dma_wait3A] : memref<8x4096xi32, #tpu.memory_space<hbm>> -> memref<1x4096xi32, #tpu.memory_space<hbm>>
    %dma_wait3A_77 = tpu.memref_squeeze %dma_wait3A_76 : memref<1x4096xi32, #tpu.memory_space<hbm>> -> memref<4096xi32, #tpu.memory_space<hbm>>
    %dma_wait3A_78 = arith.constant 0 : i32
    %dma_wait3A_79 = tpu.memref_slice %arg4[%select_n3A, %dma_wait3A_78] : memref<8x4096xi32, #tpu.memory_space<hbm>> -> memref<1x4096xi32, #tpu.memory_space<hbm>>
    %dma_wait3A_80 = tpu.memref_squeeze %dma_wait3A_79 : memref<1x4096xi32, #tpu.memory_space<hbm>> -> memref<4096xi32, #tpu.memory_space<hbm>>
    tpu.wait_dma2 semaphore(%arg13 : memref<!tpu.dma_semaphore, #tpu.memory_space<semaphore_mem>>) src(%dma_wait3A_80 : memref<4096xi32, #tpu.memory_space<hbm>>) dst(%arg8 : memref<4096xi32, #tpu.memory_space<vmem>>)
    %add3A_81 = arith.constant 0 : i32
    %add3A_82 = arith.addi %add3A_81, %select_n3A : i32
    %dma_wait3A_83 = arith.constant 0 : i32
    %dma_wait3A_84 = tpu.memref_slice %arg7[%dma_wait3A_83] : memref<98304xf32, #tpu.memory_space<vmem>> -> memref<32768xf32, #tpu.memory_space<vmem>>
    %dma_wait3A_85 = arith.constant 0 : i32
    %dma_wait3A_86 = tpu.memref_slice %arg2[%add3A_82, %dma_wait3A_85] : memref<24x32768xf32, #tpu.memory_space<hbm>> -> memref<1x32768xf32, #tpu.memory_space<hbm>>
    %dma_wait3A_87 = tpu.memref_squeeze %dma_wait3A_86 : memref<1x32768xf32, #tpu.memory_space<hbm>> -> memref<32768xf32, #tpu.memory_space<hbm>>
    %dma_wait3A_88 = arith.constant 0 : i32
    %dma_wait3A_89 = tpu.memref_slice %arg7[%dma_wait3A_88] : memref<98304xf32, #tpu.memory_space<vmem>> -> memref<32768xf32, #tpu.memory_space<vmem>>
    %dma_wait3A_90 = arith.constant 0 : i32
    %dma_wait3A_91 = tpu.memref_slice %arg2[%add3A_82, %dma_wait3A_90] : memref<24x32768xf32, #tpu.memory_space<hbm>> -> memref<1x32768xf32, #tpu.memory_space<hbm>>
    %dma_wait3A_92 = tpu.memref_squeeze %dma_wait3A_91 : memref<1x32768xf32, #tpu.memory_space<hbm>> -> memref<32768xf32, #tpu.memory_space<hbm>>
    tpu.wait_dma2 semaphore(%arg10 : memref<!tpu.dma_semaphore, #tpu.memory_space<semaphore_mem>>) src(%dma_wait3A_92 : memref<32768xf32, #tpu.memory_space<hbm>>) dst(%dma_wait3A_89 : memref<32768xf32, #tpu.memory_space<vmem>>)
    %parallel_loop3A = arith.constant 0 : i32
    %parallel_loop3A_93 = arith.constant 1024 : i32
    %parallel_loop3A_94 = arith.constant 16 : i32
    scf.for %parallel_loop3A_436 = %parallel_loop3A to %parallel_loop3A_93 step %parallel_loop3A_94  : i32 {
      %parallel_loop3A_437 = arith.addi %mul3A_32, %parallel_loop3A_436 : i32
      %parallel_loop3A_438 = arith.index_cast %parallel_loop3A_437 : i32 to index
      %parallel_loop3A_439 = tpu.vector_load %arg8[%parallel_loop3A_438] {strides = array<i32>} : memref<4096xi32, #tpu.memory_space<vmem>>, vector<16xi32>,
      %parallel_loop3A_440 = arith.constant 0 : i32
      %parallel_loop3A_441 = tpu.memref_slice %arg7[%parallel_loop3A_440] : memref<98304xf32, #tpu.memory_space<vmem>> -> memref<32768xf32, #tpu.memory_space<vmem>>
      %parallel_loop3A_442 = tpu.vector_load_idx %parallel_loop3A_441[%parallel_loop3A_439] : memref<32768xf32, #tpu.memory_space<vmem>>[vector<16xi32>], vector<16xf32>,
      %parallel_loop3A_443 = arith.constant 0 : i32
      %parallel_loop3A_444 = arith.index_cast %parallel_loop3A_443 : i32 to index
      %parallel_loop3A_445 = arith.index_cast %parallel_loop3A_436 : i32 to index
      %parallel_loop3A_446 = tpu.vector_load %arg9[%parallel_loop3A_444, %parallel_loop3A_445] {strides = array<i32>} : memref<2x4096xf32, #tpu.memory_space<vmem>>, vector<16xf32>,
      tpu.vector_store %arg9[%parallel_loop3A_444, %parallel_loop3A_445], %parallel_loop3A_442 {strides = array<i32>} : memref<2x4096xf32, #tpu.memory_space<vmem>>, vector<16xf32>,
    } {sc.loop_unroll_factor = 8 : i64, sc.parallel_access}
    %add3A_95 = arith.constant 0 : i32
    %add3A_96 = arith.addi %mul3A_34, %add3A_95 : i32
    %dma_start3A_97 = arith.constant 0 : i32
    %dma_start3A_98 = tpu.memref_slice %arg7[%dma_start3A_97] : memref<98304xf32, #tpu.memory_space<vmem>> -> memref<32768xf32, #tpu.memory_space<vmem>>
    %dma_start3A_99 = arith.constant 0 : i32
    %dma_start3A_100 = tpu.memref_slice %arg3[%select_n3A, %add3A_96, %dma_start3A_99] : memref<8x256x32768xf32, #tpu.memory_space<hbm>> -> memref<1x1x32768xf32, #tpu.memory_space<hbm>>
    %dma_start3A_101 = tpu.memref_squeeze %dma_start3A_100 : memref<1x1x32768xf32, #tpu.memory_space<hbm>> -> memref<32768xf32, #tpu.memory_space<hbm>>
    %dma_start3A_102 = arith.constant 0 : i32
    %dma_start3A_103 = tpu.memref_slice %arg7[%dma_start3A_102] : memref<98304xf32, #tpu.memory_space<vmem>> -> memref<32768xf32, #tpu.memory_space<vmem>>
    %dma_start3A_104 = arith.constant 0 : i32
    %dma_start3A_105 = tpu.memref_slice %arg3[%select_n3A, %add3A_96, %dma_start3A_104] : memref<8x256x32768xf32, #tpu.memory_space<hbm>> -> memref<1x1x32768xf32, #tpu.memory_space<hbm>>
    %dma_start3A_106 = tpu.memref_squeeze %dma_start3A_105 : memref<1x1x32768xf32, #tpu.memory_space<hbm>> -> memref<32768xf32, #tpu.memory_space<hbm>>
    tpu.enqueue_dma source(%dma_start3A_106 : memref<32768xf32, #tpu.memory_space<hbm>>) target(%dma_start3A_103 : memref<32768xf32, #tpu.memory_space<vmem>>) target_semaphore(%arg10 : memref<!tpu.dma_semaphore, #tpu.memory_space<semaphore_mem>>)
    %dma_start3A_107 = arith.constant 0 : i32
    %dma_start3A_108 = arith.constant 0 : i32
    %dma_start3A_109 = arith.constant 0 : i32
    %dma_start3A_110 = tpu.memref_slice %arg9[%dma_start3A_108, %dma_start3A_109] : memref<2x4096xf32, #tpu.memory_space<vmem>> -> memref<1x1024xf32, #tpu.memory_space<vmem>>
    %dma_start3A_111 = tpu.memref_slice %arg5[%dma_start3A_107, %select_n3A, %mul3A_32] : memref<3x8x4096xf32, #tpu.memory_space<hbm>> -> memref<1x1x1024xf32, #tpu.memory_space<hbm>>
    %dma_start3A_112 = tpu.memref_squeeze %dma_start3A_111 : memref<1x1x1024xf32, #tpu.memory_space<hbm>> -> memref<1x1024xf32, #tpu.memory_space<hbm>>
    %dma_start3A_113 = tpu.memref_slice %arg5[%dma_start3A_107, %select_n3A, %mul3A_32] : memref<3x8x4096xf32, #tpu.memory_space<hbm>> -> memref<1x1x1024xf32, #tpu.memory_space<hbm>>
    %dma_start3A_114 = tpu.memref_squeeze %dma_start3A_113 : memref<1x1x1024xf32, #tpu.memory_space<hbm>> -> memref<1x1024xf32, #tpu.memory_space<hbm>>
    %dma_start3A_115 = arith.constant 0 : i32
    %dma_start3A_116 = arith.constant 0 : i32
    %dma_start3A_117 = tpu.memref_slice %arg9[%dma_start3A_115, %dma_start3A_116] : memref<2x4096xf32, #tpu.memory_space<vmem>> -> memref<1x1024xf32, #tpu.memory_space<vmem>>
    tpu.enqueue_dma source(%dma_start3A_117 : memref<1x1024xf32, #tpu.memory_space<vmem>>) target(%dma_start3A_114 : memref<1x1024xf32, #tpu.memory_space<hbm>>) target_semaphore(%arg13 : memref<!tpu.dma_semaphore, #tpu.memory_space<semaphore_mem>>)
    %dma_wait3A_118 = arith.constant 0 : i32
    %dma_wait3A_119 = arith.constant 0 : i32
    %dma_wait3A_120 = arith.constant 0 : i32
    %dma_wait3A_121 = tpu.memref_slice %arg9[%dma_wait3A_119, %dma_wait3A_120] : memref<2x4096xf32, #tpu.memory_space<vmem>> -> memref<1x1024xf32, #tpu.memory_space<vmem>>
    %dma_wait3A_122 = tpu.memref_slice %arg5[%dma_wait3A_118, %select_n3A, %mul3A_32] : memref<3x8x4096xf32, #tpu.memory_space<hbm>> -> memref<1x1x1024xf32, #tpu.memory_space<hbm>>
    %dma_wait3A_123 = tpu.memref_squeeze %dma_wait3A_122 : memref<1x1x1024xf32, #tpu.memory_space<hbm>> -> memref<1x1024xf32, #tpu.memory_space<hbm>>
    %dma_wait3A_124 = tpu.memref_slice %arg5[%dma_wait3A_118, %select_n3A, %mul3A_32] : memref<3x8x4096xf32, #tpu.memory_space<hbm>> -> memref<1x1x1024xf32, #tpu.memory_space<hbm>>
    %dma_wait3A_125 = tpu.memref_squeeze %dma_wait3A_124 : memref<1x1x1024xf32, #tpu.memory_space<hbm>> -> memref<1x1024xf32, #tpu.memory_space<hbm>>
    %dma_wait3A_126 = arith.constant 0 : i32
    %dma_wait3A_127 = arith.constant 0 : i32
    %dma_wait3A_128 = tpu.memref_slice %arg9[%dma_wait3A_126, %dma_wait3A_127] : memref<2x4096xf32, #tpu.memory_space<vmem>> -> memref<1x1024xf32, #tpu.memory_space<vmem>>
    tpu.wait_dma2 semaphore(%arg13 : memref<!tpu.dma_semaphore, #tpu.memory_space<semaphore_mem>>) src(%dma_wait3A_128 : memref<1x1024xf32, #tpu.memory_space<vmem>>) dst(%dma_wait3A_125 : memref<1x1024xf32, #tpu.memory_space<hbm>>)
    %add3A_129 = arith.constant 8 : i32
    %add3A_130 = arith.addi %add3A_129, %select_n3A : i32
    %dma_wait3A_131 = arith.constant 32768 : i32
    %dma_wait3A_132 = tpu.memref_slice %arg7[%dma_wait3A_131] : memref<98304xf32, #tpu.memory_space<vmem>> -> memref<32768xf32, #tpu.memory_space<vmem>>
    %dma_wait3A_133 = arith.constant 0 : i32
    %dma_wait3A_134 = tpu.memref_slice %arg2[%add3A_130, %dma_wait3A_133] : memref<24x32768xf32, #tpu.memory_space<hbm>> -> memref<1x32768xf32, #tpu.memory_space<hbm>>
    %dma_wait3A_135 = tpu.memref_squeeze %dma_wait3A_134 : memref<1x32768xf32, #tpu.memory_space<hbm>> -> memref<32768xf32, #tpu.memory_space<hbm>>
    %dma_wait3A_136 = arith.constant 32768 : i32
    %dma_wait3A_137 = tpu.memref_slice %arg7[%dma_wait3A_136] : memref<98304xf32, #tpu.memory_space<vmem>> -> memref<32768xf32, #tpu.memory_space<vmem>>
    %dma_wait3A_138 = arith.constant 0 : i32
    %dma_wait3A_139 = tpu.memref_slice %arg2[%add3A_130, %dma_wait3A_138] : memref<24x32768xf32, #tpu.memory_space<hbm>> -> memref<1x32768xf32, #tpu.memory_space<hbm>>
    %dma_wait3A_140 = tpu.memref_squeeze %dma_wait3A_139 : memref<1x32768xf32, #tpu.memory_space<hbm>> -> memref<32768xf32, #tpu.memory_space<hbm>>
    tpu.wait_dma2 semaphore(%arg11 : memref<!tpu.dma_semaphore, #tpu.memory_space<semaphore_mem>>) src(%dma_wait3A_140 : memref<32768xf32, #tpu.memory_space<hbm>>) dst(%dma_wait3A_137 : memref<32768xf32, #tpu.memory_space<vmem>>)
    %parallel_loop3A_141 = arith.constant 0 : i32
    %parallel_loop3A_142 = arith.constant 1024 : i32
    %parallel_loop3A_143 = arith.constant 16 : i32
    scf.for %parallel_loop3A_436 = %parallel_loop3A_141 to %parallel_loop3A_142 step %parallel_loop3A_143  : i32 {
      %parallel_loop3A_437 = arith.addi %mul3A_32, %parallel_loop3A_436 : i32
      %parallel_loop3A_438 = arith.index_cast %parallel_loop3A_437 : i32 to index
      %parallel_loop3A_439 = tpu.vector_load %arg8[%parallel_loop3A_438] {strides = array<i32>} : memref<4096xi32, #tpu.memory_space<vmem>>, vector<16xi32>,
      %parallel_loop3A_440 = arith.constant 32768 : i32
      %parallel_loop3A_441 = tpu.memref_slice %arg7[%parallel_loop3A_440] : memref<98304xf32, #tpu.memory_space<vmem>> -> memref<32768xf32, #tpu.memory_space<vmem>>
      %parallel_loop3A_442 = tpu.vector_load_idx %parallel_loop3A_441[%parallel_loop3A_439] : memref<32768xf32, #tpu.memory_space<vmem>>[vector<16xi32>], vector<16xf32>,
      %parallel_loop3A_443 = arith.constant 0 : i32
      %parallel_loop3A_444 = arith.index_cast %parallel_loop3A_443 : i32 to index
      %parallel_loop3A_445 = arith.index_cast %parallel_loop3A_436 : i32 to index
      %parallel_loop3A_446 = tpu.vector_load %arg9[%parallel_loop3A_444, %parallel_loop3A_445] {strides = array<i32>} : memref<2x4096xf32, #tpu.memory_space<vmem>>, vector<16xf32>,
      tpu.vector_store %arg9[%parallel_loop3A_444, %parallel_loop3A_445], %parallel_loop3A_442 {strides = array<i32>} : memref<2x4096xf32, #tpu.memory_space<vmem>>, vector<16xf32>,
    } {sc.loop_unroll_factor = 8 : i64, sc.parallel_access}
    %add3A_144 = arith.constant 1 : i32
    %add3A_145 = arith.addi %mul3A_34, %add3A_144 : i32
    %dma_start3A_146 = arith.constant 32768 : i32
    %dma_start3A_147 = tpu.memref_slice %arg7[%dma_start3A_146] : memref<98304xf32, #tpu.memory_space<vmem>> -> memref<32768xf32, #tpu.memory_space<vmem>>
    %dma_start3A_148 = arith.constant 0 : i32
    %dma_start3A_149 = tpu.memref_slice %arg3[%select_n3A, %add3A_145, %dma_start3A_148] : memref<8x256x32768xf32, #tpu.memory_space<hbm>> -> memref<1x1x32768xf32, #tpu.memory_space<hbm>>
    %dma_start3A_150 = tpu.memref_squeeze %dma_start3A_149 : memref<1x1x32768xf32, #tpu.memory_space<hbm>> -> memref<32768xf32, #tpu.memory_space<hbm>>
    %dma_start3A_151 = arith.constant 32768 : i32
    %dma_start3A_152 = tpu.memref_slice %arg7[%dma_start3A_151] : memref<98304xf32, #tpu.memory_space<vmem>> -> memref<32768xf32, #tpu.memory_space<vmem>>
    %dma_start3A_153 = arith.constant 0 : i32
    %dma_start3A_154 = tpu.memref_slice %arg3[%select_n3A, %add3A_145, %dma_start3A_153] : memref<8x256x32768xf32, #tpu.memory_space<hbm>> -> memref<1x1x32768xf32, #tpu.memory_space<hbm>>
    %dma_start3A_155 = tpu.memref_squeeze %dma_start3A_154 : memref<1x1x32768xf32, #tpu.memory_space<hbm>> -> memref<32768xf32, #tpu.memory_space<hbm>>
    tpu.enqueue_dma source(%dma_start3A_155 : memref<32768xf32, #tpu.memory_space<hbm>>) target(%dma_start3A_152 : memref<32768xf32, #tpu.memory_space<vmem>>) target_semaphore(%arg11 : memref<!tpu.dma_semaphore, #tpu.memory_space<semaphore_mem>>)
    %dma_start3A_156 = arith.constant 1 : i32
    %dma_start3A_157 = arith.constant 0 : i32
    %dma_start3A_158 = arith.constant 0 : i32
    %dma_start3A_159 = tpu.memref_slice %arg9[%dma_start3A_157, %dma_start3A_158] : memref<2x4096xf32, #tpu.memory_space<vmem>> -> memref<1x1024xf32, #tpu.memory_space<vmem>>
    %dma_start3A_160 = tpu.memref_slice %arg5[%dma_start3A_156, %select_n3A, %mul3A_32] : memref<3x8x4096xf32, #tpu.memory_space<hbm>> -> memref<1x1x1024xf32, #tpu.memory_space<hbm>>
    %dma_start3A_161 = tpu.memref_squeeze %dma_start3A_160 : memref<1x1x1024xf32, #tpu.memory_space<hbm>> -> memref<1x1024xf32, #tpu.memory_space<hbm>>
    %dma_start3A_162 = tpu.memref_slice %arg5[%dma_start3A_156, %select_n3A, %mul3A_32] : memref<3x8x4096xf32, #tpu.memory_space<hbm>> -> memref<1x1x1024xf32, #tpu.memory_space<hbm>>
    %dma_start3A_163 = tpu.memref_squeeze %dma_start3A_162 : memref<1x1x1024xf32, #tpu.memory_space<hbm>> -> memref<1x1024xf32, #tpu.memory_space<hbm>>
    %dma_start3A_164 = arith.constant 0 : i32
    %dma_start3A_165 = arith.constant 0 : i32
    %dma_start3A_166 = tpu.memref_slice %arg9[%dma_start3A_164, %dma_start3A_165] : memref<2x4096xf32, #tpu.memory_space<vmem>> -> memref<1x1024xf32, #tpu.memory_space<vmem>>
    tpu.enqueue_dma source(%dma_start3A_166 : memref<1x1024xf32, #tpu.memory_space<vmem>>) target(%dma_start3A_163 : memref<1x1024xf32, #tpu.memory_space<hbm>>) target_semaphore(%arg13 : memref<!tpu.dma_semaphore, #tpu.memory_space<semaphore_mem>>)
    %dma_wait3A_167 = arith.constant 1 : i32
    %dma_wait3A_168 = arith.constant 0 : i32
    %dma_wait3A_169 = arith.constant 0 : i32
    %dma_wait3A_170 = tpu.memref_slice %arg9[%dma_wait3A_168, %dma_wait3A_169] : memref<2x4096xf32, #tpu.memory_space<vmem>> -> memref<1x1024xf32, #tpu.memory_space<vmem>>
    %dma_wait3A_171 = tpu.memref_slice %arg5[%dma_wait3A_167, %select_n3A, %mul3A_32] : memref<3x8x4096xf32, #tpu.memory_space<hbm>> -> memref<1x1x1024xf32, #tpu.memory_space<hbm>>
    %dma_wait3A_172 = tpu.memref_squeeze %dma_wait3A_171 : memref<1x1x1024xf32, #tpu.memory_space<hbm>> -> memref<1x1024xf32, #tpu.memory_space<hbm>>
    %dma_wait3A_173 = tpu.memref_slice %arg5[%dma_wait3A_167, %select_n3A, %mul3A_32] : memref<3x8x4096xf32, #tpu.memory_space<hbm>> -> memref<1x1x1024xf32, #tpu.memory_space<hbm>>
    %dma_wait3A_174 = tpu.memref_squeeze %dma_wait3A_173 : memref<1x1x1024xf32, #tpu.memory_space<hbm>> -> memref<1x1024xf32, #tpu.memory_space<hbm>>
    %dma_wait3A_175 = arith.constant 0 : i32
    %dma_wait3A_176 = arith.constant 0 : i32
    %dma_wait3A_177 = tpu.memref_slice %arg9[%dma_wait3A_175, %dma_wait3A_176] : memref<2x4096xf32, #tpu.memory_space<vmem>> -> memref<1x1024xf32, #tpu.memory_space<vmem>>
    tpu.wait_dma2 semaphore(%arg13 : memref<!tpu.dma_semaphore, #tpu.memory_space<semaphore_mem>>) src(%dma_wait3A_177 : memref<1x1024xf32, #tpu.memory_space<vmem>>) dst(%dma_wait3A_174 : memref<1x1024xf32, #tpu.memory_space<hbm>>)
    %add3A_178 = arith.constant 16 : i32
    %add3A_179 = arith.addi %add3A_178, %select_n3A : i32
    %dma_wait3A_180 = arith.constant 65536 : i32
    %dma_wait3A_181 = tpu.memref_slice %arg7[%dma_wait3A_180] : memref<98304xf32, #tpu.memory_space<vmem>> -> memref<32768xf32, #tpu.memory_space<vmem>>
    %dma_wait3A_182 = arith.constant 0 : i32
    %dma_wait3A_183 = tpu.memref_slice %arg2[%add3A_179, %dma_wait3A_182] : memref<24x32768xf32, #tpu.memory_space<hbm>> -> memref<1x32768xf32, #tpu.memory_space<hbm>>
    %dma_wait3A_184 = tpu.memref_squeeze %dma_wait3A_183 : memref<1x32768xf32, #tpu.memory_space<hbm>> -> memref<32768xf32, #tpu.memory_space<hbm>>
    %dma_wait3A_185 = arith.constant 65536 : i32
    %dma_wait3A_186 = tpu.memref_slice %arg7[%dma_wait3A_185] : memref<98304xf32, #tpu.memory_space<vmem>> -> memref<32768xf32, #tpu.memory_space<vmem>>
    %dma_wait3A_187 = arith.constant 0 : i32
    %dma_wait3A_188 = tpu.memref_slice %arg2[%add3A_179, %dma_wait3A_187] : memref<24x32768xf32, #tpu.memory_space<hbm>> -> memref<1x32768xf32, #tpu.memory_space<hbm>>
    %dma_wait3A_189 = tpu.memref_squeeze %dma_wait3A_188 : memref<1x32768xf32, #tpu.memory_space<hbm>> -> memref<32768xf32, #tpu.memory_space<hbm>>
    tpu.wait_dma2 semaphore(%arg12 : memref<!tpu.dma_semaphore, #tpu.memory_space<semaphore_mem>>) src(%dma_wait3A_189 : memref<32768xf32, #tpu.memory_space<hbm>>) dst(%dma_wait3A_186 : memref<32768xf32, #tpu.memory_space<vmem>>)
    %parallel_loop3A_190 = arith.constant 0 : i32
    %parallel_loop3A_191 = arith.constant 1024 : i32
    %parallel_loop3A_192 = arith.constant 16 : i32
    scf.for %parallel_loop3A_436 = %parallel_loop3A_190 to %parallel_loop3A_191 step %parallel_loop3A_192  : i32 {
      %parallel_loop3A_437 = arith.addi %mul3A_32, %parallel_loop3A_436 : i32
      %parallel_loop3A_438 = arith.index_cast %parallel_loop3A_437 : i32 to index
      %parallel_loop3A_439 = tpu.vector_load %arg8[%parallel_loop3A_438] {strides = array<i32>} : memref<4096xi32, #tpu.memory_space<vmem>>, vector<16xi32>,
      %parallel_loop3A_440 = arith.constant 65536 : i32
      %parallel_loop3A_441 = tpu.memref_slice %arg7[%parallel_loop3A_440] : memref<98304xf32, #tpu.memory_space<vmem>> -> memref<32768xf32, #tpu.memory_space<vmem>>
      %parallel_loop3A_442 = tpu.vector_load_idx %parallel_loop3A_441[%parallel_loop3A_439] : memref<32768xf32, #tpu.memory_space<vmem>>[vector<16xi32>], vector<16xf32>,
      %parallel_loop3A_443 = arith.constant 0 : i32
      %parallel_loop3A_444 = arith.index_cast %parallel_loop3A_443 : i32 to index
      %parallel_loop3A_445 = arith.index_cast %parallel_loop3A_436 : i32 to index
      %parallel_loop3A_446 = tpu.vector_load %arg9[%parallel_loop3A_444, %parallel_loop3A_445] {strides = array<i32>} : memref<2x4096xf32, #tpu.memory_space<vmem>>, vector<16xf32>,
      tpu.vector_store %arg9[%parallel_loop3A_444, %parallel_loop3A_445], %parallel_loop3A_442 {strides = array<i32>} : memref<2x4096xf32, #tpu.memory_space<vmem>>, vector<16xf32>,
    } {sc.loop_unroll_factor = 8 : i64, sc.parallel_access}
    %add3A_193 = arith.constant 2 : i32
    %add3A_194 = arith.addi %mul3A_34, %add3A_193 : i32
    %dma_start3A_195 = arith.constant 65536 : i32
    %dma_start3A_196 = tpu.memref_slice %arg7[%dma_start3A_195] : memref<98304xf32, #tpu.memory_space<vmem>> -> memref<32768xf32, #tpu.memory_space<vmem>>
    %dma_start3A_197 = arith.constant 0 : i32
    %dma_start3A_198 = tpu.memref_slice %arg3[%select_n3A, %add3A_194, %dma_start3A_197] : memref<8x256x32768xf32, #tpu.memory_space<hbm>> -> memref<1x1x32768xf32, #tpu.memory_space<hbm>>
    %dma_start3A_199 = tpu.memref_squeeze %dma_start3A_198 : memref<1x1x32768xf32, #tpu.memory_space<hbm>> -> memref<32768xf32, #tpu.memory_space<hbm>>
    %dma_start3A_200 = arith.constant 65536 : i32
    %dma_start3A_201 = tpu.memref_slice %arg7[%dma_start3A_200] : memref<98304xf32, #tpu.memory_space<vmem>> -> memref<32768xf32, #tpu.memory_space<vmem>>
    %dma_start3A_202 = arith.constant 0 : i32
    %dma_start3A_203 = tpu.memref_slice %arg3[%select_n3A, %add3A_194, %dma_start3A_202] : memref<8x256x32768xf32, #tpu.memory_space<hbm>> -> memref<1x1x32768xf32, #tpu.memory_space<hbm>>
    %dma_start3A_204 = tpu.memref_squeeze %dma_start3A_203 : memref<1x1x32768xf32, #tpu.memory_space<hbm>> -> memref<32768xf32, #tpu.memory_space<hbm>>
    tpu.enqueue_dma source(%dma_start3A_204 : memref<32768xf32, #tpu.memory_space<hbm>>) target(%dma_start3A_201 : memref<32768xf32, #tpu.memory_space<vmem>>) target_semaphore(%arg12 : memref<!tpu.dma_semaphore, #tpu.memory_space<semaphore_mem>>)
    %dma_start3A_205 = arith.constant 2 : i32
    %dma_start3A_206 = arith.constant 0 : i32
    %dma_start3A_207 = arith.constant 0 : i32
    %dma_start3A_208 = tpu.memref_slice %arg9[%dma_start3A_206, %dma_start3A_207] : memref<2x4096xf32, #tpu.memory_space<vmem>> -> memref<1x1024xf32, #tpu.memory_space<vmem>>
    %dma_start3A_209 = tpu.memref_slice %arg5[%dma_start3A_205, %select_n3A, %mul3A_32] : memref<3x8x4096xf32, #tpu.memory_space<hbm>> -> memref<1x1x1024xf32, #tpu.memory_space<hbm>>
    %dma_start3A_210 = tpu.memref_squeeze %dma_start3A_209 : memref<1x1x1024xf32, #tpu.memory_space<hbm>> -> memref<1x1024xf32, #tpu.memory_space<hbm>>
    %dma_start3A_211 = tpu.memref_slice %arg5[%dma_start3A_205, %select_n3A, %mul3A_32] : memref<3x8x4096xf32, #tpu.memory_space<hbm>> -> memref<1x1x1024xf32, #tpu.memory_space<hbm>>
    %dma_start3A_212 = tpu.memref_squeeze %dma_start3A_211 : memref<1x1x1024xf32, #tpu.memory_space<hbm>> -> memref<1x1024xf32, #tpu.memory_space<hbm>>
    %dma_start3A_213 = arith.constant 0 : i32
    %dma_start3A_214 = arith.constant 0 : i32
    %dma_start3A_215 = tpu.memref_slice %arg9[%dma_start3A_213, %dma_start3A_214] : memref<2x4096xf32, #tpu.memory_space<vmem>> -> memref<1x1024xf32, #tpu.memory_space<vmem>>
    tpu.enqueue_dma source(%dma_start3A_215 : memref<1x1024xf32, #tpu.memory_space<vmem>>) target(%dma_start3A_212 : memref<1x1024xf32, #tpu.memory_space<hbm>>) target_semaphore(%arg13 : memref<!tpu.dma_semaphore, #tpu.memory_space<semaphore_mem>>)
    %dma_wait3A_216 = arith.constant 2 : i32
    %dma_wait3A_217 = arith.constant 0 : i32
    %dma_wait3A_218 = arith.constant 0 : i32
    %dma_wait3A_219 = tpu.memref_slice %arg9[%dma_wait3A_217, %dma_wait3A_218] : memref<2x4096xf32, #tpu.memory_space<vmem>> -> memref<1x1024xf32, #tpu.memory_space<vmem>>
    %dma_wait3A_220 = tpu.memref_slice %arg5[%dma_wait3A_216, %select_n3A, %mul3A_32] : memref<3x8x4096xf32, #tpu.memory_space<hbm>> -> memref<1x1x1024xf32, #tpu.memory_space<hbm>>
    %dma_wait3A_221 = tpu.memref_squeeze %dma_wait3A_220 : memref<1x1x1024xf32, #tpu.memory_space<hbm>> -> memref<1x1024xf32, #tpu.memory_space<hbm>>
    %dma_wait3A_222 = tpu.memref_slice %arg5[%dma_wait3A_216, %select_n3A, %mul3A_32] : memref<3x8x4096xf32, #tpu.memory_space<hbm>> -> memref<1x1x1024xf32, #tpu.memory_space<hbm>>
    %dma_wait3A_223 = tpu.memref_squeeze %dma_wait3A_222 : memref<1x1x1024xf32, #tpu.memory_space<hbm>> -> memref<1x1024xf32, #tpu.memory_space<hbm>>
    %dma_wait3A_224 = arith.constant 0 : i32
    %dma_wait3A_225 = arith.constant 0 : i32
    %dma_wait3A_226 = tpu.memref_slice %arg9[%dma_wait3A_224, %dma_wait3A_225] : memref<2x4096xf32, #tpu.memory_space<vmem>> -> memref<1x1024xf32, #tpu.memory_space<vmem>>
    tpu.wait_dma2 semaphore(%arg13 : memref<!tpu.dma_semaphore, #tpu.memory_space<semaphore_mem>>) src(%dma_wait3A_226 : memref<1x1024xf32, #tpu.memory_space<vmem>>) dst(%dma_wait3A_223 : memref<1x1024xf32, #tpu.memory_space<hbm>>)
    %scan3A = arith.constant 0 : i32
    %scan3A_227 = arith.constant 0 : i32
    %scan3A_228 = arith.constant 10 : i32
    %scan3A_229 = arith.addi %scan3A_227, %scan3A_228 : i32
    %scan3A_230 = arith.constant 1 : i32
    scf.for %scan3A_436 = %scan3A_227 to %scan3A_229 step %scan3A_230  : i32 {
      %mul3A_437 = arith.constant 6 : i32
      %mul3A_438 = arith.muli %scan3A_436, %mul3A_437 : i32
      %add3A_439 = arith.constant 0 : i32
      %add3A_440 = arith.addi %mul3A_438, %add3A_439 : i32
      %dma_wait3A_441 = arith.constant 0 : i32
      %dma_wait3A_442 = tpu.memref_slice %arg7[%dma_wait3A_441] : memref<98304xf32, #tpu.memory_space<vmem>> -> memref<32768xf32, #tpu.memory_space<vmem>>
      %dma_wait3A_443 = arith.constant 0 : i32
      %dma_wait3A_444 = tpu.memref_slice %arg3[%select_n3A, %mul3A_34, %dma_wait3A_443] : memref<8x256x32768xf32, #tpu.memory_space<hbm>> -> memref<1x1x32768xf32, #tpu.memory_space<hbm>>
      %dma_wait3A_445 = tpu.memref_squeeze %dma_wait3A_444 : memref<1x1x32768xf32, #tpu.memory_space<hbm>> -> memref<32768xf32, #tpu.memory_space<hbm>>
      %dma_wait3A_446 = arith.constant 0 : i32
      %dma_wait3A_447 = tpu.memref_slice %arg7[%dma_wait3A_446] : memref<98304xf32, #tpu.memory_space<vmem>> -> memref<32768xf32, #tpu.memory_space<vmem>>
      %dma_wait3A_448 = arith.constant 0 : i32
      %dma_wait3A_449 = tpu.memref_slice %arg3[%select_n3A, %mul3A_34, %dma_wait3A_448] : memref<8x256x32768xf32, #tpu.memory_space<hbm>> -> memref<1x1x32768xf32, #tpu.memory_space<hbm>>
      %dma_wait3A_450 = tpu.memref_squeeze %dma_wait3A_449 : memref<1x1x32768xf32, #tpu.memory_space<hbm>> -> memref<32768xf32, #tpu.memory_space<hbm>>
      tpu.wait_dma2 semaphore(%arg10 : memref<!tpu.dma_semaphore, #tpu.memory_space<semaphore_mem>>) src(%dma_wait3A_450 : memref<32768xf32, #tpu.memory_space<hbm>>) dst(%dma_wait3A_447 : memref<32768xf32, #tpu.memory_space<vmem>>)
      %ge3A = arith.constant 2 : i32
      %ge3A_451 = arith.cmpi sge, %add3A_440, %ge3A : i32
      %convert_element_type3A = arith.extui %ge3A_451 : i1 to i32
      %cond3A = arith.constant 0 : i32
      %cond3A_452 = arith.cmpi ne, %convert_element_type3A, %cond3A : i32
      scf.if %cond3A_452 {
        %dma_wait3A_682 = arith.constant 0 : i32
        %dma_wait3A_683 = arith.constant 0 : i32
        %dma_wait3A_684 = tpu.memref_slice %arg9[%dma_wait3A_682, %dma_wait3A_683] : memref<2x4096xf32, #tpu.memory_space<vmem>> -> memref<1x4096xf32, #tpu.memory_space<vmem>>
        %dma_wait3A_685 = tpu.memref_squeeze %dma_wait3A_684 : memref<1x4096xf32, #tpu.memory_space<vmem>> -> memref<4096xf32, #tpu.memory_space<vmem>>
        %dma_wait3A_686 = arith.constant 0 : i32
        %dma_wait3A_687 = tpu.memref_slice %arg6[%select_n3A, %mul3A_34, %dma_wait3A_686] : memref<8x256x4096xf32, #tpu.memory_space<hbm>> -> memref<1x1x4096xf32, #tpu.memory_space<hbm>>
        %dma_wait3A_688 = tpu.memref_squeeze %dma_wait3A_687 : memref<1x1x4096xf32, #tpu.memory_space<hbm>> -> memref<4096xf32, #tpu.memory_space<hbm>>
        %dma_wait3A_689 = arith.constant 0 : i32
        %dma_wait3A_690 = tpu.memref_slice %arg6[%select_n3A, %mul3A_34, %dma_wait3A_689] : memref<8x256x4096xf32, #tpu.memory_space<hbm>> -> memref<1x1x4096xf32, #tpu.memory_space<hbm>>
        %dma_wait3A_691 = tpu.memref_squeeze %dma_wait3A_690 : memref<1x1x4096xf32, #tpu.memory_space<hbm>> -> memref<4096xf32, #tpu.memory_space<hbm>>
        %dma_wait3A_692 = arith.constant 0 : i32
        %dma_wait3A_693 = tpu.memref_slice %arg9[%dma_wait3A_682, %dma_wait3A_692] : memref<2x4096xf32, #tpu.memory_space<vmem>> -> memref<1x4096xf32, #tpu.memory_space<vmem>>
        %dma_wait3A_694 = tpu.memref_squeeze %dma_wait3A_693 : memref<1x4096xf32, #tpu.memory_space<vmem>> -> memref<4096xf32, #tpu.memory_space<vmem>>
        tpu.wait_dma2 semaphore(%arg13 : memref<!tpu.dma_semaphore, #tpu.memory_space<semaphore_mem>>) src(%dma_wait3A_694 : memref<4096xf32, #tpu.memory_space<vmem>>) dst(%dma_wait3A_691 : memref<4096xf32, #tpu.memory_space<hbm>>)
      } else {
      }
      %parallel_loop3A_453 = arith.constant 0 : i32
      %parallel_loop3A_454 = arith.constant 4096 : i32
      %parallel_loop3A_455 = arith.constant 16 : i32
      scf.for %parallel_loop3A_682 = %parallel_loop3A_453 to %parallel_loop3A_454 step %parallel_loop3A_455  : i32 {
        %parallel_loop3A_683 = arith.index_cast %parallel_loop3A_682 : i32 to index
        %parallel_loop3A_684 = tpu.vector_load %arg8[%parallel_loop3A_683] {strides = array<i32>} : memref<4096xi32, #tpu.memory_space<vmem>>, vector<16xi32>,
        %parallel_loop3A_685 = arith.constant 0 : i32
        %parallel_loop3A_686 = tpu.memref_slice %arg7[%parallel_loop3A_685] : memref<98304xf32, #tpu.memory_space<vmem>> -> memref<32768xf32, #tpu.memory_space<vmem>>
        %parallel_loop3A_687 = tpu.vector_load_idx %parallel_loop3A_686[%parallel_loop3A_684] : memref<32768xf32, #tpu.memory_space<vmem>>[vector<16xi32>], vector<16xf32>,
        %parallel_loop3A_688 = arith.constant 0 : i32
        %parallel_loop3A_689 = arith.index_cast %parallel_loop3A_688 : i32 to index
        %parallel_loop3A_690 = arith.index_cast %parallel_loop3A_682 : i32 to index
        %parallel_loop3A_691 = tpu.vector_load %arg9[%parallel_loop3A_689, %parallel_loop3A_690] {strides = array<i32>} : memref<2x4096xf32, #tpu.memory_space<vmem>>, vector<16xf32>,
        tpu.vector_store %arg9[%parallel_loop3A_689, %parallel_loop3A_690], %parallel_loop3A_687 {strides = array<i32>} : memref<2x4096xf32, #tpu.memory_space<vmem>>, vector<16xf32>,
      } {sc.loop_unroll_factor = 8 : i64, sc.parallel_access}
      %add3A_456 = arith.constant 3 : i32
      %add3A_457 = arith.addi %add3A_440, %add3A_456 : i32
      %lt3A_458 = arith.constant 64 : i32
      %lt3A_459 = arith.cmpi slt, %add3A_457, %lt3A_458 : i32
      %convert_element_type3A_460 = arith.extui %lt3A_459 : i1 to i32
      %cond3A_461 = arith.constant 0 : i32
      %cond3A_462 = arith.cmpi ne, %convert_element_type3A_460, %cond3A_461 : i32
      scf.if %cond3A_462 {
        %add3A_682 = arith.addi %mul3A_34, %add3A_440 : i32
        %add3A_683 = arith.constant 3 : i32
        %add3A_684 = arith.addi %add3A_682, %add3A_683 : i32
        %dma_start3A_685 = arith.constant 0 : i32
        %dma_start3A_686 = tpu.memref_slice %arg7[%dma_start3A_685] : memref<98304xf32, #tpu.memory_space<vmem>> -> memref<32768xf32, #tpu.memory_space<vmem>>
        %dma_start3A_687 = arith.constant 0 : i32
        %dma_start3A_688 = tpu.memref_slice %arg3[%select_n3A, %add3A_684, %dma_start3A_687] : memref<8x256x32768xf32, #tpu.memory_space<hbm>> -> memref<1x1x32768xf32, #tpu.memory_space<hbm>>
        %dma_start3A_689 = tpu.memref_squeeze %dma_start3A_688 : memref<1x1x32768xf32, #tpu.memory_space<hbm>> -> memref<32768xf32, #tpu.memory_space<hbm>>
        %dma_start3A_690 = arith.constant 0 : i32
        %dma_start3A_691 = tpu.memref_slice %arg7[%dma_start3A_690] : memref<98304xf32, #tpu.memory_space<vmem>> -> memref<32768xf32, #tpu.memory_space<vmem>>
        %dma_start3A_692 = arith.constant 0 : i32
        %dma_start3A_693 = tpu.memref_slice %arg3[%select_n3A, %add3A_684, %dma_start3A_692] : memref<8x256x32768xf32, #tpu.memory_space<hbm>> -> memref<1x1x32768xf32, #tpu.memory_space<hbm>>
        %dma_start3A_694 = tpu.memref_squeeze %dma_start3A_693 : memref<1x1x32768xf32, #tpu.memory_space<hbm>> -> memref<32768xf32, #tpu.memory_space<hbm>>
        tpu.enqueue_dma source(%dma_start3A_694 : memref<32768xf32, #tpu.memory_space<hbm>>) target(%dma_start3A_691 : memref<32768xf32, #tpu.memory_space<vmem>>) target_semaphore(%arg10 : memref<!tpu.dma_semaphore, #tpu.memory_space<semaphore_mem>>)
      } else {
      }
      %add3A_463 = arith.addi %mul3A_34, %add3A_440 : i32
      %dma_start3A_464 = arith.constant 0 : i32
      %dma_start3A_465 = arith.constant 0 : i32
      %dma_start3A_466 = tpu.memref_slice %arg9[%dma_start3A_464, %dma_start3A_465] : memref<2x4096xf32, #tpu.memory_space<vmem>> -> memref<1x4096xf32, #tpu.memory_space<vmem>>
      %dma_start3A_467 = tpu.memref_squeeze %dma_start3A_466 : memref<1x4096xf32, #tpu.memory_space<vmem>> -> memref<4096xf32, #tpu.memory_space<vmem>>
      %dma_start3A_468 = arith.constant 0 : i32
      %dma_start3A_469 = tpu.memref_slice %arg6[%select_n3A, %add3A_463, %dma_start3A_468] : memref<8x256x4096xf32, #tpu.memory_space<hbm>> -> memref<1x1x4096xf32, #tpu.memory_space<hbm>>
      %dma_start3A_470 = tpu.memref_squeeze %dma_start3A_469 : memref<1x1x4096xf32, #tpu.memory_space<hbm>> -> memref<4096xf32, #tpu.memory_space<hbm>>
      %dma_start3A_471 = arith.constant 0 : i32
      %dma_start3A_472 = tpu.memref_slice %arg6[%select_n3A, %add3A_463, %dma_start3A_471] : memref<8x256x4096xf32, #tpu.memory_space<hbm>> -> memref<1x1x4096xf32, #tpu.memory_space<hbm>>
      %dma_start3A_473 = tpu.memref_squeeze %dma_start3A_472 : memref<1x1x4096xf32, #tpu.memory_space<hbm>> -> memref<4096xf32, #tpu.memory_space<hbm>>
      %dma_start3A_474 = arith.constant 0 : i32
      %dma_start3A_475 = tpu.memref_slice %arg9[%dma_start3A_464, %dma_start3A_474] : memref<2x4096xf32, #tpu.memory_space<vmem>> -> memref<1x4096xf32, #tpu.memory_space<vmem>>
      %dma_start3A_476 = tpu.memref_squeeze %dma_start3A_475 : memref<1x4096xf32, #tpu.memory_space<vmem>> -> memref<4096xf32, #tpu.memory_space<vmem>>
      tpu.enqueue_dma source(%dma_start3A_476 : memref<4096xf32, #tpu.memory_space<vmem>>) target(%dma_start3A_473 : memref<4096xf32, #tpu.memory_space<hbm>>) target_semaphore(%arg13 : memref<!tpu.dma_semaphore, #tpu.memory_space<semaphore_mem>>)
      %add3A_477 = arith.constant 1 : i32
      %add3A_478 = arith.addi %mul3A_438, %add3A_477 : i32
      %dma_wait3A_479 = arith.constant 32768 : i32
      %dma_wait3A_480 = tpu.memref_slice %arg7[%dma_wait3A_479] : memref<98304xf32, #tpu.memory_space<vmem>> -> memref<32768xf32, #tpu.memory_space<vmem>>
      %dma_wait3A_481 = arith.constant 0 : i32
      %dma_wait3A_482 = tpu.memref_slice %arg3[%select_n3A, %mul3A_34, %dma_wait3A_481] : memref<8x256x32768xf32, #tpu.memory_space<hbm>> -> memref<1x1x32768xf32, #tpu.memory_space<hbm>>
      %dma_wait3A_483 = tpu.memref_squeeze %dma_wait3A_482 : memref<1x1x32768xf32, #tpu.memory_space<hbm>> -> memref<32768xf32, #tpu.memory_space<hbm>>
      %dma_wait3A_484 = arith.constant 32768 : i32
      %dma_wait3A_485 = tpu.memref_slice %arg7[%dma_wait3A_484] : memref<98304xf32, #tpu.memory_space<vmem>> -> memref<32768xf32, #tpu.memory_space<vmem>>
      %dma_wait3A_486 = arith.constant 0 : i32
      %dma_wait3A_487 = tpu.memref_slice %arg3[%select_n3A, %mul3A_34, %dma_wait3A_486] : memref<8x256x32768xf32, #tpu.memory_space<hbm>> -> memref<1x1x32768xf32, #tpu.memory_space<hbm>>
      %dma_wait3A_488 = tpu.memref_squeeze %dma_wait3A_487 : memref<1x1x32768xf32, #tpu.memory_space<hbm>> -> memref<32768xf32, #tpu.memory_space<hbm>>
      tpu.wait_dma2 semaphore(%arg11 : memref<!tpu.dma_semaphore, #tpu.memory_space<semaphore_mem>>) src(%dma_wait3A_488 : memref<32768xf32, #tpu.memory_space<hbm>>) dst(%dma_wait3A_485 : memref<32768xf32, #tpu.memory_space<vmem>>)
      %ge3A_489 = arith.constant 2 : i32
      %ge3A_490 = arith.cmpi sge, %add3A_478, %ge3A_489 : i32
      %convert_element_type3A_491 = arith.extui %ge3A_490 : i1 to i32
      %cond3A_492 = arith.constant 0 : i32
      %cond3A_493 = arith.cmpi ne, %convert_element_type3A_491, %cond3A_492 : i32
      scf.if %cond3A_493 {
        %dma_wait3A_682 = arith.constant 1 : i32
        %dma_wait3A_683 = arith.constant 0 : i32
        %dma_wait3A_684 = tpu.memref_slice %arg9[%dma_wait3A_682, %dma_wait3A_683] : memref<2x4096xf32, #tpu.memory_space<vmem>> -> memref<1x4096xf32, #tpu.memory_space<vmem>>
        %dma_wait3A_685 = tpu.memref_squeeze %dma_wait3A_684 : memref<1x4096xf32, #tpu.memory_space<vmem>> -> memref<4096xf32, #tpu.memory_space<vmem>>
        %dma_wait3A_686 = arith.constant 0 : i32
        %dma_wait3A_687 = tpu.memref_slice %arg6[%select_n3A, %mul3A_34, %dma_wait3A_686] : memref<8x256x4096xf32, #tpu.memory_space<hbm>> -> memref<1x1x4096xf32, #tpu.memory_space<hbm>>
        %dma_wait3A_688 = tpu.memref_squeeze %dma_wait3A_687 : memref<1x1x4096xf32, #tpu.memory_space<hbm>> -> memref<4096xf32, #tpu.memory_space<hbm>>
        %dma_wait3A_689 = arith.constant 0 : i32
        %dma_wait3A_690 = tpu.memref_slice %arg6[%select_n3A, %mul3A_34, %dma_wait3A_689] : memref<8x256x4096xf32, #tpu.memory_space<hbm>> -> memref<1x1x4096xf32, #tpu.memory_space<hbm>>
        %dma_wait3A_691 = tpu.memref_squeeze %dma_wait3A_690 : memref<1x1x4096xf32, #tpu.memory_space<hbm>> -> memref<4096xf32, #tpu.memory_space<hbm>>
        %dma_wait3A_692 = arith.constant 0 : i32
        %dma_wait3A_693 = tpu.memref_slice %arg9[%dma_wait3A_682, %dma_wait3A_692] : memref<2x4096xf32, #tpu.memory_space<vmem>> -> memref<1x4096xf32, #tpu.memory_space<vmem>>
        %dma_wait3A_694 = tpu.memref_squeeze %dma_wait3A_693 : memref<1x4096xf32, #tpu.memory_space<vmem>> -> memref<4096xf32, #tpu.memory_space<vmem>>
        tpu.wait_dma2 semaphore(%arg14 : memref<!tpu.dma_semaphore, #tpu.memory_space<semaphore_mem>>) src(%dma_wait3A_694 : memref<4096xf32, #tpu.memory_space<vmem>>) dst(%dma_wait3A_691 : memref<4096xf32, #tpu.memory_space<hbm>>)
      } else {
      }
      %parallel_loop3A_494 = arith.constant 0 : i32
      %parallel_loop3A_495 = arith.constant 4096 : i32
      %parallel_loop3A_496 = arith.constant 16 : i32
      scf.for %parallel_loop3A_682 = %parallel_loop3A_494 to %parallel_loop3A_495 step %parallel_loop3A_496  : i32 {
        %parallel_loop3A_683 = arith.index_cast %parallel_loop3A_682 : i32 to index
        %parallel_loop3A_684 = tpu.vector_load %arg8[%parallel_loop3A_683] {strides = array<i32>} : memref<4096xi32, #tpu.memory_space<vmem>>, vector<16xi32>,
        %parallel_loop3A_685 = arith.constant 32768 : i32
        %parallel_loop3A_686 = tpu.memref_slice %arg7[%parallel_loop3A_685] : memref<98304xf32, #tpu.memory_space<vmem>> -> memref<32768xf32, #tpu.memory_space<vmem>>
        %parallel_loop3A_687 = tpu.vector_load_idx %parallel_loop3A_686[%parallel_loop3A_684] : memref<32768xf32, #tpu.memory_space<vmem>>[vector<16xi32>], vector<16xf32>,
        %parallel_loop3A_688 = arith.constant 1 : i32
        %parallel_loop3A_689 = arith.index_cast %parallel_loop3A_688 : i32 to index
        %parallel_loop3A_690 = arith.index_cast %parallel_loop3A_682 : i32 to index
        %parallel_loop3A_691 = tpu.vector_load %arg9[%parallel_loop3A_689, %parallel_loop3A_690] {strides = array<i32>} : memref<2x4096xf32, #tpu.memory_space<vmem>>, vector<16xf32>,
        tpu.vector_store %arg9[%parallel_loop3A_689, %parallel_loop3A_690], %parallel_loop3A_687 {strides = array<i32>} : memref<2x4096xf32, #tpu.memory_space<vmem>>, vector<16xf32>,
      } {sc.loop_unroll_factor = 8 : i64, sc.parallel_access}
      %add3A_497 = arith.constant 3 : i32
      %add3A_498 = arith.addi %add3A_478, %add3A_497 : i32
      %lt3A_499 = arith.constant 64 : i32
      %lt3A_500 = arith.cmpi slt, %add3A_498, %lt3A_499 : i32
      %convert_element_type3A_501 = arith.extui %lt3A_500 : i1 to i32
      %cond3A_502 = arith.constant 0 : i32
      %cond3A_503 = arith.cmpi ne, %convert_element_type3A_501, %cond3A_502 : i32
      scf.if %cond3A_503 {
        %add3A_682 = arith.addi %mul3A_34, %add3A_478 : i32
        %add3A_683 = arith.constant 3 : i32
        %add3A_684 = arith.addi %add3A_682, %add3A_683 : i32
        %dma_start3A_685 = arith.constant 32768 : i32
        %dma_start3A_686 = tpu.memref_slice %arg7[%dma_start3A_685] : memref<98304xf32, #tpu.memory_space<vmem>> -> memref<32768xf32, #tpu.memory_space<vmem>>
        %dma_start3A_687 = arith.constant 0 : i32
        %dma_start3A_688 = tpu.memref_slice %arg3[%select_n3A, %add3A_684, %dma_start3A_687] : memref<8x256x32768xf32, #tpu.memory_space<hbm>> -> memref<1x1x32768xf32, #tpu.memory_space<hbm>>
        %dma_start3A_689 = tpu.memref_squeeze %dma_start3A_688 : memref<1x1x32768xf32, #tpu.memory_space<hbm>> -> memref<32768xf32, #tpu.memory_space<hbm>>
        %dma_start3A_690 = arith.constant 32768 : i32
        %dma_start3A_691 = tpu.memref_slice %arg7[%dma_start3A_690] : memref<98304xf32, #tpu.memory_space<vmem>> -> memref<32768xf32, #tpu.memory_space<vmem>>
        %dma_start3A_692 = arith.constant 0 : i32
        %dma_start3A_693 = tpu.memref_slice %arg3[%select_n3A, %add3A_684, %dma_start3A_692] : memref<8x256x32768xf32, #tpu.memory_space<hbm>> -> memref<1x1x32768xf32, #tpu.memory_space<hbm>>
        %dma_start3A_694 = tpu.memref_squeeze %dma_start3A_693 : memref<1x1x32768xf32, #tpu.memory_space<hbm>> -> memref<32768xf32, #tpu.memory_space<hbm>>
        tpu.enqueue_dma source(%dma_start3A_694 : memref<32768xf32, #tpu.memory_space<hbm>>) target(%dma_start3A_691 : memref<32768xf32, #tpu.memory_space<vmem>>) target_semaphore(%arg11 : memref<!tpu.dma_semaphore, #tpu.memory_space<semaphore_mem>>)
      } else {
      }
      %add3A_504 = arith.addi %mul3A_34, %add3A_478 : i32
      %dma_start3A_505 = arith.constant 1 : i32
      %dma_start3A_506 = arith.constant 0 : i32
      %dma_start3A_507 = tpu.memref_slice %arg9[%dma_start3A_505, %dma_start3A_506] : memref<2x4096xf32, #tpu.memory_space<vmem>> -> memref<1x4096xf32, #tpu.memory_space<vmem>>
      %dma_start3A_508 = tpu.memref_squeeze %dma_start3A_507 : memref<1x4096xf32, #tpu.memory_space<vmem>> -> memref<4096xf32, #tpu.memory_space<vmem>>
      %dma_start3A_509 = arith.constant 0 : i32
      %dma_start3A_510 = tpu.memref_slice %arg6[%select_n3A, %add3A_504, %dma_start3A_509] : memref<8x256x4096xf32, #tpu.memory_space<hbm>> -> memref<1x1x4096xf32, #tpu.memory_space<hbm>>
      %dma_start3A_511 = tpu.memref_squeeze %dma_start3A_510 : memref<1x1x4096xf32, #tpu.memory_space<hbm>> -> memref<4096xf32, #tpu.memory_space<hbm>>
      %dma_start3A_512 = arith.constant 0 : i32
      %dma_start3A_513 = tpu.memref_slice %arg6[%select_n3A, %add3A_504, %dma_start3A_512] : memref<8x256x4096xf32, #tpu.memory_space<hbm>> -> memref<1x1x4096xf32, #tpu.memory_space<hbm>>
      %dma_start3A_514 = tpu.memref_squeeze %dma_start3A_513 : memref<1x1x4096xf32, #tpu.memory_space<hbm>> -> memref<4096xf32, #tpu.memory_space<hbm>>
      %dma_start3A_515 = arith.constant 0 : i32
      %dma_start3A_516 = tpu.memref_slice %arg9[%dma_start3A_505, %dma_start3A_515] : memref<2x4096xf32, #tpu.memory_space<vmem>> -> memref<1x4096xf32, #tpu.memory_space<vmem>>
      %dma_start3A_517 = tpu.memref_squeeze %dma_start3A_516 : memref<1x4096xf32, #tpu.memory_space<vmem>> -> memref<4096xf32, #tpu.memory_space<vmem>>
      tpu.enqueue_dma source(%dma_start3A_517 : memref<4096xf32, #tpu.memory_space<vmem>>) target(%dma_start3A_514 : memref<4096xf32, #tpu.memory_space<hbm>>) target_semaphore(%arg14 : memref<!tpu.dma_semaphore, #tpu.memory_space<semaphore_mem>>)
      %add3A_518 = arith.constant 2 : i32
      %add3A_519 = arith.addi %mul3A_438, %add3A_518 : i32
      %dma_wait3A_520 = arith.constant 65536 : i32
      %dma_wait3A_521 = tpu.memref_slice %arg7[%dma_wait3A_520] : memref<98304xf32, #tpu.memory_space<vmem>> -> memref<32768xf32, #tpu.memory_space<vmem>>
      %dma_wait3A_522 = arith.constant 0 : i32
      %dma_wait3A_523 = tpu.memref_slice %arg3[%select_n3A, %mul3A_34, %dma_wait3A_522] : memref<8x256x32768xf32, #tpu.memory_space<hbm>> -> memref<1x1x32768xf32, #tpu.memory_space<hbm>>
      %dma_wait3A_524 = tpu.memref_squeeze %dma_wait3A_523 : memref<1x1x32768xf32, #tpu.memory_space<hbm>> -> memref<32768xf32, #tpu.memory_space<hbm>>
      %dma_wait3A_525 = arith.constant 65536 : i32
      %dma_wait3A_526 = tpu.memref_slice %arg7[%dma_wait3A_525] : memref<98304xf32, #tpu.memory_space<vmem>> -> memref<32768xf32, #tpu.memory_space<vmem>>
      %dma_wait3A_527 = arith.constant 0 : i32
      %dma_wait3A_528 = tpu.memref_slice %arg3[%select_n3A, %mul3A_34, %dma_wait3A_527] : memref<8x256x32768xf32, #tpu.memory_space<hbm>> -> memref<1x1x32768xf32, #tpu.memory_space<hbm>>
      %dma_wait3A_529 = tpu.memref_squeeze %dma_wait3A_528 : memref<1x1x32768xf32, #tpu.memory_space<hbm>> -> memref<32768xf32, #tpu.memory_space<hbm>>
      tpu.wait_dma2 semaphore(%arg12 : memref<!tpu.dma_semaphore, #tpu.memory_space<semaphore_mem>>) src(%dma_wait3A_529 : memref<32768xf32, #tpu.memory_space<hbm>>) dst(%dma_wait3A_526 : memref<32768xf32, #tpu.memory_space<vmem>>)
      %ge3A_530 = arith.constant 2 : i32
      %ge3A_531 = arith.cmpi sge, %add3A_519, %ge3A_530 : i32
      %convert_element_type3A_532 = arith.extui %ge3A_531 : i1 to i32
      %cond3A_533 = arith.constant 0 : i32
      %cond3A_534 = arith.cmpi ne, %convert_element_type3A_532, %cond3A_533 : i32
      scf.if %cond3A_534 {
        %dma_wait3A_682 = arith.constant 0 : i32
        %dma_wait3A_683 = arith.constant 0 : i32
        %dma_wait3A_684 = tpu.memref_slice %arg9[%dma_wait3A_682, %dma_wait3A_683] : memref<2x4096xf32, #tpu.memory_space<vmem>> -> memref<1x4096xf32, #tpu.memory_space<vmem>>
        %dma_wait3A_685 = tpu.memref_squeeze %dma_wait3A_684 : memref<1x4096xf32, #tpu.memory_space<vmem>> -> memref<4096xf32, #tpu.memory_space<vmem>>
        %dma_wait3A_686 = arith.constant 0 : i32
        %dma_wait3A_687 = tpu.memref_slice %arg6[%select_n3A, %mul3A_34, %dma_wait3A_686] : memref<8x256x4096xf32, #tpu.memory_space<hbm>> -> memref<1x1x4096xf32, #tpu.memory_space<hbm>>
        %dma_wait3A_688 = tpu.memref_squeeze %dma_wait3A_687 : memref<1x1x4096xf32, #tpu.memory_space<hbm>> -> memref<4096xf32, #tpu.memory_space<hbm>>
        %dma_wait3A_689 = arith.constant 0 : i32
        %dma_wait3A_690 = tpu.memref_slice %arg6[%select_n3A, %mul3A_34, %dma_wait3A_689] : memref<8x256x4096xf32, #tpu.memory_space<hbm>> -> memref<1x1x4096xf32, #tpu.memory_space<hbm>>
        %dma_wait3A_691 = tpu.memref_squeeze %dma_wait3A_690 : memref<1x1x4096xf32, #tpu.memory_space<hbm>> -> memref<4096xf32, #tpu.memory_space<hbm>>
        %dma_wait3A_692 = arith.constant 0 : i32
        %dma_wait3A_693 = tpu.memref_slice %arg9[%dma_wait3A_682, %dma_wait3A_692] : memref<2x4096xf32, #tpu.memory_space<vmem>> -> memref<1x4096xf32, #tpu.memory_space<vmem>>
        %dma_wait3A_694 = tpu.memref_squeeze %dma_wait3A_693 : memref<1x4096xf32, #tpu.memory_space<vmem>> -> memref<4096xf32, #tpu.memory_space<vmem>>
        tpu.wait_dma2 semaphore(%arg13 : memref<!tpu.dma_semaphore, #tpu.memory_space<semaphore_mem>>) src(%dma_wait3A_694 : memref<4096xf32, #tpu.memory_space<vmem>>) dst(%dma_wait3A_691 : memref<4096xf32, #tpu.memory_space<hbm>>)
      } else {
      }
      %parallel_loop3A_535 = arith.constant 0 : i32
      %parallel_loop3A_536 = arith.constant 4096 : i32
      %parallel_loop3A_537 = arith.constant 16 : i32
      scf.for %parallel_loop3A_682 = %parallel_loop3A_535 to %parallel_loop3A_536 step %parallel_loop3A_537  : i32 {
        %parallel_loop3A_683 = arith.index_cast %parallel_loop3A_682 : i32 to index
        %parallel_loop3A_684 = tpu.vector_load %arg8[%parallel_loop3A_683] {strides = array<i32>} : memref<4096xi32, #tpu.memory_space<vmem>>, vector<16xi32>,
        %parallel_loop3A_685 = arith.constant 65536 : i32
        %parallel_loop3A_686 = tpu.memref_slice %arg7[%parallel_loop3A_685] : memref<98304xf32, #tpu.memory_space<vmem>> -> memref<32768xf32, #tpu.memory_space<vmem>>
        %parallel_loop3A_687 = tpu.vector_load_idx %parallel_loop3A_686[%parallel_loop3A_684] : memref<32768xf32, #tpu.memory_space<vmem>>[vector<16xi32>], vector<16xf32>,
        %parallel_loop3A_688 = arith.constant 0 : i32
        %parallel_loop3A_689 = arith.index_cast %parallel_loop3A_688 : i32 to index
        %parallel_loop3A_690 = arith.index_cast %parallel_loop3A_682 : i32 to index
        %parallel_loop3A_691 = tpu.vector_load %arg9[%parallel_loop3A_689, %parallel_loop3A_690] {strides = array<i32>} : memref<2x4096xf32, #tpu.memory_space<vmem>>, vector<16xf32>,
        tpu.vector_store %arg9[%parallel_loop3A_689, %parallel_loop3A_690], %parallel_loop3A_687 {strides = array<i32>} : memref<2x4096xf32, #tpu.memory_space<vmem>>, vector<16xf32>,
      } {sc.loop_unroll_factor = 8 : i64, sc.parallel_access}
      %add3A_538 = arith.constant 3 : i32
      %add3A_539 = arith.addi %add3A_519, %add3A_538 : i32
      %lt3A_540 = arith.constant 64 : i32
      %lt3A_541 = arith.cmpi slt, %add3A_539, %lt3A_540 : i32
      %convert_element_type3A_542 = arith.extui %lt3A_541 : i1 to i32
      %cond3A_543 = arith.constant 0 : i32
      %cond3A_544 = arith.cmpi ne, %convert_element_type3A_542, %cond3A_543 : i32
      scf.if %cond3A_544 {
        %add3A_682 = arith.addi %mul3A_34, %add3A_519 : i32
        %add3A_683 = arith.constant 3 : i32
        %add3A_684 = arith.addi %add3A_682, %add3A_683 : i32
        %dma_start3A_685 = arith.constant 65536 : i32
        %dma_start3A_686 = tpu.memref_slice %arg7[%dma_start3A_685] : memref<98304xf32, #tpu.memory_space<vmem>> -> memref<32768xf32, #tpu.memory_space<vmem>>
        %dma_start3A_687 = arith.constant 0 : i32
        %dma_start3A_688 = tpu.memref_slice %arg3[%select_n3A, %add3A_684, %dma_start3A_687] : memref<8x256x32768xf32, #tpu.memory_space<hbm>> -> memref<1x1x32768xf32, #tpu.memory_space<hbm>>
        %dma_start3A_689 = tpu.memref_squeeze %dma_start3A_688 : memref<1x1x32768xf32, #tpu.memory_space<hbm>> -> memref<32768xf32, #tpu.memory_space<hbm>>
        %dma_start3A_690 = arith.constant 65536 : i32
        %dma_start3A_691 = tpu.memref_slice %arg7[%dma_start3A_690] : memref<98304xf32, #tpu.memory_space<vmem>> -> memref<32768xf32, #tpu.memory_space<vmem>>
        %dma_start3A_692 = arith.constant 0 : i32
        %dma_start3A_693 = tpu.memref_slice %arg3[%select_n3A, %add3A_684, %dma_start3A_692] : memref<8x256x32768xf32, #tpu.memory_space<hbm>> -> memref<1x1x32768xf32, #tpu.memory_space<hbm>>
        %dma_start3A_694 = tpu.memref_squeeze %dma_start3A_693 : memref<1x1x32768xf32, #tpu.memory_space<hbm>> -> memref<32768xf32, #tpu.memory_space<hbm>>
        tpu.enqueue_dma source(%dma_start3A_694 : memref<32768xf32, #tpu.memory_space<hbm>>) target(%dma_start3A_691 : memref<32768xf32, #tpu.memory_space<vmem>>) target_semaphore(%arg12 : memref<!tpu.dma_semaphore, #tpu.memory_space<semaphore_mem>>)
      } else {
      }
      %add3A_545 = arith.addi %mul3A_34, %add3A_519 : i32
      %dma_start3A_546 = arith.constant 0 : i32
      %dma_start3A_547 = arith.constant 0 : i32
      %dma_start3A_548 = tpu.memref_slice %arg9[%dma_start3A_546, %dma_start3A_547] : memref<2x4096xf32, #tpu.memory_space<vmem>> -> memref<1x4096xf32, #tpu.memory_space<vmem>>
      %dma_start3A_549 = tpu.memref_squeeze %dma_start3A_548 : memref<1x4096xf32, #tpu.memory_space<vmem>> -> memref<4096xf32, #tpu.memory_space<vmem>>
      %dma_start3A_550 = arith.constant 0 : i32
      %dma_start3A_551 = tpu.memref_slice %arg6[%select_n3A, %add3A_545, %dma_start3A_550] : memref<8x256x4096xf32, #tpu.memory_space<hbm>> -> memref<1x1x4096xf32, #tpu.memory_space<hbm>>
      %dma_start3A_552 = tpu.memref_squeeze %dma_start3A_551 : memref<1x1x4096xf32, #tpu.memory_space<hbm>> -> memref<4096xf32, #tpu.memory_space<hbm>>
      %dma_start3A_553 = arith.constant 0 : i32
      %dma_start3A_554 = tpu.memref_slice %arg6[%select_n3A, %add3A_545, %dma_start3A_553] : memref<8x256x4096xf32, #tpu.memory_space<hbm>> -> memref<1x1x4096xf32, #tpu.memory_space<hbm>>
      %dma_start3A_555 = tpu.memref_squeeze %dma_start3A_554 : memref<1x1x4096xf32, #tpu.memory_space<hbm>> -> memref<4096xf32, #tpu.memory_space<hbm>>
      %dma_start3A_556 = arith.constant 0 : i32
      %dma_start3A_557 = tpu.memref_slice %arg9[%dma_start3A_546, %dma_start3A_556] : memref<2x4096xf32, #tpu.memory_space<vmem>> -> memref<1x4096xf32, #tpu.memory_space<vmem>>
      %dma_start3A_558 = tpu.memref_squeeze %dma_start3A_557 : memref<1x4096xf32, #tpu.memory_space<vmem>> -> memref<4096xf32, #tpu.memory_space<vmem>>
      tpu.enqueue_dma source(%dma_start3A_558 : memref<4096xf32, #tpu.memory_space<vmem>>) target(%dma_start3A_555 : memref<4096xf32, #tpu.memory_space<hbm>>) target_semaphore(%arg13 : memref<!tpu.dma_semaphore, #tpu.memory_space<semaphore_mem>>)
      %add3A_559 = arith.constant 3 : i32
      %add3A_560 = arith.addi %mul3A_438, %add3A_559 : i32
      %dma_wait3A_561 = arith.constant 0 : i32
      %dma_wait3A_562 = tpu.memref_slice %arg7[%dma_wait3A_561] : memref<98304xf32, #tpu.memory_space<vmem>> -> memref<32768xf32, #tpu.memory_space<vmem>>
      %dma_wait3A_563 = arith.constant 0 : i32
      %dma_wait3A_564 = tpu.memref_slice %arg3[%select_n3A, %mul3A_34, %dma_wait3A_563] : memref<8x256x32768xf32, #tpu.memory_space<hbm>> -> memref<1x1x32768xf32, #tpu.memory_space<hbm>>
      %dma_wait3A_565 = tpu.memref_squeeze %dma_wait3A_564 : memref<1x1x32768xf32, #tpu.memory_space<hbm>> -> memref<32768xf32, #tpu.memory_space<hbm>>
      %dma_wait3A_566 = arith.constant 0 : i32
      %dma_wait3A_567 = tpu.memref_slice %arg7[%dma_wait3A_566] : memref<98304xf32, #tpu.memory_space<vmem>> -> memref<32768xf32, #tpu.memory_space<vmem>>
      %dma_wait3A_568 = arith.constant 0 : i32
      %dma_wait3A_569 = tpu.memref_slice %arg3[%select_n3A, %mul3A_34, %dma_wait3A_568] : memref<8x256x32768xf32, #tpu.memory_space<hbm>> -> memref<1x1x32768xf32, #tpu.memory_space<hbm>>
      %dma_wait3A_570 = tpu.memref_squeeze %dma_wait3A_569 : memref<1x1x32768xf32, #tpu.memory_space<hbm>> -> memref<32768xf32, #tpu.memory_space<hbm>>
      tpu.wait_dma2 semaphore(%arg10 : memref<!tpu.dma_semaphore, #tpu.memory_space<semaphore_mem>>) src(%dma_wait3A_570 : memref<32768xf32, #tpu.memory_space<hbm>>) dst(%dma_wait3A_567 : memref<32768xf32, #tpu.memory_space<vmem>>)
      %ge3A_571 = arith.constant 2 : i32
      %ge3A_572 = arith.cmpi sge, %add3A_560, %ge3A_571 : i32
      %convert_element_type3A_573 = arith.extui %ge3A_572 : i1 to i32
      %cond3A_574 = arith.constant 0 : i32
      %cond3A_575 = arith.cmpi ne, %convert_element_type3A_573, %cond3A_574 : i32
      scf.if %cond3A_575 {
        %dma_wait3A_682 = arith.constant 1 : i32
        %dma_wait3A_683 = arith.constant 0 : i32
        %dma_wait3A_684 = tpu.memref_slice %arg9[%dma_wait3A_682, %dma_wait3A_683] : memref<2x4096xf32, #tpu.memory_space<vmem>> -> memref<1x4096xf32, #tpu.memory_space<vmem>>
        %dma_wait3A_685 = tpu.memref_squeeze %dma_wait3A_684 : memref<1x4096xf32, #tpu.memory_space<vmem>> -> memref<4096xf32, #tpu.memory_space<vmem>>
        %dma_wait3A_686 = arith.constant 0 : i32
        %dma_wait3A_687 = tpu.memref_slice %arg6[%select_n3A, %mul3A_34, %dma_wait3A_686] : memref<8x256x4096xf32, #tpu.memory_space<hbm>> -> memref<1x1x4096xf32, #tpu.memory_space<hbm>>
        %dma_wait3A_688 = tpu.memref_squeeze %dma_wait3A_687 : memref<1x1x4096xf32, #tpu.memory_space<hbm>> -> memref<4096xf32, #tpu.memory_space<hbm>>
        %dma_wait3A_689 = arith.constant 0 : i32
        %dma_wait3A_690 = tpu.memref_slice %arg6[%select_n3A, %mul3A_34, %dma_wait3A_689] : memref<8x256x4096xf32, #tpu.memory_space<hbm>> -> memref<1x1x4096xf32, #tpu.memory_space<hbm>>
        %dma_wait3A_691 = tpu.memref_squeeze %dma_wait3A_690 : memref<1x1x4096xf32, #tpu.memory_space<hbm>> -> memref<4096xf32, #tpu.memory_space<hbm>>
        %dma_wait3A_692 = arith.constant 0 : i32
        %dma_wait3A_693 = tpu.memref_slice %arg9[%dma_wait3A_682, %dma_wait3A_692] : memref<2x4096xf32, #tpu.memory_space<vmem>> -> memref<1x4096xf32, #tpu.memory_space<vmem>>
        %dma_wait3A_694 = tpu.memref_squeeze %dma_wait3A_693 : memref<1x4096xf32, #tpu.memory_space<vmem>> -> memref<4096xf32, #tpu.memory_space<vmem>>
        tpu.wait_dma2 semaphore(%arg14 : memref<!tpu.dma_semaphore, #tpu.memory_space<semaphore_mem>>) src(%dma_wait3A_694 : memref<4096xf32, #tpu.memory_space<vmem>>) dst(%dma_wait3A_691 : memref<4096xf32, #tpu.memory_space<hbm>>)
      } else {
      }
      %parallel_loop3A_576 = arith.constant 0 : i32
      %parallel_loop3A_577 = arith.constant 4096 : i32
      %parallel_loop3A_578 = arith.constant 16 : i32
      scf.for %parallel_loop3A_682 = %parallel_loop3A_576 to %parallel_loop3A_577 step %parallel_loop3A_578  : i32 {
        %parallel_loop3A_683 = arith.index_cast %parallel_loop3A_682 : i32 to index
        %parallel_loop3A_684 = tpu.vector_load %arg8[%parallel_loop3A_683] {strides = array<i32>} : memref<4096xi32, #tpu.memory_space<vmem>>, vector<16xi32>,
        %parallel_loop3A_685 = arith.constant 0 : i32
        %parallel_loop3A_686 = tpu.memref_slice %arg7[%parallel_loop3A_685] : memref<98304xf32, #tpu.memory_space<vmem>> -> memref<32768xf32, #tpu.memory_space<vmem>>
        %parallel_loop3A_687 = tpu.vector_load_idx %parallel_loop3A_686[%parallel_loop3A_684] : memref<32768xf32, #tpu.memory_space<vmem>>[vector<16xi32>], vector<16xf32>,
        %parallel_loop3A_688 = arith.constant 1 : i32
        %parallel_loop3A_689 = arith.index_cast %parallel_loop3A_688 : i32 to index
        %parallel_loop3A_690 = arith.index_cast %parallel_loop3A_682 : i32 to index
        %parallel_loop3A_691 = tpu.vector_load %arg9[%parallel_loop3A_689, %parallel_loop3A_690] {strides = array<i32>} : memref<2x4096xf32, #tpu.memory_space<vmem>>, vector<16xf32>,
        tpu.vector_store %arg9[%parallel_loop3A_689, %parallel_loop3A_690], %parallel_loop3A_687 {strides = array<i32>} : memref<2x4096xf32, #tpu.memory_space<vmem>>, vector<16xf32>,
      } {sc.loop_unroll_factor = 8 : i64, sc.parallel_access}
      %add3A_579 = arith.constant 3 : i32
      %add3A_580 = arith.addi %add3A_560, %add3A_579 : i32
      %lt3A_581 = arith.constant 64 : i32
      %lt3A_582 = arith.cmpi slt, %add3A_580, %lt3A_581 : i32
      %convert_element_type3A_583 = arith.extui %lt3A_582 : i1 to i32
      %cond3A_584 = arith.constant 0 : i32
      %cond3A_585 = arith.cmpi ne, %convert_element_type3A_583, %cond3A_584 : i32
      scf.if %cond3A_585 {
        %add3A_682 = arith.addi %mul3A_34, %add3A_560 : i32
        %add3A_683 = arith.constant 3 : i32
        %add3A_684 = arith.addi %add3A_682, %add3A_683 : i32
        %dma_start3A_685 = arith.constant 0 : i32
        %dma_start3A_686 = tpu.memref_slice %arg7[%dma_start3A_685] : memref<98304xf32, #tpu.memory_space<vmem>> -> memref<32768xf32, #tpu.memory_space<vmem>>
        %dma_start3A_687 = arith.constant 0 : i32
        %dma_start3A_688 = tpu.memref_slice %arg3[%select_n3A, %add3A_684, %dma_start3A_687] : memref<8x256x32768xf32, #tpu.memory_space<hbm>> -> memref<1x1x32768xf32, #tpu.memory_space<hbm>>
        %dma_start3A_689 = tpu.memref_squeeze %dma_start3A_688 : memref<1x1x32768xf32, #tpu.memory_space<hbm>> -> memref<32768xf32, #tpu.memory_space<hbm>>
        %dma_start3A_690 = arith.constant 0 : i32
        %dma_start3A_691 = tpu.memref_slice %arg7[%dma_start3A_690] : memref<98304xf32, #tpu.memory_space<vmem>> -> memref<32768xf32, #tpu.memory_space<vmem>>
        %dma_start3A_692 = arith.constant 0 : i32
        %dma_start3A_693 = tpu.memref_slice %arg3[%select_n3A, %add3A_684, %dma_start3A_692] : memref<8x256x32768xf32, #tpu.memory_space<hbm>> -> memref<1x1x32768xf32, #tpu.memory_space<hbm>>
        %dma_start3A_694 = tpu.memref_squeeze %dma_start3A_693 : memref<1x1x32768xf32, #tpu.memory_space<hbm>> -> memref<32768xf32, #tpu.memory_space<hbm>>
        tpu.enqueue_dma source(%dma_start3A_694 : memref<32768xf32, #tpu.memory_space<hbm>>) target(%dma_start3A_691 : memref<32768xf32, #tpu.memory_space<vmem>>) target_semaphore(%arg10 : memref<!tpu.dma_semaphore, #tpu.memory_space<semaphore_mem>>)
      } else {
      }
      %add3A_586 = arith.addi %mul3A_34, %add3A_560 : i32
      %dma_start3A_587 = arith.constant 1 : i32
      %dma_start3A_588 = arith.constant 0 : i32
      %dma_start3A_589 = tpu.memref_slice %arg9[%dma_start3A_587, %dma_start3A_588] : memref<2x4096xf32, #tpu.memory_space<vmem>> -> memref<1x4096xf32, #tpu.memory_space<vmem>>
      %dma_start3A_590 = tpu.memref_squeeze %dma_start3A_589 : memref<1x4096xf32, #tpu.memory_space<vmem>> -> memref<4096xf32, #tpu.memory_space<vmem>>
      %dma_start3A_591 = arith.constant 0 : i32
      %dma_start3A_592 = tpu.memref_slice %arg6[%select_n3A, %add3A_586, %dma_start3A_591] : memref<8x256x4096xf32, #tpu.memory_space<hbm>> -> memref<1x1x4096xf32, #tpu.memory_space<hbm>>
      %dma_start3A_593 = tpu.memref_squeeze %dma_start3A_592 : memref<1x1x4096xf32, #tpu.memory_space<hbm>> -> memref<4096xf32, #tpu.memory_space<hbm>>
      %dma_start3A_594 = arith.constant 0 : i32
      %dma_start3A_595 = tpu.memref_slice %arg6[%select_n3A, %add3A_586, %dma_start3A_594] : memref<8x256x4096xf32, #tpu.memory_space<hbm>> -> memref<1x1x4096xf32, #tpu.memory_space<hbm>>
      %dma_start3A_596 = tpu.memref_squeeze %dma_start3A_595 : memref<1x1x4096xf32, #tpu.memory_space<hbm>> -> memref<4096xf32, #tpu.memory_space<hbm>>
      %dma_start3A_597 = arith.constant 0 : i32
      %dma_start3A_598 = tpu.memref_slice %arg9[%dma_start3A_587, %dma_start3A_597] : memref<2x4096xf32, #tpu.memory_space<vmem>> -> memref<1x4096xf32, #tpu.memory_space<vmem>>
      %dma_start3A_599 = tpu.memref_squeeze %dma_start3A_598 : memref<1x4096xf32, #tpu.memory_space<vmem>> -> memref<4096xf32, #tpu.memory_space<vmem>>
      tpu.enqueue_dma source(%dma_start3A_599 : memref<4096xf32, #tpu.memory_space<vmem>>) target(%dma_start3A_596 : memref<4096xf32, #tpu.memory_space<hbm>>) target_semaphore(%arg14 : memref<!tpu.dma_semaphore, #tpu.memory_space<semaphore_mem>>)
      %add3A_600 = arith.constant 4 : i32
      %add3A_601 = arith.addi %mul3A_438, %add3A_600 : i32
      %dma_wait3A_602 = arith.constant 32768 : i32
      %dma_wait3A_603 = tpu.memref_slice %arg7[%dma_wait3A_602] : memref<98304xf32, #tpu.memory_space<vmem>> -> memref<32768xf32, #tpu.memory_space<vmem>>
      %dma_wait3A_604 = arith.constant 0 : i32
      %dma_wait3A_605 = tpu.memref_slice %arg3[%select_n3A, %mul3A_34, %dma_wait3A_604] : memref<8x256x32768xf32, #tpu.memory_space<hbm>> -> memref<1x1x32768xf32, #tpu.memory_space<hbm>>
      %dma_wait3A_606 = tpu.memref_squeeze %dma_wait3A_605 : memref<1x1x32768xf32, #tpu.memory_space<hbm>> -> memref<32768xf32, #tpu.memory_space<hbm>>
      %dma_wait3A_607 = arith.constant 32768 : i32
      %dma_wait3A_608 = tpu.memref_slice %arg7[%dma_wait3A_607] : memref<98304xf32, #tpu.memory_space<vmem>> -> memref<32768xf32, #tpu.memory_space<vmem>>
      %dma_wait3A_609 = arith.constant 0 : i32
      %dma_wait3A_610 = tpu.memref_slice %arg3[%select_n3A, %mul3A_34, %dma_wait3A_609] : memref<8x256x32768xf32, #tpu.memory_space<hbm>> -> memref<1x1x32768xf32, #tpu.memory_space<hbm>>
      %dma_wait3A_611 = tpu.memref_squeeze %dma_wait3A_610 : memref<1x1x32768xf32, #tpu.memory_space<hbm>> -> memref<32768xf32, #tpu.memory_space<hbm>>
      tpu.wait_dma2 semaphore(%arg11 : memref<!tpu.dma_semaphore, #tpu.memory_space<semaphore_mem>>) src(%dma_wait3A_611 : memref<32768xf32, #tpu.memory_space<hbm>>) dst(%dma_wait3A_608 : memref<32768xf32, #tpu.memory_space<vmem>>)
      %ge3A_612 = arith.constant 2 : i32
      %ge3A_613 = arith.cmpi sge, %add3A_601, %ge3A_612 : i32
      %convert_element_type3A_614 = arith.extui %ge3A_613 : i1 to i32
      %cond3A_615 = arith.constant 0 : i32
      %cond3A_616 = arith.cmpi ne, %convert_element_type3A_614, %cond3A_615 : i32
      scf.if %cond3A_616 {
        %dma_wait3A_682 = arith.constant 0 : i32
        %dma_wait3A_683 = arith.constant 0 : i32
        %dma_wait3A_684 = tpu.memref_slice %arg9[%dma_wait3A_682, %dma_wait3A_683] : memref<2x4096xf32, #tpu.memory_space<vmem>> -> memref<1x4096xf32, #tpu.memory_space<vmem>>
        %dma_wait3A_685 = tpu.memref_squeeze %dma_wait3A_684 : memref<1x4096xf32, #tpu.memory_space<vmem>> -> memref<4096xf32, #tpu.memory_space<vmem>>
        %dma_wait3A_686 = arith.constant 0 : i32
        %dma_wait3A_687 = tpu.memref_slice %arg6[%select_n3A, %mul3A_34, %dma_wait3A_686] : memref<8x256x4096xf32, #tpu.memory_space<hbm>> -> memref<1x1x4096xf32, #tpu.memory_space<hbm>>
        %dma_wait3A_688 = tpu.memref_squeeze %dma_wait3A_687 : memref<1x1x4096xf32, #tpu.memory_space<hbm>> -> memref<4096xf32, #tpu.memory_space<hbm>>
        %dma_wait3A_689 = arith.constant 0 : i32
        %dma_wait3A_690 = tpu.memref_slice %arg6[%select_n3A, %mul3A_34, %dma_wait3A_689] : memref<8x256x4096xf32, #tpu.memory_space<hbm>> -> memref<1x1x4096xf32, #tpu.memory_space<hbm>>
        %dma_wait3A_691 = tpu.memref_squeeze %dma_wait3A_690 : memref<1x1x4096xf32, #tpu.memory_space<hbm>> -> memref<4096xf32, #tpu.memory_space<hbm>>
        %dma_wait3A_692 = arith.constant 0 : i32
        %dma_wait3A_693 = tpu.memref_slice %arg9[%dma_wait3A_682, %dma_wait3A_692] : memref<2x4096xf32, #tpu.memory_space<vmem>> -> memref<1x4096xf32, #tpu.memory_space<vmem>>
        %dma_wait3A_694 = tpu.memref_squeeze %dma_wait3A_693 : memref<1x4096xf32, #tpu.memory_space<vmem>> -> memref<4096xf32, #tpu.memory_space<vmem>>
        tpu.wait_dma2 semaphore(%arg13 : memref<!tpu.dma_semaphore, #tpu.memory_space<semaphore_mem>>) src(%dma_wait3A_694 : memref<4096xf32, #tpu.memory_space<vmem>>) dst(%dma_wait3A_691 : memref<4096xf32, #tpu.memory_space<hbm>>)
      } else {
      }
      %parallel_loop3A_617 = arith.constant 0 : i32
      %parallel_loop3A_618 = arith.constant 4096 : i32
      %parallel_loop3A_619 = arith.constant 16 : i32
      scf.for %parallel_loop3A_682 = %parallel_loop3A_617 to %parallel_loop3A_618 step %parallel_loop3A_619  : i32 {
        %parallel_loop3A_683 = arith.index_cast %parallel_loop3A_682 : i32 to index
        %parallel_loop3A_684 = tpu.vector_load %arg8[%parallel_loop3A_683] {strides = array<i32>} : memref<4096xi32, #tpu.memory_space<vmem>>, vector<16xi32>,
        %parallel_loop3A_685 = arith.constant 32768 : i32
        %parallel_loop3A_686 = tpu.memref_slice %arg7[%parallel_loop3A_685] : memref<98304xf32, #tpu.memory_space<vmem>> -> memref<32768xf32, #tpu.memory_space<vmem>>
        %parallel_loop3A_687 = tpu.vector_load_idx %parallel_loop3A_686[%parallel_loop3A_684] : memref<32768xf32, #tpu.memory_space<vmem>>[vector<16xi32>], vector<16xf32>,
        %parallel_loop3A_688 = arith.constant 0 : i32
        %parallel_loop3A_689 = arith.index_cast %parallel_loop3A_688 : i32 to index
        %parallel_loop3A_690 = arith.index_cast %parallel_loop3A_682 : i32 to index
        %parallel_loop3A_691 = tpu.vector_load %arg9[%parallel_loop3A_689, %parallel_loop3A_690] {strides = array<i32>} : memref<2x4096xf32, #tpu.memory_space<vmem>>, vector<16xf32>,
        tpu.vector_store %arg9[%parallel_loop3A_689, %parallel_loop3A_690], %parallel_loop3A_687 {strides = array<i32>} : memref<2x4096xf32, #tpu.memory_space<vmem>>, vector<16xf32>,
      } {sc.loop_unroll_factor = 8 : i64, sc.parallel_access}
      %add3A_620 = arith.constant 3 : i32
      %add3A_621 = arith.addi %add3A_601, %add3A_620 : i32
      %lt3A_622 = arith.constant 64 : i32
      %lt3A_623 = arith.cmpi slt, %add3A_621, %lt3A_622 : i32
      %convert_element_type3A_624 = arith.extui %lt3A_623 : i1 to i32
      %cond3A_625 = arith.constant 0 : i32
      %cond3A_626 = arith.cmpi ne, %convert_element_type3A_624, %cond3A_625 : i32
      scf.if %cond3A_626 {
        %add3A_682 = arith.addi %mul3A_34, %add3A_601 : i32
        %add3A_683 = arith.constant 3 : i32
        %add3A_684 = arith.addi %add3A_682, %add3A_683 : i32
        %dma_start3A_685 = arith.constant 32768 : i32
        %dma_start3A_686 = tpu.memref_slice %arg7[%dma_start3A_685] : memref<98304xf32, #tpu.memory_space<vmem>> -> memref<32768xf32, #tpu.memory_space<vmem>>
        %dma_start3A_687 = arith.constant 0 : i32
        %dma_start3A_688 = tpu.memref_slice %arg3[%select_n3A, %add3A_684, %dma_start3A_687] : memref<8x256x32768xf32, #tpu.memory_space<hbm>> -> memref<1x1x32768xf32, #tpu.memory_space<hbm>>
        %dma_start3A_689 = tpu.memref_squeeze %dma_start3A_688 : memref<1x1x32768xf32, #tpu.memory_space<hbm>> -> memref<32768xf32, #tpu.memory_space<hbm>>
        %dma_start3A_690 = arith.constant 32768 : i32
        %dma_start3A_691 = tpu.memref_slice %arg7[%dma_start3A_690] : memref<98304xf32, #tpu.memory_space<vmem>> -> memref<32768xf32, #tpu.memory_space<vmem>>
        %dma_start3A_692 = arith.constant 0 : i32
        %dma_start3A_693 = tpu.memref_slice %arg3[%select_n3A, %add3A_684, %dma_start3A_692] : memref<8x256x32768xf32, #tpu.memory_space<hbm>> -> memref<1x1x32768xf32, #tpu.memory_space<hbm>>
        %dma_start3A_694 = tpu.memref_squeeze %dma_start3A_693 : memref<1x1x32768xf32, #tpu.memory_space<hbm>> -> memref<32768xf32, #tpu.memory_space<hbm>>
        tpu.enqueue_dma source(%dma_start3A_694 : memref<32768xf32, #tpu.memory_space<hbm>>) target(%dma_start3A_691 : memref<32768xf32, #tpu.memory_space<vmem>>) target_semaphore(%arg11 : memref<!tpu.dma_semaphore, #tpu.memory_space<semaphore_mem>>)
      } else {
      }
      %add3A_627 = arith.addi %mul3A_34, %add3A_601 : i32
      %dma_start3A_628 = arith.constant 0 : i32
      %dma_start3A_629 = arith.constant 0 : i32
      %dma_start3A_630 = tpu.memref_slice %arg9[%dma_start3A_628, %dma_start3A_629] : memref<2x4096xf32, #tpu.memory_space<vmem>> -> memref<1x4096xf32, #tpu.memory_space<vmem>>
      %dma_start3A_631 = tpu.memref_squeeze %dma_start3A_630 : memref<1x4096xf32, #tpu.memory_space<vmem>> -> memref<4096xf32, #tpu.memory_space<vmem>>
      %dma_start3A_632 = arith.constant 0 : i32
      %dma_start3A_633 = tpu.memref_slice %arg6[%select_n3A, %add3A_627, %dma_start3A_632] : memref<8x256x4096xf32, #tpu.memory_space<hbm>> -> memref<1x1x4096xf32, #tpu.memory_space<hbm>>
      %dma_start3A_634 = tpu.memref_squeeze %dma_start3A_633 : memref<1x1x4096xf32, #tpu.memory_space<hbm>> -> memref<4096xf32, #tpu.memory_space<hbm>>
      %dma_start3A_635 = arith.constant 0 : i32
      %dma_start3A_636 = tpu.memref_slice %arg6[%select_n3A, %add3A_627, %dma_start3A_635] : memref<8x256x4096xf32, #tpu.memory_space<hbm>> -> memref<1x1x4096xf32, #tpu.memory_space<hbm>>
      %dma_start3A_637 = tpu.memref_squeeze %dma_start3A_636 : memref<1x1x4096xf32, #tpu.memory_space<hbm>> -> memref<4096xf32, #tpu.memory_space<hbm>>
      %dma_start3A_638 = arith.constant 0 : i32
      %dma_start3A_639 = tpu.memref_slice %arg9[%dma_start3A_628, %dma_start3A_638] : memref<2x4096xf32, #tpu.memory_space<vmem>> -> memref<1x4096xf32, #tpu.memory_space<vmem>>
      %dma_start3A_640 = tpu.memref_squeeze %dma_start3A_639 : memref<1x4096xf32, #tpu.memory_space<vmem>> -> memref<4096xf32, #tpu.memory_space<vmem>>
      tpu.enqueue_dma source(%dma_start3A_640 : memref<4096xf32, #tpu.memory_space<vmem>>) target(%dma_start3A_637 : memref<4096xf32, #tpu.memory_space<hbm>>) target_semaphore(%arg13 : memref<!tpu.dma_semaphore, #tpu.memory_space<semaphore_mem>>)
      %add3A_641 = arith.constant 5 : i32
      %add3A_642 = arith.addi %mul3A_438, %add3A_641 : i32
      %dma_wait3A_643 = arith.constant 65536 : i32
      %dma_wait3A_644 = tpu.memref_slice %arg7[%dma_wait3A_643] : memref<98304xf32, #tpu.memory_space<vmem>> -> memref<32768xf32, #tpu.memory_space<vmem>>
      %dma_wait3A_645 = arith.constant 0 : i32
      %dma_wait3A_646 = tpu.memref_slice %arg3[%select_n3A, %mul3A_34, %dma_wait3A_645] : memref<8x256x32768xf32, #tpu.memory_space<hbm>> -> memref<1x1x32768xf32, #tpu.memory_space<hbm>>
      %dma_wait3A_647 = tpu.memref_squeeze %dma_wait3A_646 : memref<1x1x32768xf32, #tpu.memory_space<hbm>> -> memref<32768xf32, #tpu.memory_space<hbm>>
      %dma_wait3A_648 = arith.constant 65536 : i32
      %dma_wait3A_649 = tpu.memref_slice %arg7[%dma_wait3A_648] : memref<98304xf32, #tpu.memory_space<vmem>> -> memref<32768xf32, #tpu.memory_space<vmem>>
      %dma_wait3A_650 = arith.constant 0 : i32
      %dma_wait3A_651 = tpu.memref_slice %arg3[%select_n3A, %mul3A_34, %dma_wait3A_650] : memref<8x256x32768xf32, #tpu.memory_space<hbm>> -> memref<1x1x32768xf32, #tpu.memory_space<hbm>>
      %dma_wait3A_652 = tpu.memref_squeeze %dma_wait3A_651 : memref<1x1x32768xf32, #tpu.memory_space<hbm>> -> memref<32768xf32, #tpu.memory_space<hbm>>
      tpu.wait_dma2 semaphore(%arg12 : memref<!tpu.dma_semaphore, #tpu.memory_space<semaphore_mem>>) src(%dma_wait3A_652 : memref<32768xf32, #tpu.memory_space<hbm>>) dst(%dma_wait3A_649 : memref<32768xf32, #tpu.memory_space<vmem>>)
      %ge3A_653 = arith.constant 2 : i32
      %ge3A_654 = arith.cmpi sge, %add3A_642, %ge3A_653 : i32
      %convert_element_type3A_655 = arith.extui %ge3A_654 : i1 to i32
      %cond3A_656 = arith.constant 0 : i32
      %cond3A_657 = arith.cmpi ne, %convert_element_type3A_655, %cond3A_656 : i32
      scf.if %cond3A_657 {
        %dma_wait3A_682 = arith.constant 1 : i32
        %dma_wait3A_683 = arith.constant 0 : i32
        %dma_wait3A_684 = tpu.memref_slice %arg9[%dma_wait3A_682, %dma_wait3A_683] : memref<2x4096xf32, #tpu.memory_space<vmem>> -> memref<1x4096xf32, #tpu.memory_space<vmem>>
        %dma_wait3A_685 = tpu.memref_squeeze %dma_wait3A_684 : memref<1x4096xf32, #tpu.memory_space<vmem>> -> memref<4096xf32, #tpu.memory_space<vmem>>
        %dma_wait3A_686 = arith.constant 0 : i32
        %dma_wait3A_687 = tpu.memref_slice %arg6[%select_n3A, %mul3A_34, %dma_wait3A_686] : memref<8x256x4096xf32, #tpu.memory_space<hbm>> -> memref<1x1x4096xf32, #tpu.memory_space<hbm>>
        %dma_wait3A_688 = tpu.memref_squeeze %dma_wait3A_687 : memref<1x1x4096xf32, #tpu.memory_space<hbm>> -> memref<4096xf32, #tpu.memory_space<hbm>>
        %dma_wait3A_689 = arith.constant 0 : i32
        %dma_wait3A_690 = tpu.memref_slice %arg6[%select_n3A, %mul3A_34, %dma_wait3A_689] : memref<8x256x4096xf32, #tpu.memory_space<hbm>> -> memref<1x1x4096xf32, #tpu.memory_space<hbm>>
        %dma_wait3A_691 = tpu.memref_squeeze %dma_wait3A_690 : memref<1x1x4096xf32, #tpu.memory_space<hbm>> -> memref<4096xf32, #tpu.memory_space<hbm>>
        %dma_wait3A_692 = arith.constant 0 : i32
        %dma_wait3A_693 = tpu.memref_slice %arg9[%dma_wait3A_682, %dma_wait3A_692] : memref<2x4096xf32, #tpu.memory_space<vmem>> -> memref<1x4096xf32, #tpu.memory_space<vmem>>
        %dma_wait3A_694 = tpu.memref_squeeze %dma_wait3A_693 : memref<1x4096xf32, #tpu.memory_space<vmem>> -> memref<4096xf32, #tpu.memory_space<vmem>>
        tpu.wait_dma2 semaphore(%arg14 : memref<!tpu.dma_semaphore, #tpu.memory_space<semaphore_mem>>) src(%dma_wait3A_694 : memref<4096xf32, #tpu.memory_space<vmem>>) dst(%dma_wait3A_691 : memref<4096xf32, #tpu.memory_space<hbm>>)
      } else {
      }
      %parallel_loop3A_658 = arith.constant 0 : i32
      %parallel_loop3A_659 = arith.constant 4096 : i32
      %parallel_loop3A_660 = arith.constant 16 : i32
      scf.for %parallel_loop3A_682 = %parallel_loop3A_658 to %parallel_loop3A_659 step %parallel_loop3A_660  : i32 {
        %parallel_loop3A_683 = arith.index_cast %parallel_loop3A_682 : i32 to index
        %parallel_loop3A_684 = tpu.vector_load %arg8[%parallel_loop3A_683] {strides = array<i32>} : memref<4096xi32, #tpu.memory_space<vmem>>, vector<16xi32>,
        %parallel_loop3A_685 = arith.constant 65536 : i32
        %parallel_loop3A_686 = tpu.memref_slice %arg7[%parallel_loop3A_685] : memref<98304xf32, #tpu.memory_space<vmem>> -> memref<32768xf32, #tpu.memory_space<vmem>>
        %parallel_loop3A_687 = tpu.vector_load_idx %parallel_loop3A_686[%parallel_loop3A_684] : memref<32768xf32, #tpu.memory_space<vmem>>[vector<16xi32>], vector<16xf32>,
        %parallel_loop3A_688 = arith.constant 1 : i32
        %parallel_loop3A_689 = arith.index_cast %parallel_loop3A_688 : i32 to index
        %parallel_loop3A_690 = arith.index_cast %parallel_loop3A_682 : i32 to index
        %parallel_loop3A_691 = tpu.vector_load %arg9[%parallel_loop3A_689, %parallel_loop3A_690] {strides = array<i32>} : memref<2x4096xf32, #tpu.memory_space<vmem>>, vector<16xf32>,
        tpu.vector_store %arg9[%parallel_loop3A_689, %parallel_loop3A_690], %parallel_loop3A_687 {strides = array<i32>} : memref<2x4096xf32, #tpu.memory_space<vmem>>, vector<16xf32>,
      } {sc.loop_unroll_factor = 8 : i64, sc.parallel_access}
      %add3A_661 = arith.constant 3 : i32
      %add3A_662 = arith.addi %add3A_642, %add3A_661 : i32
      %lt3A_663 = arith.constant 64 : i32
      %lt3A_664 = arith.cmpi slt, %add3A_662, %lt3A_663 : i32
      %convert_element_type3A_665 = arith.extui %lt3A_664 : i1 to i32
      %cond3A_666 = arith.constant 0 : i32
      %cond3A_667 = arith.cmpi ne, %convert_element_type3A_665, %cond3A_666 : i32
      scf.if %cond3A_667 {
        %add3A_682 = arith.addi %mul3A_34, %add3A_642 : i32
        %add3A_683 = arith.constant 3 : i32
        %add3A_684 = arith.addi %add3A_682, %add3A_683 : i32
        %dma_start3A_685 = arith.constant 65536 : i32
        %dma_start3A_686 = tpu.memref_slice %arg7[%dma_start3A_685] : memref<98304xf32, #tpu.memory_space<vmem>> -> memref<32768xf32, #tpu.memory_space<vmem>>
        %dma_start3A_687 = arith.constant 0 : i32
        %dma_start3A_688 = tpu.memref_slice %arg3[%select_n3A, %add3A_684, %dma_start3A_687] : memref<8x256x32768xf32, #tpu.memory_space<hbm>> -> memref<1x1x32768xf32, #tpu.memory_space<hbm>>
        %dma_start3A_689 = tpu.memref_squeeze %dma_start3A_688 : memref<1x1x32768xf32, #tpu.memory_space<hbm>> -> memref<32768xf32, #tpu.memory_space<hbm>>
        %dma_start3A_690 = arith.constant 65536 : i32
        %dma_start3A_691 = tpu.memref_slice %arg7[%dma_start3A_690] : memref<98304xf32, #tpu.memory_space<vmem>> -> memref<32768xf32, #tpu.memory_space<vmem>>
        %dma_start3A_692 = arith.constant 0 : i32
        %dma_start3A_693 = tpu.memref_slice %arg3[%select_n3A, %add3A_684, %dma_start3A_692] : memref<8x256x32768xf32, #tpu.memory_space<hbm>> -> memref<1x1x32768xf32, #tpu.memory_space<hbm>>
        %dma_start3A_694 = tpu.memref_squeeze %dma_start3A_693 : memref<1x1x32768xf32, #tpu.memory_space<hbm>> -> memref<32768xf32, #tpu.memory_space<hbm>>
        tpu.enqueue_dma source(%dma_start3A_694 : memref<32768xf32, #tpu.memory_space<hbm>>) target(%dma_start3A_691 : memref<32768xf32, #tpu.memory_space<vmem>>) target_semaphore(%arg12 : memref<!tpu.dma_semaphore, #tpu.memory_space<semaphore_mem>>)
      } else {
      }
      %add3A_668 = arith.addi %mul3A_34, %add3A_642 : i32
      %dma_start3A_669 = arith.constant 1 : i32
      %dma_start3A_670 = arith.constant 0 : i32
      %dma_start3A_671 = tpu.memref_slice %arg9[%dma_start3A_669, %dma_start3A_670] : memref<2x4096xf32, #tpu.memory_space<vmem>> -> memref<1x4096xf32, #tpu.memory_space<vmem>>
      %dma_start3A_672 = tpu.memref_squeeze %dma_start3A_671 : memref<1x4096xf32, #tpu.memory_space<vmem>> -> memref<4096xf32, #tpu.memory_space<vmem>>
      %dma_start3A_673 = arith.constant 0 : i32
      %dma_start3A_674 = tpu.memref_slice %arg6[%select_n3A, %add3A_668, %dma_start3A_673] : memref<8x256x4096xf32, #tpu.memory_space<hbm>> -> memref<1x1x4096xf32, #tpu.memory_space<hbm>>
      %dma_start3A_675 = tpu.memref_squeeze %dma_start3A_674 : memref<1x1x4096xf32, #tpu.memory_space<hbm>> -> memref<4096xf32, #tpu.memory_space<hbm>>
      %dma_start3A_676 = arith.constant 0 : i32
      %dma_start3A_677 = tpu.memref_slice %arg6[%select_n3A, %add3A_668, %dma_start3A_676] : memref<8x256x4096xf32, #tpu.memory_space<hbm>> -> memref<1x1x4096xf32, #tpu.memory_space<hbm>>
      %dma_start3A_678 = tpu.memref_squeeze %dma_start3A_677 : memref<1x1x4096xf32, #tpu.memory_space<hbm>> -> memref<4096xf32, #tpu.memory_space<hbm>>
      %dma_start3A_679 = arith.constant 0 : i32
      %dma_start3A_680 = tpu.memref_slice %arg9[%dma_start3A_669, %dma_start3A_679] : memref<2x4096xf32, #tpu.memory_space<vmem>> -> memref<1x4096xf32, #tpu.memory_space<vmem>>
      %dma_start3A_681 = tpu.memref_squeeze %dma_start3A_680 : memref<1x4096xf32, #tpu.memory_space<vmem>> -> memref<4096xf32, #tpu.memory_space<vmem>>
      tpu.enqueue_dma source(%dma_start3A_681 : memref<4096xf32, #tpu.memory_space<vmem>>) target(%dma_start3A_678 : memref<4096xf32, #tpu.memory_space<hbm>>) target_semaphore(%arg14 : memref<!tpu.dma_semaphore, #tpu.memory_space<semaphore_mem>>)
    }
    %scan3A_231 = arith.constant 10 : i32
    %dma_wait3A_232 = arith.constant 0 : i32
    %dma_wait3A_233 = tpu.memref_slice %arg7[%dma_wait3A_232] : memref<98304xf32, #tpu.memory_space<vmem>> -> memref<32768xf32, #tpu.memory_space<vmem>>
    %dma_wait3A_234 = arith.constant 0 : i32
    %dma_wait3A_235 = tpu.memref_slice %arg3[%select_n3A, %mul3A_34, %dma_wait3A_234] : memref<8x256x32768xf32, #tpu.memory_space<hbm>> -> memref<1x1x32768xf32, #tpu.memory_space<hbm>>
    %dma_wait3A_236 = tpu.memref_squeeze %dma_wait3A_235 : memref<1x1x32768xf32, #tpu.memory_space<hbm>> -> memref<32768xf32, #tpu.memory_space<hbm>>
    %dma_wait3A_237 = arith.constant 0 : i32
    %dma_wait3A_238 = tpu.memref_slice %arg7[%dma_wait3A_237] : memref<98304xf32, #tpu.memory_space<vmem>> -> memref<32768xf32, #tpu.memory_space<vmem>>
    %dma_wait3A_239 = arith.constant 0 : i32
    %dma_wait3A_240 = tpu.memref_slice %arg3[%select_n3A, %mul3A_34, %dma_wait3A_239] : memref<8x256x32768xf32, #tpu.memory_space<hbm>> -> memref<1x1x32768xf32, #tpu.memory_space<hbm>>
    %dma_wait3A_241 = tpu.memref_squeeze %dma_wait3A_240 : memref<1x1x32768xf32, #tpu.memory_space<hbm>> -> memref<32768xf32, #tpu.memory_space<hbm>>
    tpu.wait_dma2 semaphore(%arg10 : memref<!tpu.dma_semaphore, #tpu.memory_space<semaphore_mem>>) src(%dma_wait3A_241 : memref<32768xf32, #tpu.memory_space<hbm>>) dst(%dma_wait3A_238 : memref<32768xf32, #tpu.memory_space<vmem>>)
    %dma_wait3A_242 = arith.constant 0 : i32
    %dma_wait3A_243 = arith.constant 0 : i32
    %dma_wait3A_244 = tpu.memref_slice %arg9[%dma_wait3A_242, %dma_wait3A_243] : memref<2x4096xf32, #tpu.memory_space<vmem>> -> memref<1x4096xf32, #tpu.memory_space<vmem>>
    %dma_wait3A_245 = tpu.memref_squeeze %dma_wait3A_244 : memref<1x4096xf32, #tpu.memory_space<vmem>> -> memref<4096xf32, #tpu.memory_space<vmem>>
    %dma_wait3A_246 = arith.constant 0 : i32
    %dma_wait3A_247 = tpu.memref_slice %arg6[%select_n3A, %mul3A_34, %dma_wait3A_246] : memref<8x256x4096xf32, #tpu.memory_space<hbm>> -> memref<1x1x4096xf32, #tpu.memory_space<hbm>>
    %dma_wait3A_248 = tpu.memref_squeeze %dma_wait3A_247 : memref<1x1x4096xf32, #tpu.memory_space<hbm>> -> memref<4096xf32, #tpu.memory_space<hbm>>
    %dma_wait3A_249 = arith.constant 0 : i32
    %dma_wait3A_250 = tpu.memref_slice %arg6[%select_n3A, %mul3A_34, %dma_wait3A_249] : memref<8x256x4096xf32, #tpu.memory_space<hbm>> -> memref<1x1x4096xf32, #tpu.memory_space<hbm>>
    %dma_wait3A_251 = tpu.memref_squeeze %dma_wait3A_250 : memref<1x1x4096xf32, #tpu.memory_space<hbm>> -> memref<4096xf32, #tpu.memory_space<hbm>>
    %dma_wait3A_252 = arith.constant 0 : i32
    %dma_wait3A_253 = tpu.memref_slice %arg9[%dma_wait3A_242, %dma_wait3A_252] : memref<2x4096xf32, #tpu.memory_space<vmem>> -> memref<1x4096xf32, #tpu.memory_space<vmem>>
    %dma_wait3A_254 = tpu.memref_squeeze %dma_wait3A_253 : memref<1x4096xf32, #tpu.memory_space<vmem>> -> memref<4096xf32, #tpu.memory_space<vmem>>
    tpu.wait_dma2 semaphore(%arg13 : memref<!tpu.dma_semaphore, #tpu.memory_space<semaphore_mem>>) src(%dma_wait3A_254 : memref<4096xf32, #tpu.memory_space<vmem>>) dst(%dma_wait3A_251 : memref<4096xf32, #tpu.memory_space<hbm>>)
    %parallel_loop3A_255 = arith.constant 0 : i32
    %parallel_loop3A_256 = arith.constant 4096 : i32
    %parallel_loop3A_257 = arith.constant 16 : i32
    scf.for %parallel_loop3A_436 = %parallel_loop3A_255 to %parallel_loop3A_256 step %parallel_loop3A_257  : i32 {
      %parallel_loop3A_437 = arith.index_cast %parallel_loop3A_436 : i32 to index
      %parallel_loop3A_438 = tpu.vector_load %arg8[%parallel_loop3A_437] {strides = array<i32>} : memref<4096xi32, #tpu.memory_space<vmem>>, vector<16xi32>,
      %parallel_loop3A_439 = arith.constant 0 : i32
      %parallel_loop3A_440 = tpu.memref_slice %arg7[%parallel_loop3A_439] : memref<98304xf32, #tpu.memory_space<vmem>> -> memref<32768xf32, #tpu.memory_space<vmem>>
      %parallel_loop3A_441 = tpu.vector_load_idx %parallel_loop3A_440[%parallel_loop3A_438] : memref<32768xf32, #tpu.memory_space<vmem>>[vector<16xi32>], vector<16xf32>,
      %parallel_loop3A_442 = arith.constant 0 : i32
      %parallel_loop3A_443 = arith.index_cast %parallel_loop3A_442 : i32 to index
      %parallel_loop3A_444 = arith.index_cast %parallel_loop3A_436 : i32 to index
      %parallel_loop3A_445 = tpu.vector_load %arg9[%parallel_loop3A_443, %parallel_loop3A_444] {strides = array<i32>} : memref<2x4096xf32, #tpu.memory_space<vmem>>, vector<16xf32>,
      tpu.vector_store %arg9[%parallel_loop3A_443, %parallel_loop3A_444], %parallel_loop3A_441 {strides = array<i32>} : memref<2x4096xf32, #tpu.memory_space<vmem>>, vector<16xf32>,
    } {sc.loop_unroll_factor = 8 : i64, sc.parallel_access}
    %add3A_258 = arith.constant 60 : i32
    %add3A_259 = arith.addi %mul3A_34, %add3A_258 : i32
    %add3A_260 = arith.constant 3 : i32
    %add3A_261 = arith.addi %add3A_259, %add3A_260 : i32
    %dma_start3A_262 = arith.constant 0 : i32
    %dma_start3A_263 = tpu.memref_slice %arg7[%dma_start3A_262] : memref<98304xf32, #tpu.memory_space<vmem>> -> memref<32768xf32, #tpu.memory_space<vmem>>
    %dma_start3A_264 = arith.constant 0 : i32
    %dma_start3A_265 = tpu.memref_slice %arg3[%select_n3A, %add3A_261, %dma_start3A_264] : memref<8x256x32768xf32, #tpu.memory_space<hbm>> -> memref<1x1x32768xf32, #tpu.memory_space<hbm>>
    %dma_start3A_266 = tpu.memref_squeeze %dma_start3A_265 : memref<1x1x32768xf32, #tpu.memory_space<hbm>> -> memref<32768xf32, #tpu.memory_space<hbm>>
    %dma_start3A_267 = arith.constant 0 : i32
    %dma_start3A_268 = tpu.memref_slice %arg7[%dma_start3A_267] : memref<98304xf32, #tpu.memory_space<vmem>> -> memref<32768xf32, #tpu.memory_space<vmem>>
    %dma_start3A_269 = arith.constant 0 : i32
    %dma_start3A_270 = tpu.memref_slice %arg3[%select_n3A, %add3A_261, %dma_start3A_269] : memref<8x256x32768xf32, #tpu.memory_space<hbm>> -> memref<1x1x32768xf32, #tpu.memory_space<hbm>>
    %dma_start3A_271 = tpu.memref_squeeze %dma_start3A_270 : memref<1x1x32768xf32, #tpu.memory_space<hbm>> -> memref<32768xf32, #tpu.memory_space<hbm>>
    tpu.enqueue_dma source(%dma_start3A_271 : memref<32768xf32, #tpu.memory_space<hbm>>) target(%dma_start3A_268 : memref<32768xf32, #tpu.memory_space<vmem>>) target_semaphore(%arg10 : memref<!tpu.dma_semaphore, #tpu.memory_space<semaphore_mem>>)
    %add3A_272 = arith.constant 60 : i32
    %add3A_273 = arith.addi %mul3A_34, %add3A_272 : i32
    %dma_start3A_274 = arith.constant 0 : i32
    %dma_start3A_275 = arith.constant 0 : i32
    %dma_start3A_276 = tpu.memref_slice %arg9[%dma_start3A_274, %dma_start3A_275] : memref<2x4096xf32, #tpu.memory_space<vmem>> -> memref<1x4096xf32, #tpu.memory_space<vmem>>
    %dma_start3A_277 = tpu.memref_squeeze %dma_start3A_276 : memref<1x4096xf32, #tpu.memory_space<vmem>> -> memref<4096xf32, #tpu.memory_space<vmem>>
    %dma_start3A_278 = arith.constant 0 : i32
    %dma_start3A_279 = tpu.memref_slice %arg6[%select_n3A, %add3A_273, %dma_start3A_278] : memref<8x256x4096xf32, #tpu.memory_space<hbm>> -> memref<1x1x4096xf32, #tpu.memory_space<hbm>>
    %dma_start3A_280 = tpu.memref_squeeze %dma_start3A_279 : memref<1x1x4096xf32, #tpu.memory_space<hbm>> -> memref<4096xf32, #tpu.memory_space<hbm>>
    %dma_start3A_281 = arith.constant 0 : i32
    %dma_start3A_282 = tpu.memref_slice %arg6[%select_n3A, %add3A_273, %dma_start3A_281] : memref<8x256x4096xf32, #tpu.memory_space<hbm>> -> memref<1x1x4096xf32, #tpu.memory_space<hbm>>
    %dma_start3A_283 = tpu.memref_squeeze %dma_start3A_282 : memref<1x1x4096xf32, #tpu.memory_space<hbm>> -> memref<4096xf32, #tpu.memory_space<hbm>>
    %dma_start3A_284 = arith.constant 0 : i32
    %dma_start3A_285 = tpu.memref_slice %arg9[%dma_start3A_274, %dma_start3A_284] : memref<2x4096xf32, #tpu.memory_space<vmem>> -> memref<1x4096xf32, #tpu.memory_space<vmem>>
    %dma_start3A_286 = tpu.memref_squeeze %dma_start3A_285 : memref<1x4096xf32, #tpu.memory_space<vmem>> -> memref<4096xf32, #tpu.memory_space<vmem>>
    tpu.enqueue_dma source(%dma_start3A_286 : memref<4096xf32, #tpu.memory_space<vmem>>) target(%dma_start3A_283 : memref<4096xf32, #tpu.memory_space<hbm>>) target_semaphore(%arg13 : memref<!tpu.dma_semaphore, #tpu.memory_space<semaphore_mem>>)
    %dma_wait3A_287 = arith.constant 32768 : i32
    %dma_wait3A_288 = tpu.memref_slice %arg7[%dma_wait3A_287] : memref<98304xf32, #tpu.memory_space<vmem>> -> memref<32768xf32, #tpu.memory_space<vmem>>
    %dma_wait3A_289 = arith.constant 0 : i32
    %dma_wait3A_290 = tpu.memref_slice %arg3[%select_n3A, %mul3A_34, %dma_wait3A_289] : memref<8x256x32768xf32, #tpu.memory_space<hbm>> -> memref<1x1x32768xf32, #tpu.memory_space<hbm>>
    %dma_wait3A_291 = tpu.memref_squeeze %dma_wait3A_290 : memref<1x1x32768xf32, #tpu.memory_space<hbm>> -> memref<32768xf32, #tpu.memory_space<hbm>>
    %dma_wait3A_292 = arith.constant 32768 : i32
    %dma_wait3A_293 = tpu.memref_slice %arg7[%dma_wait3A_292] : memref<98304xf32, #tpu.memory_space<vmem>> -> memref<32768xf32, #tpu.memory_space<vmem>>
    %dma_wait3A_294 = arith.constant 0 : i32
    %dma_wait3A_295 = tpu.memref_slice %arg3[%select_n3A, %mul3A_34, %dma_wait3A_294] : memref<8x256x32768xf32, #tpu.memory_space<hbm>> -> memref<1x1x32768xf32, #tpu.memory_space<hbm>>
    %dma_wait3A_296 = tpu.memref_squeeze %dma_wait3A_295 : memref<1x1x32768xf32, #tpu.memory_space<hbm>> -> memref<32768xf32, #tpu.memory_space<hbm>>
    tpu.wait_dma2 semaphore(%arg11 : memref<!tpu.dma_semaphore, #tpu.memory_space<semaphore_mem>>) src(%dma_wait3A_296 : memref<32768xf32, #tpu.memory_space<hbm>>) dst(%dma_wait3A_293 : memref<32768xf32, #tpu.memory_space<vmem>>)
    %dma_wait3A_297 = arith.constant 1 : i32
    %dma_wait3A_298 = arith.constant 0 : i32
    %dma_wait3A_299 = tpu.memref_slice %arg9[%dma_wait3A_297, %dma_wait3A_298] : memref<2x4096xf32, #tpu.memory_space<vmem>> -> memref<1x4096xf32, #tpu.memory_space<vmem>>
    %dma_wait3A_300 = tpu.memref_squeeze %dma_wait3A_299 : memref<1x4096xf32, #tpu.memory_space<vmem>> -> memref<4096xf32, #tpu.memory_space<vmem>>
    %dma_wait3A_301 = arith.constant 0 : i32
    %dma_wait3A_302 = tpu.memref_slice %arg6[%select_n3A, %mul3A_34, %dma_wait3A_301] : memref<8x256x4096xf32, #tpu.memory_space<hbm>> -> memref<1x1x4096xf32, #tpu.memory_space<hbm>>
    %dma_wait3A_303 = tpu.memref_squeeze %dma_wait3A_302 : memref<1x1x4096xf32, #tpu.memory_space<hbm>> -> memref<4096xf32, #tpu.memory_space<hbm>>
    %dma_wait3A_304 = arith.constant 0 : i32
    %dma_wait3A_305 = tpu.memref_slice %arg6[%select_n3A, %mul3A_34, %dma_wait3A_304] : memref<8x256x4096xf32, #tpu.memory_space<hbm>> -> memref<1x1x4096xf32, #tpu.memory_space<hbm>>
    %dma_wait3A_306 = tpu.memref_squeeze %dma_wait3A_305 : memref<1x1x4096xf32, #tpu.memory_space<hbm>> -> memref<4096xf32, #tpu.memory_space<hbm>>
    %dma_wait3A_307 = arith.constant 0 : i32
    %dma_wait3A_308 = tpu.memref_slice %arg9[%dma_wait3A_297, %dma_wait3A_307] : memref<2x4096xf32, #tpu.memory_space<vmem>> -> memref<1x4096xf32, #tpu.memory_space<vmem>>
    %dma_wait3A_309 = tpu.memref_squeeze %dma_wait3A_308 : memref<1x4096xf32, #tpu.memory_space<vmem>> -> memref<4096xf32, #tpu.memory_space<vmem>>
    tpu.wait_dma2 semaphore(%arg14 : memref<!tpu.dma_semaphore, #tpu.memory_space<semaphore_mem>>) src(%dma_wait3A_309 : memref<4096xf32, #tpu.memory_space<vmem>>) dst(%dma_wait3A_306 : memref<4096xf32, #tpu.memory_space<hbm>>)
    %parallel_loop3A_310 = arith.constant 0 : i32
    %parallel_loop3A_311 = arith.constant 4096 : i32
    %parallel_loop3A_312 = arith.constant 16 : i32
    scf.for %parallel_loop3A_436 = %parallel_loop3A_310 to %parallel_loop3A_311 step %parallel_loop3A_312  : i32 {
      %parallel_loop3A_437 = arith.index_cast %parallel_loop3A_436 : i32 to index
      %parallel_loop3A_438 = tpu.vector_load %arg8[%parallel_loop3A_437] {strides = array<i32>} : memref<4096xi32, #tpu.memory_space<vmem>>, vector<16xi32>,
      %parallel_loop3A_439 = arith.constant 32768 : i32
      %parallel_loop3A_440 = tpu.memref_slice %arg7[%parallel_loop3A_439] : memref<98304xf32, #tpu.memory_space<vmem>> -> memref<32768xf32, #tpu.memory_space<vmem>>
      %parallel_loop3A_441 = tpu.vector_load_idx %parallel_loop3A_440[%parallel_loop3A_438] : memref<32768xf32, #tpu.memory_space<vmem>>[vector<16xi32>], vector<16xf32>,
      %parallel_loop3A_442 = arith.constant 1 : i32
      %parallel_loop3A_443 = arith.index_cast %parallel_loop3A_442 : i32 to index
      %parallel_loop3A_444 = arith.index_cast %parallel_loop3A_436 : i32 to index
      %parallel_loop3A_445 = tpu.vector_load %arg9[%parallel_loop3A_443, %parallel_loop3A_444] {strides = array<i32>} : memref<2x4096xf32, #tpu.memory_space<vmem>>, vector<16xf32>,
      tpu.vector_store %arg9[%parallel_loop3A_443, %parallel_loop3A_444], %parallel_loop3A_441 {strides = array<i32>} : memref<2x4096xf32, #tpu.memory_space<vmem>>, vector<16xf32>,
    } {sc.loop_unroll_factor = 8 : i64, sc.parallel_access}
    %add3A_313 = arith.constant 61 : i32
    %add3A_314 = arith.addi %mul3A_34, %add3A_313 : i32
    %dma_start3A_315 = arith.constant 1 : i32
    %dma_start3A_316 = arith.constant 0 : i32
    %dma_start3A_317 = tpu.memref_slice %arg9[%dma_start3A_315, %dma_start3A_316] : memref<2x4096xf32, #tpu.memory_space<vmem>> -> memref<1x4096xf32, #tpu.memory_space<vmem>>
    %dma_start3A_318 = tpu.memref_squeeze %dma_start3A_317 : memref<1x4096xf32, #tpu.memory_space<vmem>> -> memref<4096xf32, #tpu.memory_space<vmem>>
    %dma_start3A_319 = arith.constant 0 : i32
    %dma_start3A_320 = tpu.memref_slice %arg6[%select_n3A, %add3A_314, %dma_start3A_319] : memref<8x256x4096xf32, #tpu.memory_space<hbm>> -> memref<1x1x4096xf32, #tpu.memory_space<hbm>>
    %dma_start3A_321 = tpu.memref_squeeze %dma_start3A_320 : memref<1x1x4096xf32, #tpu.memory_space<hbm>> -> memref<4096xf32, #tpu.memory_space<hbm>>
    %dma_start3A_322 = arith.constant 0 : i32
    %dma_start3A_323 = tpu.memref_slice %arg6[%select_n3A, %add3A_314, %dma_start3A_322] : memref<8x256x4096xf32, #tpu.memory_space<hbm>> -> memref<1x1x4096xf32, #tpu.memory_space<hbm>>
    %dma_start3A_324 = tpu.memref_squeeze %dma_start3A_323 : memref<1x1x4096xf32, #tpu.memory_space<hbm>> -> memref<4096xf32, #tpu.memory_space<hbm>>
    %dma_start3A_325 = arith.constant 0 : i32
    %dma_start3A_326 = tpu.memref_slice %arg9[%dma_start3A_315, %dma_start3A_325] : memref<2x4096xf32, #tpu.memory_space<vmem>> -> memref<1x4096xf32, #tpu.memory_space<vmem>>
    %dma_start3A_327 = tpu.memref_squeeze %dma_start3A_326 : memref<1x4096xf32, #tpu.memory_space<vmem>> -> memref<4096xf32, #tpu.memory_space<vmem>>
    tpu.enqueue_dma source(%dma_start3A_327 : memref<4096xf32, #tpu.memory_space<vmem>>) target(%dma_start3A_324 : memref<4096xf32, #tpu.memory_space<hbm>>) target_semaphore(%arg14 : memref<!tpu.dma_semaphore, #tpu.memory_space<semaphore_mem>>)
    %dma_wait3A_328 = arith.constant 65536 : i32
    %dma_wait3A_329 = tpu.memref_slice %arg7[%dma_wait3A_328] : memref<98304xf32, #tpu.memory_space<vmem>> -> memref<32768xf32, #tpu.memory_space<vmem>>
    %dma_wait3A_330 = arith.constant 0 : i32
    %dma_wait3A_331 = tpu.memref_slice %arg3[%select_n3A, %mul3A_34, %dma_wait3A_330] : memref<8x256x32768xf32, #tpu.memory_space<hbm>> -> memref<1x1x32768xf32, #tpu.memory_space<hbm>>
    %dma_wait3A_332 = tpu.memref_squeeze %dma_wait3A_331 : memref<1x1x32768xf32, #tpu.memory_space<hbm>> -> memref<32768xf32, #tpu.memory_space<hbm>>
    %dma_wait3A_333 = arith.constant 65536 : i32
    %dma_wait3A_334 = tpu.memref_slice %arg7[%dma_wait3A_333] : memref<98304xf32, #tpu.memory_space<vmem>> -> memref<32768xf32, #tpu.memory_space<vmem>>
    %dma_wait3A_335 = arith.constant 0 : i32
    %dma_wait3A_336 = tpu.memref_slice %arg3[%select_n3A, %mul3A_34, %dma_wait3A_335] : memref<8x256x32768xf32, #tpu.memory_space<hbm>> -> memref<1x1x32768xf32, #tpu.memory_space<hbm>>
    %dma_wait3A_337 = tpu.memref_squeeze %dma_wait3A_336 : memref<1x1x32768xf32, #tpu.memory_space<hbm>> -> memref<32768xf32, #tpu.memory_space<hbm>>
    tpu.wait_dma2 semaphore(%arg12 : memref<!tpu.dma_semaphore, #tpu.memory_space<semaphore_mem>>) src(%dma_wait3A_337 : memref<32768xf32, #tpu.memory_space<hbm>>) dst(%dma_wait3A_334 : memref<32768xf32, #tpu.memory_space<vmem>>)
    %dma_wait3A_338 = arith.constant 0 : i32
    %dma_wait3A_339 = arith.constant 0 : i32
    %dma_wait3A_340 = tpu.memref_slice %arg9[%dma_wait3A_338, %dma_wait3A_339] : memref<2x4096xf32, #tpu.memory_space<vmem>> -> memref<1x4096xf32, #tpu.memory_space<vmem>>
    %dma_wait3A_341 = tpu.memref_squeeze %dma_wait3A_340 : memref<1x4096xf32, #tpu.memory_space<vmem>> -> memref<4096xf32, #tpu.memory_space<vmem>>
    %dma_wait3A_342 = arith.constant 0 : i32
    %dma_wait3A_343 = tpu.memref_slice %arg6[%select_n3A, %mul3A_34, %dma_wait3A_342] : memref<8x256x4096xf32, #tpu.memory_space<hbm>> -> memref<1x1x4096xf32, #tpu.memory_space<hbm>>
    %dma_wait3A_344 = tpu.memref_squeeze %dma_wait3A_343 : memref<1x1x4096xf32, #tpu.memory_space<hbm>> -> memref<4096xf32, #tpu.memory_space<hbm>>
    %dma_wait3A_345 = arith.constant 0 : i32
    %dma_wait3A_346 = tpu.memref_slice %arg6[%select_n3A, %mul3A_34, %dma_wait3A_345] : memref<8x256x4096xf32, #tpu.memory_space<hbm>> -> memref<1x1x4096xf32, #tpu.memory_space<hbm>>
    %dma_wait3A_347 = tpu.memref_squeeze %dma_wait3A_346 : memref<1x1x4096xf32, #tpu.memory_space<hbm>> -> memref<4096xf32, #tpu.memory_space<hbm>>
    %dma_wait3A_348 = arith.constant 0 : i32
    %dma_wait3A_349 = tpu.memref_slice %arg9[%dma_wait3A_338, %dma_wait3A_348] : memref<2x4096xf32, #tpu.memory_space<vmem>> -> memref<1x4096xf32, #tpu.memory_space<vmem>>
    %dma_wait3A_350 = tpu.memref_squeeze %dma_wait3A_349 : memref<1x4096xf32, #tpu.memory_space<vmem>> -> memref<4096xf32, #tpu.memory_space<vmem>>
    tpu.wait_dma2 semaphore(%arg13 : memref<!tpu.dma_semaphore, #tpu.memory_space<semaphore_mem>>) src(%dma_wait3A_350 : memref<4096xf32, #tpu.memory_space<vmem>>) dst(%dma_wait3A_347 : memref<4096xf32, #tpu.memory_space<hbm>>)
    %parallel_loop3A_351 = arith.constant 0 : i32
    %parallel_loop3A_352 = arith.constant 4096 : i32
    %parallel_loop3A_353 = arith.constant 16 : i32
    scf.for %parallel_loop3A_436 = %parallel_loop3A_351 to %parallel_loop3A_352 step %parallel_loop3A_353  : i32 {
      %parallel_loop3A_437 = arith.index_cast %parallel_loop3A_436 : i32 to index
      %parallel_loop3A_438 = tpu.vector_load %arg8[%parallel_loop3A_437] {strides = array<i32>} : memref<4096xi32, #tpu.memory_space<vmem>>, vector<16xi32>,
      %parallel_loop3A_439 = arith.constant 65536 : i32
      %parallel_loop3A_440 = tpu.memref_slice %arg7[%parallel_loop3A_439] : memref<98304xf32, #tpu.memory_space<vmem>> -> memref<32768xf32, #tpu.memory_space<vmem>>
      %parallel_loop3A_441 = tpu.vector_load_idx %parallel_loop3A_440[%parallel_loop3A_438] : memref<32768xf32, #tpu.memory_space<vmem>>[vector<16xi32>], vector<16xf32>,
      %parallel_loop3A_442 = arith.constant 0 : i32
      %parallel_loop3A_443 = arith.index_cast %parallel_loop3A_442 : i32 to index
      %parallel_loop3A_444 = arith.index_cast %parallel_loop3A_436 : i32 to index
      %parallel_loop3A_445 = tpu.vector_load %arg9[%parallel_loop3A_443, %parallel_loop3A_444] {strides = array<i32>} : memref<2x4096xf32, #tpu.memory_space<vmem>>, vector<16xf32>,
      tpu.vector_store %arg9[%parallel_loop3A_443, %parallel_loop3A_444], %parallel_loop3A_441 {strides = array<i32>} : memref<2x4096xf32, #tpu.memory_space<vmem>>, vector<16xf32>,
    } {sc.loop_unroll_factor = 8 : i64, sc.parallel_access}
    %add3A_354 = arith.constant 62 : i32
    %add3A_355 = arith.addi %mul3A_34, %add3A_354 : i32
    %dma_start3A_356 = arith.constant 0 : i32
    %dma_start3A_357 = arith.constant 0 : i32
    %dma_start3A_358 = tpu.memref_slice %arg9[%dma_start3A_356, %dma_start3A_357] : memref<2x4096xf32, #tpu.memory_space<vmem>> -> memref<1x4096xf32, #tpu.memory_space<vmem>>
    %dma_start3A_359 = tpu.memref_squeeze %dma_start3A_358 : memref<1x4096xf32, #tpu.memory_space<vmem>> -> memref<4096xf32, #tpu.memory_space<vmem>>
    %dma_start3A_360 = arith.constant 0 : i32
    %dma_start3A_361 = tpu.memref_slice %arg6[%select_n3A, %add3A_355, %dma_start3A_360] : memref<8x256x4096xf32, #tpu.memory_space<hbm>> -> memref<1x1x4096xf32, #tpu.memory_space<hbm>>
    %dma_start3A_362 = tpu.memref_squeeze %dma_start3A_361 : memref<1x1x4096xf32, #tpu.memory_space<hbm>> -> memref<4096xf32, #tpu.memory_space<hbm>>
    %dma_start3A_363 = arith.constant 0 : i32
    %dma_start3A_364 = tpu.memref_slice %arg6[%select_n3A, %add3A_355, %dma_start3A_363] : memref<8x256x4096xf32, #tpu.memory_space<hbm>> -> memref<1x1x4096xf32, #tpu.memory_space<hbm>>
    %dma_start3A_365 = tpu.memref_squeeze %dma_start3A_364 : memref<1x1x4096xf32, #tpu.memory_space<hbm>> -> memref<4096xf32, #tpu.memory_space<hbm>>
    %dma_start3A_366 = arith.constant 0 : i32
    %dma_start3A_367 = tpu.memref_slice %arg9[%dma_start3A_356, %dma_start3A_366] : memref<2x4096xf32, #tpu.memory_space<vmem>> -> memref<1x4096xf32, #tpu.memory_space<vmem>>
    %dma_start3A_368 = tpu.memref_squeeze %dma_start3A_367 : memref<1x4096xf32, #tpu.memory_space<vmem>> -> memref<4096xf32, #tpu.memory_space<vmem>>
    tpu.enqueue_dma source(%dma_start3A_368 : memref<4096xf32, #tpu.memory_space<vmem>>) target(%dma_start3A_365 : memref<4096xf32, #tpu.memory_space<hbm>>) target_semaphore(%arg13 : memref<!tpu.dma_semaphore, #tpu.memory_space<semaphore_mem>>)
    %dma_wait3A_369 = arith.constant 0 : i32
    %dma_wait3A_370 = tpu.memref_slice %arg7[%dma_wait3A_369] : memref<98304xf32, #tpu.memory_space<vmem>> -> memref<32768xf32, #tpu.memory_space<vmem>>
    %dma_wait3A_371 = arith.constant 0 : i32
    %dma_wait3A_372 = tpu.memref_slice %arg3[%select_n3A, %mul3A_34, %dma_wait3A_371] : memref<8x256x32768xf32, #tpu.memory_space<hbm>> -> memref<1x1x32768xf32, #tpu.memory_space<hbm>>
    %dma_wait3A_373 = tpu.memref_squeeze %dma_wait3A_372 : memref<1x1x32768xf32, #tpu.memory_space<hbm>> -> memref<32768xf32, #tpu.memory_space<hbm>>
    %dma_wait3A_374 = arith.constant 0 : i32
    %dma_wait3A_375 = tpu.memref_slice %arg7[%dma_wait3A_374] : memref<98304xf32, #tpu.memory_space<vmem>> -> memref<32768xf32, #tpu.memory_space<vmem>>
    %dma_wait3A_376 = arith.constant 0 : i32
    %dma_wait3A_377 = tpu.memref_slice %arg3[%select_n3A, %mul3A_34, %dma_wait3A_376] : memref<8x256x32768xf32, #tpu.memory_space<hbm>> -> memref<1x1x32768xf32, #tpu.memory_space<hbm>>
    %dma_wait3A_378 = tpu.memref_squeeze %dma_wait3A_377 : memref<1x1x32768xf32, #tpu.memory_space<hbm>> -> memref<32768xf32, #tpu.memory_space<hbm>>
    tpu.wait_dma2 semaphore(%arg10 : memref<!tpu.dma_semaphore, #tpu.memory_space<semaphore_mem>>) src(%dma_wait3A_378 : memref<32768xf32, #tpu.memory_space<hbm>>) dst(%dma_wait3A_375 : memref<32768xf32, #tpu.memory_space<vmem>>)
    %dma_wait3A_379 = arith.constant 1 : i32
    %dma_wait3A_380 = arith.constant 0 : i32
    %dma_wait3A_381 = tpu.memref_slice %arg9[%dma_wait3A_379, %dma_wait3A_380] : memref<2x4096xf32, #tpu.memory_space<vmem>> -> memref<1x4096xf32, #tpu.memory_space<vmem>>
    %dma_wait3A_382 = tpu.memref_squeeze %dma_wait3A_381 : memref<1x4096xf32, #tpu.memory_space<vmem>> -> memref<4096xf32, #tpu.memory_space<vmem>>
    %dma_wait3A_383 = arith.constant 0 : i32
    %dma_wait3A_384 = tpu.memref_slice %arg6[%select_n3A, %mul3A_34, %dma_wait3A_383] : memref<8x256x4096xf32, #tpu.memory_space<hbm>> -> memref<1x1x4096xf32, #tpu.memory_space<hbm>>
    %dma_wait3A_385 = tpu.memref_squeeze %dma_wait3A_384 : memref<1x1x4096xf32, #tpu.memory_space<hbm>> -> memref<4096xf32, #tpu.memory_space<hbm>>
    %dma_wait3A_386 = arith.constant 0 : i32
    %dma_wait3A_387 = tpu.memref_slice %arg6[%select_n3A, %mul3A_34, %dma_wait3A_386] : memref<8x256x4096xf32, #tpu.memory_space<hbm>> -> memref<1x1x4096xf32, #tpu.memory_space<hbm>>
    %dma_wait3A_388 = tpu.memref_squeeze %dma_wait3A_387 : memref<1x1x4096xf32, #tpu.memory_space<hbm>> -> memref<4096xf32, #tpu.memory_space<hbm>>
    %dma_wait3A_389 = arith.constant 0 : i32
    %dma_wait3A_390 = tpu.memref_slice %arg9[%dma_wait3A_379, %dma_wait3A_389] : memref<2x4096xf32, #tpu.memory_space<vmem>> -> memref<1x4096xf32, #tpu.memory_space<vmem>>
    %dma_wait3A_391 = tpu.memref_squeeze %dma_wait3A_390 : memref<1x4096xf32, #tpu.memory_space<vmem>> -> memref<4096xf32, #tpu.memory_space<vmem>>
    tpu.wait_dma2 semaphore(%arg14 : memref<!tpu.dma_semaphore, #tpu.memory_space<semaphore_mem>>) src(%dma_wait3A_391 : memref<4096xf32, #tpu.memory_space<vmem>>) dst(%dma_wait3A_388 : memref<4096xf32, #tpu.memory_space<hbm>>)
    %parallel_loop3A_392 = arith.constant 0 : i32
    %parallel_loop3A_393 = arith.constant 4096 : i32
    %parallel_loop3A_394 = arith.constant 16 : i32
    scf.for %parallel_loop3A_436 = %parallel_loop3A_392 to %parallel_loop3A_393 step %parallel_loop3A_394  : i32 {
      %parallel_loop3A_437 = arith.index_cast %parallel_loop3A_436 : i32 to index
      %parallel_loop3A_438 = tpu.vector_load %arg8[%parallel_loop3A_437] {strides = array<i32>} : memref<4096xi32, #tpu.memory_space<vmem>>, vector<16xi32>,
      %parallel_loop3A_439 = arith.constant 0 : i32
      %parallel_loop3A_440 = tpu.memref_slice %arg7[%parallel_loop3A_439] : memref<98304xf32, #tpu.memory_space<vmem>> -> memref<32768xf32, #tpu.memory_space<vmem>>
      %parallel_loop3A_441 = tpu.vector_load_idx %parallel_loop3A_440[%parallel_loop3A_438] : memref<32768xf32, #tpu.memory_space<vmem>>[vector<16xi32>], vector<16xf32>,
      %parallel_loop3A_442 = arith.constant 1 : i32
      %parallel_loop3A_443 = arith.index_cast %parallel_loop3A_442 : i32 to index
      %parallel_loop3A_444 = arith.index_cast %parallel_loop3A_436 : i32 to index
      %parallel_loop3A_445 = tpu.vector_load %arg9[%parallel_loop3A_443, %parallel_loop3A_444] {strides = array<i32>} : memref<2x4096xf32, #tpu.memory_space<vmem>>, vector<16xf32>,
      tpu.vector_store %arg9[%parallel_loop3A_443, %parallel_loop3A_444], %parallel_loop3A_441 {strides = array<i32>} : memref<2x4096xf32, #tpu.memory_space<vmem>>, vector<16xf32>,
    } {sc.loop_unroll_factor = 8 : i64, sc.parallel_access}
    %add3A_395 = arith.constant 63 : i32
    %add3A_396 = arith.addi %mul3A_34, %add3A_395 : i32
    %dma_start3A_397 = arith.constant 1 : i32
    %dma_start3A_398 = arith.constant 0 : i32
    %dma_start3A_399 = tpu.memref_slice %arg9[%dma_start3A_397, %dma_start3A_398] : memref<2x4096xf32, #tpu.memory_space<vmem>> -> memref<1x4096xf32, #tpu.memory_space<vmem>>
    %dma_start3A_400 = tpu.memref_squeeze %dma_start3A_399 : memref<1x4096xf32, #tpu.memory_space<vmem>> -> memref<4096xf32, #tpu.memory_space<vmem>>
    %dma_start3A_401 = arith.constant 0 : i32
    %dma_start3A_402 = tpu.memref_slice %arg6[%select_n3A, %add3A_396, %dma_start3A_401] : memref<8x256x4096xf32, #tpu.memory_space<hbm>> -> memref<1x1x4096xf32, #tpu.memory_space<hbm>>
    %dma_start3A_403 = tpu.memref_squeeze %dma_start3A_402 : memref<1x1x4096xf32, #tpu.memory_space<hbm>> -> memref<4096xf32, #tpu.memory_space<hbm>>
    %dma_start3A_404 = arith.constant 0 : i32
    %dma_start3A_405 = tpu.memref_slice %arg6[%select_n3A, %add3A_396, %dma_start3A_404] : memref<8x256x4096xf32, #tpu.memory_space<hbm>> -> memref<1x1x4096xf32, #tpu.memory_space<hbm>>
    %dma_start3A_406 = tpu.memref_squeeze %dma_start3A_405 : memref<1x1x4096xf32, #tpu.memory_space<hbm>> -> memref<4096xf32, #tpu.memory_space<hbm>>
    %dma_start3A_407 = arith.constant 0 : i32
    %dma_start3A_408 = tpu.memref_slice %arg9[%dma_start3A_397, %dma_start3A_407] : memref<2x4096xf32, #tpu.memory_space<vmem>> -> memref<1x4096xf32, #tpu.memory_space<vmem>>
    %dma_start3A_409 = tpu.memref_squeeze %dma_start3A_408 : memref<1x4096xf32, #tpu.memory_space<vmem>> -> memref<4096xf32, #tpu.memory_space<vmem>>
    tpu.enqueue_dma source(%dma_start3A_409 : memref<4096xf32, #tpu.memory_space<vmem>>) target(%dma_start3A_406 : memref<4096xf32, #tpu.memory_space<hbm>>) target_semaphore(%arg14 : memref<!tpu.dma_semaphore, #tpu.memory_space<semaphore_mem>>)
    %dma_wait3A_410 = arith.constant 0 : i32
    %dma_wait3A_411 = arith.constant 0 : i32
    %dma_wait3A_412 = tpu.memref_slice %arg9[%dma_wait3A_410, %dma_wait3A_411] : memref<2x4096xf32, #tpu.memory_space<vmem>> -> memref<1x4096xf32, #tpu.memory_space<vmem>>
    %dma_wait3A_413 = tpu.memref_squeeze %dma_wait3A_412 : memref<1x4096xf32, #tpu.memory_space<vmem>> -> memref<4096xf32, #tpu.memory_space<vmem>>
    %dma_wait3A_414 = arith.constant 0 : i32
    %dma_wait3A_415 = tpu.memref_slice %arg6[%select_n3A, %mul3A_34, %dma_wait3A_414] : memref<8x256x4096xf32, #tpu.memory_space<hbm>> -> memref<1x1x4096xf32, #tpu.memory_space<hbm>>
    %dma_wait3A_416 = tpu.memref_squeeze %dma_wait3A_415 : memref<1x1x4096xf32, #tpu.memory_space<hbm>> -> memref<4096xf32, #tpu.memory_space<hbm>>
    %dma_wait3A_417 = arith.constant 0 : i32
    %dma_wait3A_418 = tpu.memref_slice %arg6[%select_n3A, %mul3A_34, %dma_wait3A_417] : memref<8x256x4096xf32, #tpu.memory_space<hbm>> -> memref<1x1x4096xf32, #tpu.memory_space<hbm>>
    %dma_wait3A_419 = tpu.memref_squeeze %dma_wait3A_418 : memref<1x1x4096xf32, #tpu.memory_space<hbm>> -> memref<4096xf32, #tpu.memory_space<hbm>>
    %dma_wait3A_420 = arith.constant 0 : i32
    %dma_wait3A_421 = tpu.memref_slice %arg9[%dma_wait3A_410, %dma_wait3A_420] : memref<2x4096xf32, #tpu.memory_space<vmem>> -> memref<1x4096xf32, #tpu.memory_space<vmem>>
    %dma_wait3A_422 = tpu.memref_squeeze %dma_wait3A_421 : memref<1x4096xf32, #tpu.memory_space<vmem>> -> memref<4096xf32, #tpu.memory_space<vmem>>
    tpu.wait_dma2 semaphore(%arg13 : memref<!tpu.dma_semaphore, #tpu.memory_space<semaphore_mem>>) src(%dma_wait3A_422 : memref<4096xf32, #tpu.memory_space<vmem>>) dst(%dma_wait3A_419 : memref<4096xf32, #tpu.memory_space<hbm>>)
    %dma_wait3A_423 = arith.constant 1 : i32
    %dma_wait3A_424 = arith.constant 0 : i32
    %dma_wait3A_425 = tpu.memref_slice %arg9[%dma_wait3A_423, %dma_wait3A_424] : memref<2x4096xf32, #tpu.memory_space<vmem>> -> memref<1x4096xf32, #tpu.memory_space<vmem>>
    %dma_wait3A_426 = tpu.memref_squeeze %dma_wait3A_425 : memref<1x4096xf32, #tpu.memory_space<vmem>> -> memref<4096xf32, #tpu.memory_space<vmem>>
    %dma_wait3A_427 = arith.constant 0 : i32
    %dma_wait3A_428 = tpu.memref_slice %arg6[%select_n3A, %mul3A_34, %dma_wait3A_427] : memref<8x256x4096xf32, #tpu.memory_space<hbm>> -> memref<1x1x4096xf32, #tpu.memory_space<hbm>>
    %dma_wait3A_429 = tpu.memref_squeeze %dma_wait3A_428 : memref<1x1x4096xf32, #tpu.memory_space<hbm>> -> memref<4096xf32, #tpu.memory_space<hbm>>
    %dma_wait3A_430 = arith.constant 0 : i32
    %dma_wait3A_431 = tpu.memref_slice %arg6[%select_n3A, %mul3A_34, %dma_wait3A_430] : memref<8x256x4096xf32, #tpu.memory_space<hbm>> -> memref<1x1x4096xf32, #tpu.memory_space<hbm>>
    %dma_wait3A_432 = tpu.memref_squeeze %dma_wait3A_431 : memref<1x1x4096xf32, #tpu.memory_space<hbm>> -> memref<4096xf32, #tpu.memory_space<hbm>>
    %dma_wait3A_433 = arith.constant 0 : i32
    %dma_wait3A_434 = tpu.memref_slice %arg9[%dma_wait3A_423, %dma_wait3A_433] : memref<2x4096xf32, #tpu.memory_space<vmem>> -> memref<1x4096xf32, #tpu.memory_space<vmem>>
    %dma_wait3A_435 = tpu.memref_squeeze %dma_wait3A_434 : memref<1x4096xf32, #tpu.memory_space<vmem>> -> memref<4096xf32, #tpu.memory_space<vmem>>
    tpu.wait_dma2 semaphore(%arg14 : memref<!tpu.dma_semaphore, #tpu.memory_space<semaphore_mem>>) src(%dma_wait3A_435 : memref<4096xf32, #tpu.memory_space<vmem>>) dst(%dma_wait3A_432 : memref<4096xf32, #tpu.memory_space<hbm>>)
    return
  }
}

</mosaic_0001>

<sc_bundles>
// kernel: kernel.3.cloned.1.call-start
scs
__scs_entry_jumppad:
0x0: {  	(pc) =	sbr.rel $0x88, $3  }
0x1: {  	(tag) =	ssettag $0x0;
	lr =	simm.s32 $0x1  }
0x2: {  	[smem:$0x3F9E] =	sst lr;
	_ =	strace $0xD0000000  }
0x3: {  	_ = 	snop  }
0x4: {  	_ = 	snop  }
0x5: {  	_ = 	snop  }
0x6: {  	_ = 	snop  }
0x7: {  	_ = 	snop  }
__scs_overlays_trampoline_lowered:
0x8: {  	[smem:$0x3FAD] =	sst s0  }
0x9: {  	[smem:$0x3FAE] =	sst s1  }
0xa: {  	[smem:$0x3FAF] =	sst s2  }
0xb: {  	[smem:$0x3FB0] =	sst s3  }
0xc: {  	[smem:$0x3FB1] =	sst s4  }
0xd: {  	[smem:$0x3FB2] =	sst s5  }
0xe: {  	[smem:$0x3FB3] =	sst s6  }
0xf: {  	[smem:$0x3FB4] =	sst s7  }
0x10: {  	[smem:$0x3FB5] =	sst s8  }
0x11: {  	[smem:$0x3FB6] =	sst s9;
	s0 =	simm.s32 @!p0 $0x0  }
0x12: {  	s1 =	sld [smem:$0x3F9C];
	s0 =	simm.s32 @p0 $0x1  }
0x13: {  	[smem:$0x3FB7] =	sst s0;
	s0 =	simm.s32 @!p1 $0x0  }
0x14: {  	s2 =	sld [smem:$0x3F9B];
	s0 =	simm.s32 @p1 $0x1  }
0x15: {  	[smem:$0x3FB8] =	sst s0;
	s0 =	simm.s32 @!p2 $0x0  }
0x16: {  	s3 =	sld [smem:$0x3FDB];
	s0 =	simm.s32 @p2 $0x1  }
0x17: {  	s4 =	simm.s32 $0x1BF5;
	[smem:$0x3FBA] =	sst s0  }
0x18: {  	s0 =	sld [smem:$0x3F9D];
	_ =	swait.ge [sflag:s4], $0x0  }
0x19: {  	s7 =	sld [smem:$0x3F9E]  }
0x1a: {  	s8 =	sadd.s32 $0xFFFFE003, lr  }
0x1b: {  	s9 =	sadd.s32 $0xFFFFFEF7, lr;
	s5 =	simm.s32 $0xFFFFFFFF;
	p2 =	slt.u32 s8, $0xFFFFF086  }
0x1c: {  	p1 =	slt.u32 s9, $0xF7A;
	s5 =	simm.s32 @!p2 $0x0  }
0x1d: {  	s5 =	simm.s32 @p1 $0x1;
	p0 =	seq.s32 s7, s2  }
0x1e: {  	s7 =	smul.u32 @!p0 $0xF7A, s2;
	p2 =	seq.s32 @!p0 s5, $0x0  }
0x1f: {  	s9 =	smul.u32 $0xF7A, s1;
	s8 =	simm.s32 @!p0 $0x1BF5;
	p2 =	por !p2, p0  }
0x20: {  	[sflag:s8] =	ssyncset.s32 @!p0 $0xFFFFF086;
	s6 =	sadd.s32 @!p0 s3, s7;
	s7 =	simm.s32 @!p0 $0x108  }
0x21: {  	s3 =	sadd.s32 s3, s9;
	s6 =	sadd.s32 @!p0 $0x88, s6;
	s7 =	simm.s32 @p2 $0x1082  }
0x22: {  	[simem:s7], [sflag:s8] =	dma.local @!p0 [hbm:s6], $0xF7A  }
0x23: {  	s9 =	sor.u32 $0xD0000000, s2;
	s6 =	simm.s32 $0x108;
	_ =	swait.ge @!p0 [sflag:s8], $0x0  }
0x24: {  	s3 =	sadd.s32 $0x88, s3;
	s6 =	simm.s32 @!p1 $0x1082;
	[sflag:s4] =	ssyncset.s32 $0xFFFFF086  }
0x25: {  	[simem:s6], [sflag:s4] =	dma.local [hbm:s3], $0xF7A  }
0x26: {  	[smem:$0x3F9E] =	sst s1;
	(tag) =	ssettag s2;
	_ =	strace s9  }
0x27: {  	s1 =	sld [smem:$0x3FAE]  }
0x28: {  	s2 =	sld [smem:$0x3FAF]  }
0x29: {  	s4 =	sld [smem:$0x3FB1]  }
0x2a: {  	p0 =	seq.s32 s5, $0x0;
	s5 =	sld [smem:$0x3FB2]  }
0x2b: {  	s6 =	sld [smem:$0x3FB3]  }
0x2c: {  	s7 =	sld [smem:$0x3FB4]  }
0x2d: {  	s3 =	simm.s32 $0x108;
	s8 =	sld [smem:$0x3FB5]  }
0x2e: {  	s3 =	simm.s32 @!p0 $0x1082;
	s9 =	sld [smem:$0x3FB6]  }
0x2f: {  	lr =	sadd.s32 s0, s3;
	s0 =	sld [smem:$0x3FAD]  }
0x30: {  	s3 =	sld [smem:$0x3FB0]  }
0x31: {  	[smem:$0x3FB9] =	sst s10  }
0x32: {  	s10 =	sld [smem:$0x3FB7];
	_ =	sdelay $0x3  }
0x33: {  	p0 =	seq.s32 s10, $0x1;
	s10 =	sld [smem:$0x3FB9];
	_ =	sdelay $0x3  }
0x34: {  	[smem:$0x3FB9] =	sst s10  }
0x35: {  	s10 =	sld [smem:$0x3FB8];
	_ =	sdelay $0x3  }
0x36: {  	p1 =	seq.s32 s10, $0x1;
	s10 =	sld [smem:$0x3FB9];
	_ =	sdelay $0x3  }
0x37: {  	[smem:$0x3FB9] =	sst s10  }
0x38: {  	s10 =	sld [smem:$0x3FBA]  }
0x39: {  	_ = 	snop;
	(pc) =	sbr.ind lr, $3  }
0x3a: {  	_ = 	snop  }
0x3b: {  	_ = 	snop  }
0x3c: {  	p2 =	seq.s32 s10, $0x1;
	s10 =	sld [smem:$0x3FB9]  }
0x3d: {  	_ =	shalt  }
0x3e: {  	_ =	shalt  }
0x3f: {  	_ =	shalt  }
0x40: {  	_ =	shalt  }
0x41: {  	_ =	shalt  }
0x42: {  	_ =	shalt  }
0x43: {  	_ =	shalt  }
0x44: {  	_ =	shalt  }
0x45: {  	_ =	shalt  }
0x46: {  	_ =	shalt  }
0x47: {  	_ =	shalt  }
0x48: {  	_ =	shalt  }
0x49: {  	_ =	shalt  }
0x4a: {  	_ =	shalt  }
0x4b: {  	_ =	shalt  }
0x4c: {  	_ =	shalt  }
0x4d: {  	_ =	shalt  }
0x4e: {  	_ =	shalt  }
0x4f: {  	_ =	shalt  }
0x50: {  	_ =	shalt  }
0x51: {  	_ =	shalt  }
0x52: {  	_ =	shalt  }
0x53: {  	_ =	shalt  }
0x54: {  	_ =	shalt  }
0x55: {  	_ =	shalt  }
0x56: {  	_ =	shalt  }
0x57: {  	_ =	shalt  }
0x58: {  	_ =	shalt  }
0x59: {  	_ =	shalt  }
0x5a: {  	_ =	shalt  }
0x5b: {  	_ =	shalt  }
0x5c: {  	_ =	shalt  }
0x5d: {  	_ =	shalt  }
0x5e: {  	_ =	shalt  }
0x5f: {  	_ =	shalt  }
0x60: {  	_ =	shalt  }
0x61: {  	_ =	shalt  }
0x62: {  	_ =	shalt  }
0x63: {  	_ =	shalt  }
0x64: {  	_ =	shalt  }
0x65: {  	_ =	shalt  }
0x66: {  	_ =	shalt  }
0x67: {  	_ =	shalt  }
0x68: {  	_ =	shalt  }
0x69: {  	_ =	shalt  }
0x6a: {  	_ =	shalt  }
0x6b: {  	_ =	shalt  }
0x6c: {  	_ =	shalt  }
0x6d: {  	_ =	shalt  }
0x6e: {  	_ =	shalt  }
0x6f: {  	_ =	shalt  }
0x70: {  	_ =	shalt  }
0x71: {  	_ =	shalt  }
0x72: {  	_ =	shalt  }
0x73: {  	_ =	shalt  }
0x74: {  	_ =	shalt  }
0x75: {  	_ =	shalt  }
0x76: {  	_ =	shalt  }
0x77: {  	_ =	shalt  }
0x78: {  	_ =	shalt  }
0x79: {  	_ =	shalt  }
0x7a: {  	_ =	shalt  }
0x7b: {  	_ =	shalt  }
0x7c: {  	_ =	shalt  }
0x7d: {  	_ =	shalt  }
0x7e: {  	_ =	shalt  }
0x7f: {  	_ =	shalt  }
0x80: {  	_ =	shalt  }
0x81: {  	_ =	shalt  }
0x82: {  	_ =	shalt  }
0x83: {  	_ =	shalt  }
0x84: {  	_ =	shalt  }
0x85: {  	_ =	shalt  }
0x86: {  	_ =	shalt  }
0x87: {  	_ =	shalt  }
.Lfunc_end0:
.L_simem_size_0:
called_computation_lowered:
.L_overlay_start_0:
0x88: {  	s2 =	sld [smem:$0x3FD9]  }
0x89: {  	s3 =	sld [smem:$0x3FFE];
	_ =	sdelay $0x1  }
0x8a: {  	s1 =	srdreg.scid  }
0x8b: {  	s0 =	sand.u32 $0x1, s1  }
0x8c: {  	s15 =	sshll.u32 s0, $0xA;
	s2 =	sadd.s32 s3, s2  }
0x8d: {  	s2 =	sadd.s32 s2, s15  }
0x8e: {  	[smem:$0x3FC5] =	sst s2  }
0x8f: {  	_ = 	snop  }
0x90: {  	s2 =	sld [smem:$0x3FD0]  }
0x91: {  	s16 =	sld [smem:$0x3FC9]  }
0x92: {  	s4 =	sld [smem:$0x3FC8]  }
0x93: {  	s6 =	simm.s32 $0xA;
	s7 =	simm.s32 $0x10;
	s5 =	sld [smem:$0x3FC7]  }
0x94: {  	[smem:s7], [sflag:s6] =	dma.local [hbm:s2], $0x1  }
0x95: {  	_ =	swait.eq [sflag:s6], $0x1  }
0x96: {  	[sflag:s6] =	ssyncset.done $0x0  }
0x97: {  	s17 =	sld [smem:$0x10];
	[sflag:s6] =	ssyncadd.s32 $0xFFFFFFFF  }
0x98: {  	s18 =	sld [smem:$0x11];
	(tm) =	ssettm $0x1  }
0x99: {  	s19 =	sld [smem:$0x3FFB];
	_ =	sdelay $0x3  }
0x9a: {  	_ =	strace s19  }
0x9b: {  	s7 =	sld [smem:$0x3FFC];
	_ =	sdelay $0x3  }
0x9c: {  	_ =	strace s7  }
0x9d: {  	s7 =	sld [smem:$0x3FFD];
	_ =	sdelay $0x3  }
0x9e: {  	_ =	strace s7  }
0x9f: {  	_ =	strace $0x8FFFFFFF  }
0xa0: {  	s20 =	sld [smem:$0x3FDB];
	_ =	sdelay $0x1  }
0xa1: {  	s8 =	simm.s32 $_scs_section_size  }
0xa2: {  	s9 =	simm.s32 $_size__tile_overlayer_lowered;
	s10 =	simm.s32 $_tile_overlayer_lowered  }
0xa3: {  	s23 =	simm.s32 $0x1BFF;
	s22 =	sshll.u32 s10, $0x1;
	s7 =	sadd.s32 s8, s20  }
0xa4: {  	s11 =	simm.s32 $0x0;
	s21 =	sshll.u32 s9, $0x1;
	s9 =	sadd.s32 s22, s7  }
0xa5: {  	[timem:s11], [sflag:s23] =	dma.local [hbm:s9], s21  }
0xa6: {  	_ =	swait.ge [sflag:s23], s21  }
0xa7: {  	s8 =	ssub.s32 $0x0, s21;
	[sflag:s23] =	ssyncset.done $0x0  }
0xa8: {  	[sflag:s23] =	ssyncadd.s32 s8;
	_ =	sdelay $0x1  }
0xa9: {  	s24 =	simm.s32 $0x1B8B  }
0xaa: {  	_ =	swait.ge [sflag:s24], $0x1  }
0xab: {  	[sflag:s24] =	ssyncset.done $0x0  }
0xac: {  	s25 =	simm.s32 $0x1B8E;
	[sflag:s24] =	ssyncadd.s32 $0xFFFFFFFF  }
0xad: {  	s26 =	simm.s32 $execute0_lowered;
	[smem:$0x3FD2] =	sst s25  }
0xae: {  	s8 =	sshll.u32 s26, $0x1;
	_ =	strace $0x80000046;
	[dreg:$0x1] =	wrdreg $0xFFFFFFFF  }
0xaf: {  	s28 =	simm.s32 $_size_execute0_lowered;
	s7 =	sadd.s32 s7, s8;
	[dreg:$0x0] =	wrdreg $0x0  }
0xb0: {  	s8 =	sshll.u32 s28, $0x1;
	[dreg:$0x2] =	wrdreg s7  }
0xb1: {  	[dreg:$0x3] =	wrdreg s8  }
0xb2: {  	[dreg:$0x4] =	wrdreg $0xC0  }
0xb3: {  	_ =	task [dreg:s11], $0x5FFFF  }
0xb4: {  	[dreg:$0x1] =	wrdreg $0xFFFFFFFF  }
0xb5: {  	[dreg:$0x0] =	wrdreg $0x60  }
0xb6: {  	[dreg:$0x2] =	wrdreg s16  }
0xb7: {  	[dreg:$0x3] =	wrdreg s4  }
0xb8: {  	[dreg:$0x4] =	wrdreg s5  }
0xb9: {  	[dreg:$0x5] =	wrdreg s17  }
0xba: {  	[dreg:$0x6] =	wrdreg s18  }
0xbb: {  	[dreg:$0x7] =	wrdreg $0x9  }
0xbc: {  	_ =	task.clear_ibuf [dreg:s11], $0x8FFFF;
	_ =	strace $0x90000046  }
0xbd: {  	s29 =	simm.s32 $0x9;
	_ =	strace $0x80000048  }
0xbe: {  	_ =	swait.ge [sflag:s29], $0x1  }
0xbf: {  	[sflag:s29] =	ssyncadd.s32 $0xFFFFFFFF  }
0xc0: {  	_ =	strace $0x90000048  }
0xc1: {  	_ =	sfence  }
0xc2: {  	s30 =	sld [smem:$0x0];
	_ =	sdelay $0x2  }
0xc3: {  	s31 =	sshll.u32 s1, $0xD;
	s1 =	sshrl.u32 s1, $0x2  }
0xc4: {  	s3 =	sand.u32 $0x4000, s31;
	s1 =	sadd.s32 s1, s30  }
0xc5: {  	s0 =	sor.u32 s3, s0;
	s1 =	sshll.u32 s1, $0x11  }
0xc6: {  	s0 =	sor.u32 s1, s0  }
0xc7: {  	s0 =	sadd.s32 $0x8F2B, s0  }
0xc8: {  	[sflag:s0] =	ssyncadd.remote.s32 $0x1  }
0xc9: {  	_ =	sfence.sel $0xFFFF  }
0xca: {  	[dreg:$0x0] =	wrdreg $0xFFFFFFFF;
	(pc) =	sbr.abs _section_cstart, $3  }
0xcb: {  	[dreg:$0x1] =	wrdreg $0xFFFFFFFF  }
0xcc: {  	_ =	task.clear_ibuf [dreg:s11], $0x2FFFF;
	_ =	strace $0x9FFFFFFF  }
0xcd: {  	(tm) =	ssettm $0x7FFFFFFF  }
tec
execute0_lowered:
.L_overlay_start_1:
0x0: {  	(tag) =	ssettag $0x1  }
0x1: {  	s0 =	rddreg [dreg:$0x0]  }
0x2: {  	s1 =	rddreg [dreg:$0x1]  }
0x3: {  	s3 =	rddreg [dreg:$0x2]  }
0x4: {  	s6 =	rddreg [dreg:$0x3]  }
0x5: {  	s2 =	rddreg [dreg:$0x4]  }
0x6: {  	s4 =	simm.s32 $0x0;
	s5 =	srdreg.scid;
	s16 =	stileid.u32  }
0x7: {  	s29 =	simm.s32 $0x8000;
	s30 =	simm.s32 $0x10000;
	s31 =	simm.s32 $0x4  }
0x8: {  	[smem:$0x7FF] =	sst s4;
	s7 =	sand.u32 $0x1, s5;
	s8 =	sshll.u32 s16, $0x1  }
0x9: {  	s10 =	sshrl.u32 s16, $0x1;
	s25 =	sand.u32 $0x1, s16;
	_ =	strace $0x80000047  }
0xa: {  	s5 =	ssub.s32 $0x2, s7;
	s8 =	sand.u32 $0x2, s8;
	s12 =	sshll.u32 s10, $0x4  }
0xb: {  	s9 =	sshrl.u32 s5, $0x1;
	s11 =	sor.u32 s7, s8;
	s3 =	sadd.s32 s3, s12  }
0xc: {  	s26 =	sadd.s32 s0, s12;
	s8 =	sshll.u32 s10, $0x17;
	s7 =	sshll.u32 s7, $0xC  }
0xd: {  	s9 =	ssub.s32 s5, s9;
	s13 =	sshll.u32 s11, $0xA;
	s5 =	sshll.u32 s11, $0x6  }
0xe: {  	[dreg:$0x6] =	wrdreg s3;
	s28 =	sshll.u32 s11, $0x15;
	s14 =	sadd.s32 $0x8000, s26  }
0xf: {  	[dreg:$0x7] =	wrdreg s26;
	s3 =	sadd.s32 $0x10000, s26;
	s18 =	sshllo.u32 s11, $0x3  }
0x10: {  	s21 =	sshll.u32 s11, $0x12;
	s11 =	simm.s32 $0x5;
	[dreg:$0x8] =	wrdreg s14  }
0x11: {  	[dreg:$0x9] =	wrdreg s3;
	s0 =	sor.u32 s8, s28;
	s15 =	sor.u32 s12, s13  }
0x12: {  	s19 =	sshll.u32 s18, $0x12;
	s24 =	sshll.u32 s18, $0xF;
	s28 =	smax.u32 s9, $0x1  }
0x13: {  	s13 =	simm.s32 $0x19000;
	s0 =	sshrl.u32 s0, $0x3;
	s12 =	sadd.s32 s6, s15  }
0x14: {  	s15 =	sshll.u32 s10, $0x14;
	s6 =	sshll.u32 s25, $0xD;
	[dreg:$0xe] =	wrdreg s28  }
0x15: {  	s25 =	simm.s32 $0x80;
	s17 =	sadd.s32 s1, s0;
	s14 =	sadd.s32 $0x1000, s12  }
0x16: {  	s0 =	sor.u32 s8, s19;
	s3 =	sor.u32 s15, s21;
	s6 =	sor.u32 s7, s6  }
0x17: {  	s7 =	simm.s32 $0x3;
	s20 =	sadd.s32 $0x10, s17;
	s0 =	sshrl.u32 s0, $0x3  }
0x18: {  	[dreg:$0xa] =	wrdreg s17;
	s22 =	sadd.s32 $0x20, s17;
	s17 =	sadd.s32 $0x2000, s12  }
0x19: {  	s23 =	sshrl.u32 s3, $0x3;
	s3 =	sor.u32 s15, s24;
	[dreg:$0xb] =	wrdreg s20  }
0x1a: {  	s6 =	sor.u32 $0x100, s6;
	[dreg:$0xc] =	wrdreg s22;
	s0 =	sadd.s32 s0, s1  }
0x1b: {  	s3 =	sshrl.u32 s3, $0x3;
	s26 =	sshrl.u32 s6, $0x2;
	s6 =	simm.s32 $0x0  }
0x1c: {  	s0 =	sadd.s32 $0x70, s0;
	s3 =	sadd.s32 s3, s2;
	s24 =	sor.u32 $0x18000, s26  }
0x1d: {  	s26 =	simm.s32 $0x400;
	[dreg:$0xd] =	wrdreg s0;
	s0 =	sadd.s32 s23, s2  }
0x1e: {  	s22 =	sadd.s32 $0x70, s3;
	s23 =	simm.s32 $0x2;
	s19 =	sadd.s32 $0x7040, s0  }
0x1f: {  	s20 =	sadd.s32 $0x7050, s0;
	s21 =	sadd.s32 $0x7060, s0;
	s0 =	simm.s32 $0x1  }
.LBB2_1:
0x20: {  	[dreg:$0xf] =	wrdreg s6  }
0x21: {  	s3 =	rddreg [dreg:$0x6];
	s10 =	simm.s32 $0x18000  }
0x22: {  	[tilespmem:s10], [sflag:$0x4] =	stream.strided.gather [hbm4b:s3+s25], $0x1000, s26, s25, $0x38;
	[tilespmem:$0x1B000] =	vst v63  }
0x23: {  	s16 =	rddreg [dreg:$0x7]  }
0x24: {  	[tilespmem:s4], [sflag:$0x1] =	stream.strided.gather [hbm4b:s16+s25], $0x8000, s26, s25, $0x38;
	[tilespmem:$0x1B000] =	vst v63  }
0x25: {  	s18 =	rddreg [dreg:$0x8]  }
0x26: {  	[tilespmem:s29], [sflag:$0x2] =	stream.strided.gather [hbm4b:s18+s25], $0x8000, s26, s25, $0x38;
	[tilespmem:$0x1B000] =	vst v63  }
0x27: {  	s28 =	rddreg [dreg:$0x9]  }
0x28: {  	[tilespmem:s30], [sflag:$0x3] =	stream.strided.gather [hbm4b:s28+s25], $0x8000, s26, s25, $0x38;
	[tilespmem:$0x1B000] =	vst v63  }
0x29: {  	_ =	swait.ge [sflag:s31], $0x1000  }
0x2a: {  	[sflag:s31] =	ssyncset.done $0x0  }
0x2b: {  	[sflag:s31] =	ssyncadd.s32 $0xFFFFF000  }
0x2c: {  	_ =	swait.ge [sflag:s0], $0x8000  }
0x2d: {  	[sflag:s0] =	ssyncset.done $0x0  }
0x2e: {  	[sflag:s0] =	ssyncadd.s32 $0xFFFF8000  }
0x2f: {  	v0 =	vld [tilespmem:s24+$0x30]  }
0x30: {  	v1 =	vld [tilespmem:s24+$0xFFFFFFD0]  }
0x31: {  	v2 =	vld [tilespmem:s24+$0xFFFFFFE0]  }
0x32: {  	v3 =	vld [tilespmem:s24+$0xFFFFFFF0]  }
0x33: {  	v4 =	vld [tilespmem:s24+$0x0]  }
0x34: {  	v6 =	vld [tilespmem:s24+$0x10]  }
0x35: {  	v7 =	vld [tilespmem:s24+$0x20]  }
0x36: {  	v8 =	vld [tilespmem:s24+$0xFFFFFFC0]  }
0x37: {  	v9 =	vld.idx.msk [tilespmem:v0+s4+$0x0], $0xffff  }
0x38: {  	v10 =	vld.idx.msk [tilespmem:v1+s4+$0x0], $0xffff  }
0x39: {  	v5 =	vld.idx.msk [tilespmem:v2+s4+$0x0], $0xffff  }
0x3a: {  	v3 =	vld.idx.msk [tilespmem:v3+s4+$0x0], $0xffff  }
0x3b: {  	v0 =	vld.idx.msk [tilespmem:v4+s4+$0x0], $0xffff  }
0x3c: {  	s6 =	simm.s32 $0x19040;
	v1 =	vld.idx.msk [tilespmem:v6+s4+$0x0], $0xffff  }
0x3d: {  	v2 =	vld.idx.msk [tilespmem:v7+s4+$0x0], $0xffff;
	[tilespmem:s6+$0x30] =	vst v9  }
0x3e: {  	s9 =	simm.s32 $0x0;
	s10 =	sadd.s32 $0x80, s24;
	v4 =	vld.idx.msk [tilespmem:v8+s4+$0x0], $0xffff;
	[tilespmem:s6+$0xFFFFFFD0] =	vst v10  }
.LBB2_2:
0x3f: {  	v6 =	vld [tilespmem:s10+$0x30];
	s9 =	sadd.s32 $0x80, s9;
	[tilespmem:s6+$0xFFFFFFE0] =	vst v5  }
0x40: {  	v5 =	vld [tilespmem:s10+$0xFFFFFFD0];
	p0 =	slt.u32 s9, $0x380;
	[tilespmem:s6+$0xFFFFFFF0] =	vst v3  }
0x41: {  	v3 =	vld [tilespmem:s10+$0xFFFFFFE0];
	[tilespmem:s6+$0x0] =	vst v0  }
0x42: {  	v0 =	vld [tilespmem:s10+$0xFFFFFFF0];
	[tilespmem:s6+$0x10] =	vst v1  }
0x43: {  	v1 =	vld [tilespmem:s10+$0x0];
	[tilespmem:s6+$0x20] =	vst v2  }
0x44: {  	v2 =	vld [tilespmem:s10+$0x10];
	[tilespmem:s6+$0xFFFFFFC0] =	vst v4  }
0x45: {  	v4 =	vld [tilespmem:s10+$0x20]  }
0x46: {  	v7 =	vld [tilespmem:s10+$0xFFFFFFC0]  }
0x47: {  	v6 =	vld.idx.msk [tilespmem:v6+s4+$0x0], $0xffff  }
0x48: {  	v8 =	vld.idx.msk [tilespmem:v5+s4+$0x0], $0xffff  }
0x49: {  	v5 =	vld.idx.msk [tilespmem:v3+s4+$0x0], $0xffff  }
.Ltmp0:
0x4a: {  	v3 =	vld.idx.msk [tilespmem:v0+s4+$0x0], $0xffff;
	(pc) =	sbr.rel @p0 .LBB2_2-.Ltmp0, $4  }
0x4b: {  	v0 =	vld.idx.msk [tilespmem:v1+s4+$0x0], $0xffff  }
0x4c: {  	s6 =	sadd.s32 $0x100, s6;
	v1 =	vld.idx.msk [tilespmem:v2+s4+$0x0], $0xffff  }
0x4d: {  	v2 =	vld.idx.msk [tilespmem:v4+s4+$0x0], $0xffff;
	[tilespmem:s6+$0x30] =	vst v6  }
0x4e: {  	s10 =	sadd.s32 $0x80, s10;
	v4 =	vld.idx.msk [tilespmem:v7+s4+$0x0], $0xffff;
	[tilespmem:s6+$0xFFFFFFD0] =	vst v8  }
0x4f: {  	[tilespmem:s6+$0xFFFFFFE0] =	vst v5  }
0x50: {  	[tilespmem:s6+$0xFFFFFFF0] =	vst v3  }
0x51: {  	[tilespmem:s6+$0x0] =	vst v0  }
0x52: {  	[tilespmem:s6+$0x10] =	vst v1  }
0x53: {  	[tilespmem:s6+$0x20] =	vst v2  }
0x54: {  	[tilespmem:s6+$0xFFFFFFC0] =	vst v4  }
0x55: {  	s3 =	rddreg [dreg:$0xa]  }
0x56: {  	[tilespmem:s4], [sflag:$0x1] =	stream.strided.gather [hbm4b:s3+s25], $0x8000, s26, s25, $0x38;
	[tilespmem:$0x1B000] =	vst v63  }
0x57: {  	_ = 	snop  }
0x58: {  	[hbm4b:s12+s4] =	stream.linear.scatter [tilespmem:s13], [sflag:$0x4], $0x80, $0x38;
	[tilespmem:$0x1B000] =	vst v63  }
0x59: {  	s18 =	sadd.s32 $0x80, s12;
	s28 =	simm.s32 $0x19100  }
0x5a: {  	[hbm4b:s18+s4] =	stream.linear.scatter [tilespmem:s28], [sflag:$0x4], $0x80, $0x38;
	[tilespmem:$0x1B000] =	vst v63  }
0x5b: {  	s9 =	simm.s32 $0x19200;
	s6 =	sadd.s32 $0x100, s12  }
0x5c: {  	[hbm4b:s6+s4] =	stream.linear.scatter [tilespmem:s9], [sflag:$0x4], $0x80, $0x38;
	[tilespmem:$0x1B000] =	vst v63  }
0x5d: {  	s10 =	sadd.s32 $0x180, s12;
	s16 =	simm.s32 $0x19300  }
0x5e: {  	[hbm4b:s10+s4] =	stream.linear.scatter [tilespmem:s16], [sflag:$0x4], $0x80, $0x38;
	[tilespmem:$0x1B000] =	vst v63  }
0x5f: {  	s18 =	sadd.s32 $0x200, s12;
	s28 =	simm.s32 $0x19400  }
0x60: {  	[hbm4b:s18+s4] =	stream.linear.scatter [tilespmem:s28], [sflag:$0x4], $0x80, $0x38;
	[tilespmem:$0x1B000] =	vst v63  }
0x61: {  	s6 =	sadd.s32 $0x280, s12;
	s9 =	simm.s32 $0x19500  }
0x62: {  	[hbm4b:s6+s4] =	stream.linear.scatter [tilespmem:s9], [sflag:$0x4], $0x80, $0x38;
	[tilespmem:$0x1B000] =	vst v63  }
0x63: {  	s10 =	sadd.s32 $0x300, s12;
	s16 =	simm.s32 $0x19600  }
0x64: {  	[hbm4b:s10+s4] =	stream.linear.scatter [tilespmem:s16], [sflag:$0x4], $0x80, $0x38;
	[tilespmem:$0x1B000] =	vst v63  }
0x65: {  	s18 =	sadd.s32 $0x380, s12;
	s28 =	simm.s32 $0x19700  }
0x66: {  	[hbm4b:s18+s4] =	stream.linear.scatter [tilespmem:s28], [sflag:$0x4], $0x80, $0x38;
	[tilespmem:$0x1B000] =	vst v63  }
0x67: {  	_ =	swait.ge [sflag:s31], $0x400  }
0x68: {  	[sflag:s31] =	ssyncset.done $0x0  }
0x69: {  	[sflag:s31] =	ssyncadd.s32 $0xFFFFFC00  }
0x6a: {  	_ =	swait.ge [sflag:s23], $0x8000  }
0x6b: {  	[sflag:s23] =	ssyncset.done $0x0  }
0x6c: {  	[sflag:s23] =	ssyncadd.s32 $0xFFFF8000  }
0x6d: {  	v0 =	vld [tilespmem:s24+$0x30]  }
0x6e: {  	v1 =	vld [tilespmem:s24+$0xFFFFFFD0]  }
0x6f: {  	v2 =	vld [tilespmem:s24+$0xFFFFFFE0]  }
0x70: {  	v3 =	vld [tilespmem:s24+$0xFFFFFFF0]  }
0x71: {  	v4 =	vld [tilespmem:s24+$0x0]  }
0x72: {  	v6 =	vld [tilespmem:s24+$0x10]  }
0x73: {  	v7 =	vld [tilespmem:s24+$0x20]  }
0x74: {  	v8 =	vld [tilespmem:s24+$0xFFFFFFC0]  }
0x75: {  	v9 =	vld.idx.msk [tilespmem:v0+s29+$0x0], $0xffff  }
0x76: {  	v10 =	vld.idx.msk [tilespmem:v1+s29+$0x0], $0xffff  }
0x77: {  	v5 =	vld.idx.msk [tilespmem:v2+s29+$0x0], $0xffff  }
0x78: {  	v3 =	vld.idx.msk [tilespmem:v3+s29+$0x0], $0xffff  }
0x79: {  	v0 =	vld.idx.msk [tilespmem:v4+s29+$0x0], $0xffff  }
0x7a: {  	s6 =	simm.s32 $0x19040;
	v1 =	vld.idx.msk [tilespmem:v6+s29+$0x0], $0xffff  }
0x7b: {  	v2 =	vld.idx.msk [tilespmem:v7+s29+$0x0], $0xffff;
	[tilespmem:s6+$0x30] =	vst v9  }
0x7c: {  	s9 =	simm.s32 $0x0;
	s10 =	sadd.s32 $0x80, s24;
	v4 =	vld.idx.msk [tilespmem:v8+s29+$0x0], $0xffff;
	[tilespmem:s6+$0xFFFFFFD0] =	vst v10  }
.LBB2_4:
0x7d: {  	v6 =	vld [tilespmem:s10+$0x30];
	s9 =	sadd.s32 $0x80, s9;
	[tilespmem:s6+$0xFFFFFFE0] =	vst v5  }
0x7e: {  	v5 =	vld [tilespmem:s10+$0xFFFFFFD0];
	p0 =	slt.u32 s9, $0x380;
	[tilespmem:s6+$0xFFFFFFF0] =	vst v3  }
0x7f: {  	v3 =	vld [tilespmem:s10+$0xFFFFFFE0];
	[tilespmem:s6+$0x0] =	vst v0  }
0x80: {  	v0 =	vld [tilespmem:s10+$0xFFFFFFF0];
	[tilespmem:s6+$0x10] =	vst v1  }
0x81: {  	v1 =	vld [tilespmem:s10+$0x0];
	[tilespmem:s6+$0x20] =	vst v2  }
0x82: {  	v2 =	vld [tilespmem:s10+$0x10];
	[tilespmem:s6+$0xFFFFFFC0] =	vst v4  }
0x83: {  	v4 =	vld [tilespmem:s10+$0x20]  }
0x84: {  	v7 =	vld [tilespmem:s10+$0xFFFFFFC0]  }
0x85: {  	v6 =	vld.idx.msk [tilespmem:v6+s29+$0x0], $0xffff  }
0x86: {  	v8 =	vld.idx.msk [tilespmem:v5+s29+$0x0], $0xffff  }
0x87: {  	v5 =	vld.idx.msk [tilespmem:v3+s29+$0x0], $0xffff  }
.Ltmp1:
0x88: {  	v3 =	vld.idx.msk [tilespmem:v0+s29+$0x0], $0xffff;
	(pc) =	sbr.rel @p0 .LBB2_4-.Ltmp1, $4  }
0x89: {  	v0 =	vld.idx.msk [tilespmem:v1+s29+$0x0], $0xffff  }
0x8a: {  	s6 =	sadd.s32 $0x100, s6;
	v1 =	vld.idx.msk [tilespmem:v2+s29+$0x0], $0xffff  }
0x8b: {  	v2 =	vld.idx.msk [tilespmem:v4+s29+$0x0], $0xffff;
	[tilespmem:s6+$0x30] =	vst v6  }
0x8c: {  	s10 =	sadd.s32 $0x80, s10;
	v4 =	vld.idx.msk [tilespmem:v7+s29+$0x0], $0xffff;
	[tilespmem:s6+$0xFFFFFFD0] =	vst v8  }
0x8d: {  	[tilespmem:s6+$0xFFFFFFE0] =	vst v5  }
0x8e: {  	[tilespmem:s6+$0xFFFFFFF0] =	vst v3  }
0x8f: {  	[tilespmem:s6+$0x0] =	vst v0  }
0x90: {  	[tilespmem:s6+$0x10] =	vst v1  }
0x91: {  	[tilespmem:s6+$0x20] =	vst v2  }
0x92: {  	[tilespmem:s6+$0xFFFFFFC0] =	vst v4  }
0x93: {  	s3 =	rddreg [dreg:$0xb]  }
0x94: {  	[tilespmem:s29], [sflag:$0x2] =	stream.strided.gather [hbm4b:s3+s25], $0x8000, s26, s25, $0x38;
	[tilespmem:$0x1B000] =	vst v63  }
0x95: {  	_ = 	snop  }
0x96: {  	[hbm4b:s14+s4] =	stream.linear.scatter [tilespmem:s13], [sflag:$0x4], $0x80, $0x38;
	[tilespmem:$0x1B000] =	vst v63  }
0x97: {  	s18 =	sadd.s32 $0x80, s14;
	s28 =	simm.s32 $0x19100  }
0x98: {  	[hbm4b:s18+s4] =	stream.linear.scatter [tilespmem:s28], [sflag:$0x4], $0x80, $0x38;
	[tilespmem:$0x1B000] =	vst v63  }
0x99: {  	s9 =	simm.s32 $0x19200;
	s6 =	sadd.s32 $0x100, s14  }
0x9a: {  	[hbm4b:s6+s4] =	stream.linear.scatter [tilespmem:s9], [sflag:$0x4], $0x80, $0x38;
	[tilespmem:$0x1B000] =	vst v63  }
0x9b: {  	s10 =	sadd.s32 $0x180, s14;
	s16 =	simm.s32 $0x19300  }
0x9c: {  	[hbm4b:s10+s4] =	stream.linear.scatter [tilespmem:s16], [sflag:$0x4], $0x80, $0x38;
	[tilespmem:$0x1B000] =	vst v63  }
0x9d: {  	s18 =	sadd.s32 $0x200, s14;
	s28 =	simm.s32 $0x19400  }
0x9e: {  	[hbm4b:s18+s4] =	stream.linear.scatter [tilespmem:s28], [sflag:$0x4], $0x80, $0x38;
	[tilespmem:$0x1B000] =	vst v63  }
0x9f: {  	s6 =	sadd.s32 $0x280, s14;
	s9 =	simm.s32 $0x19500  }
0xa0: {  	[hbm4b:s6+s4] =	stream.linear.scatter [tilespmem:s9], [sflag:$0x4], $0x80, $0x38;
	[tilespmem:$0x1B000] =	vst v63  }
0xa1: {  	s10 =	sadd.s32 $0x300, s14;
	s16 =	simm.s32 $0x19600  }
0xa2: {  	[hbm4b:s10+s4] =	stream.linear.scatter [tilespmem:s16], [sflag:$0x4], $0x80, $0x38;
	[tilespmem:$0x1B000] =	vst v63  }
0xa3: {  	s18 =	sadd.s32 $0x380, s14;
	s28 =	simm.s32 $0x19700  }
0xa4: {  	[hbm4b:s18+s4] =	stream.linear.scatter [tilespmem:s28], [sflag:$0x4], $0x80, $0x38;
	[tilespmem:$0x1B000] =	vst v63  }
0xa5: {  	_ =	swait.ge [sflag:s31], $0x400  }
0xa6: {  	[sflag:s31] =	ssyncset.done $0x0  }
0xa7: {  	[sflag:s31] =	ssyncadd.s32 $0xFFFFFC00  }
0xa8: {  	_ =	swait.ge [sflag:s7], $0x8000  }
0xa9: {  	[sflag:s7] =	ssyncset.done $0x0  }
0xaa: {  	[sflag:s7] =	ssyncadd.s32 $0xFFFF8000  }
0xab: {  	v0 =	vld [tilespmem:s24+$0x30]  }
0xac: {  	v1 =	vld [tilespmem:s24+$0xFFFFFFD0]  }
0xad: {  	v2 =	vld [tilespmem:s24+$0xFFFFFFE0]  }
0xae: {  	v3 =	vld [tilespmem:s24+$0xFFFFFFF0]  }
0xaf: {  	v4 =	vld [tilespmem:s24+$0x0]  }
0xb0: {  	v6 =	vld [tilespmem:s24+$0x10]  }
0xb1: {  	v7 =	vld [tilespmem:s24+$0x20]  }
0xb2: {  	v8 =	vld [tilespmem:s24+$0xFFFFFFC0]  }
0xb3: {  	v9 =	vld.idx.msk [tilespmem:v0+s30+$0x0], $0xffff  }
0xb4: {  	v10 =	vld.idx.msk [tilespmem:v1+s30+$0x0], $0xffff  }
0xb5: {  	v5 =	vld.idx.msk [tilespmem:v2+s30+$0x0], $0xffff  }
0xb6: {  	v3 =	vld.idx.msk [tilespmem:v3+s30+$0x0], $0xffff  }
0xb7: {  	v0 =	vld.idx.msk [tilespmem:v4+s30+$0x0], $0xffff  }
0xb8: {  	s6 =	simm.s32 $0x19040;
	v1 =	vld.idx.msk [tilespmem:v6+s30+$0x0], $0xffff  }
0xb9: {  	v2 =	vld.idx.msk [tilespmem:v7+s30+$0x0], $0xffff;
	[tilespmem:s6+$0x30] =	vst v9  }
0xba: {  	s9 =	simm.s32 $0x0;
	s10 =	sadd.s32 $0x80, s24;
	v4 =	vld.idx.msk [tilespmem:v8+s30+$0x0], $0xffff;
	[tilespmem:s6+$0xFFFFFFD0] =	vst v10  }
.LBB2_6:
0xbb: {  	v6 =	vld [tilespmem:s10+$0x30];
	s9 =	sadd.s32 $0x80, s9;
	[tilespmem:s6+$0xFFFFFFE0] =	vst v5  }
0xbc: {  	v5 =	vld [tilespmem:s10+$0xFFFFFFD0];
	p0 =	slt.u32 s9, $0x380;
	[tilespmem:s6+$0xFFFFFFF0] =	vst v3  }
0xbd: {  	v3 =	vld [tilespmem:s10+$0xFFFFFFE0];
	[tilespmem:s6+$0x0] =	vst v0  }
0xbe: {  	v0 =	vld [tilespmem:s10+$0xFFFFFFF0];
	[tilespmem:s6+$0x10] =	vst v1  }
0xbf: {  	v1 =	vld [tilespmem:s10+$0x0];
	[tilespmem:s6+$0x20] =	vst v2  }
0xc0: {  	v2 =	vld [tilespmem:s10+$0x10];
	[tilespmem:s6+$0xFFFFFFC0] =	vst v4  }
0xc1: {  	v4 =	vld [tilespmem:s10+$0x20]  }
0xc2: {  	v7 =	vld [tilespmem:s10+$0xFFFFFFC0]  }
0xc3: {  	v6 =	vld.idx.msk [tilespmem:v6+s30+$0x0], $0xffff  }
0xc4: {  	v8 =	vld.idx.msk [tilespmem:v5+s30+$0x0], $0xffff  }
0xc5: {  	v5 =	vld.idx.msk [tilespmem:v3+s30+$0x0], $0xffff  }
.Ltmp2:
0xc6: {  	v3 =	vld.idx.msk [tilespmem:v0+s30+$0x0], $0xffff;
	(pc) =	sbr.rel @p0 .LBB2_6-.Ltmp2, $4  }
0xc7: {  	v0 =	vld.idx.msk [tilespmem:v1+s30+$0x0], $0xffff  }
0xc8: {  	s6 =	sadd.s32 $0x100, s6;
	v1 =	vld.idx.msk [tilespmem:v2+s30+$0x0], $0xffff  }
0xc9: {  	v2 =	vld.idx.msk [tilespmem:v4+s30+$0x0], $0xffff;
	[tilespmem:s6+$0x30] =	vst v6  }
0xca: {  	s10 =	sadd.s32 $0x80, s10;
	v4 =	vld.idx.msk [tilespmem:v7+s30+$0x0], $0xffff;
	[tilespmem:s6+$0xFFFFFFD0] =	vst v8  }
0xcb: {  	[tilespmem:s6+$0xFFFFFFE0] =	vst v5  }
0xcc: {  	[tilespmem:s6+$0xFFFFFFF0] =	vst v3  }
0xcd: {  	[tilespmem:s6+$0x0] =	vst v0  }
0xce: {  	[tilespmem:s6+$0x10] =	vst v1  }
0xcf: {  	[tilespmem:s6+$0x20] =	vst v2  }
0xd0: {  	[tilespmem:s6+$0xFFFFFFC0] =	vst v4  }
0xd1: {  	s3 =	rddreg [dreg:$0xc]  }
0xd2: {  	[tilespmem:s30], [sflag:$0x3] =	stream.strided.gather [hbm4b:s3+s25], $0x8000, s26, s25, $0x38;
	[tilespmem:$0x1B000] =	vst v63  }
0xd3: {  	s28 =	simm.s32 $0x0  }
0xd4: {  	[hbm4b:s17+s28] =	stream.linear.scatter [tilespmem:s13], [sflag:$0x4], $0x80, $0x38;
	[tilespmem:$0x1B000] =	vst v63  }
0xd5: {  	s16 =	sadd.s32 $0x80, s17;
	s18 =	simm.s32 $0x19100  }
0xd6: {  	[hbm4b:s16+s28] =	stream.linear.scatter [tilespmem:s18], [sflag:$0x4], $0x80, $0x38;
	[tilespmem:$0x1B000] =	vst v63  }
0xd7: {  	s9 =	simm.s32 $0x19200;
	s6 =	sadd.s32 $0x100, s17  }
0xd8: {  	[hbm4b:s6+s28] =	stream.linear.scatter [tilespmem:s9], [sflag:$0x4], $0x80, $0x38;
	[tilespmem:$0x1B000] =	vst v63  }
0xd9: {  	s10 =	sadd.s32 $0x180, s17;
	s13 =	simm.s32 $0x19300  }
0xda: {  	[hbm4b:s10+s28] =	stream.linear.scatter [tilespmem:s13], [sflag:$0x4], $0x80, $0x38;
	[tilespmem:$0x1B000] =	vst v63  }
0xdb: {  	s16 =	sadd.s32 $0x200, s17;
	s18 =	simm.s32 $0x19400  }
0xdc: {  	[hbm4b:s16+s28] =	stream.linear.scatter [tilespmem:s18], [sflag:$0x4], $0x80, $0x38;
	[tilespmem:$0x1B000] =	vst v63  }
0xdd: {  	s6 =	sadd.s32 $0x280, s17;
	s9 =	simm.s32 $0x19500  }
0xde: {  	[hbm4b:s6+s28] =	stream.linear.scatter [tilespmem:s9], [sflag:$0x4], $0x80, $0x38;
	[tilespmem:$0x1B000] =	vst v63  }
0xdf: {  	s10 =	sadd.s32 $0x300, s17;
	s13 =	simm.s32 $0x19600  }
0xe0: {  	[hbm4b:s10+s28] =	stream.linear.scatter [tilespmem:s13], [sflag:$0x4], $0x80, $0x38;
	[tilespmem:$0x1B000] =	vst v63  }
0xe1: {  	s16 =	sadd.s32 $0x380, s17;
	s18 =	simm.s32 $0x19700  }
0xe2: {  	[hbm4b:s16+s28] =	stream.linear.scatter [tilespmem:s18], [sflag:$0x4], $0x80, $0x38;
	[tilespmem:$0x1B000] =	vst v63  }
0xe3: {  	_ =	swait.ge [sflag:s31], $0x400  }
0xe4: {  	[sflag:s31] =	ssyncset.done $0x0  }
0xe5: {  	[sflag:s31] =	ssyncadd.s32 $0xFFFFFC00  }
.LBB2_8:
0xe6: {  	_ =	swait.ge [sflag:s0], $0x8000  }
0xe7: {  	p0 =	seq.s32 s28, $0x0;
	[sflag:s0] =	ssyncset.done $0x0  }
0xe8: {  	s3 =	simm.s32 @!p0 $0x4;
	[sflag:s0] =	ssyncadd.s32 $0xFFFF8000  }
0xe9: {  	_ =	swait.ge @!p0 [sflag:s3], $0x1000  }
0xea: {  	[sflag:s3] =	ssyncset.done @!p0 $0x0  }
0xeb: {  	s18 =	simm.s32 $0x18040;
	[sflag:s3] =	ssyncadd.s32 @!p0 $0xFFFFF000  }
0xec: {  	v0 =	vld [tilespmem:s18+$0x30]  }
0xed: {  	v1 =	vld [tilespmem:s18+$0xFFFFFFD0]  }
0xee: {  	v2 =	vld [tilespmem:s18+$0xFFFFFFE0]  }
0xef: {  	v3 =	vld [tilespmem:s18+$0xFFFFFFF0]  }
0xf0: {  	v6 =	vld [tilespmem:s18+$0x0]  }
0xf1: {  	v7 =	vld [tilespmem:s18+$0x10]  }
0xf2: {  	v8 =	vld [tilespmem:s18+$0x20]  }
0xf3: {  	v9 =	vld [tilespmem:s18+$0xFFFFFFC0]  }
0xf4: {  	v10 =	vld.idx.msk [tilespmem:v0+s4+$0x0], $0xffff  }
0xf5: {  	v11 =	vld.idx.msk [tilespmem:v1+s4+$0x0], $0xffff  }
0xf6: {  	v5 =	vld.idx.msk [tilespmem:v2+s4+$0x0], $0xffff  }
0xf7: {  	v4 =	vld.idx.msk [tilespmem:v3+s4+$0x0], $0xffff  }
0xf8: {  	v3 =	vld.idx.msk [tilespmem:v6+s4+$0x0], $0xffff  }
0xf9: {  	s9 =	simm.s32 $0x19040;
	v1 =	vld.idx.msk [tilespmem:v7+s4+$0x0], $0xffff  }
0xfa: {  	v0 =	vld.idx.msk [tilespmem:v8+s4+$0x0], $0xffff;
	[tilespmem:s9+$0x30] =	vst v10  }
0xfb: {  	s6 =	smul.u32 $0x6, s28;
	s10 =	simm.s32 $0x0;
	s13 =	simm.s32 $0x180C0;
	v2 =	vld.idx.msk [tilespmem:v9+s4+$0x0], $0xffff;
	[tilespmem:s9+$0xFFFFFFD0] =	vst v11  }
.LBB2_9:
0xfc: {  	v6 =	vld [tilespmem:s13+$0x30];
	s10 =	sadd.s32 $0x80, s10;
	[tilespmem:s9+$0xFFFFFFE0] =	vst v5  }
0xfd: {  	v5 =	vld [tilespmem:s13+$0xFFFFFFD0];
	p1 =	slt.u32 s10, $0xF80;
	[tilespmem:s9+$0xFFFFFFF0] =	vst v4  }
0xfe: {  	v4 =	vld [tilespmem:s13+$0xFFFFFFE0];
	[tilespmem:s9+$0x0] =	vst v3  }
0xff: {  	v3 =	vld [tilespmem:s13+$0xFFFFFFF0];
	[tilespmem:s9+$0x10] =	vst v1  }
0x100: {  	v1 =	vld [tilespmem:s13+$0x0];
	[tilespmem:s9+$0x20] =	vst v0  }
0x101: {  	v0 =	vld [tilespmem:s13+$0x10];
	[tilespmem:s9+$0xFFFFFFC0] =	vst v2  }
0x102: {  	v2 =	vld [tilespmem:s13+$0x20]  }
0x103: {  	v7 =	vld [tilespmem:s13+$0xFFFFFFC0]  }
0x104: {  	v6 =	vld.idx.msk [tilespmem:v6+s4+$0x0], $0xffff  }
0x105: {  	v8 =	vld.idx.msk [tilespmem:v5+s4+$0x0], $0xffff  }
0x106: {  	v5 =	vld.idx.msk [tilespmem:v4+s4+$0x0], $0xffff  }
.Ltmp3:
0x107: {  	v4 =	vld.idx.msk [tilespmem:v3+s4+$0x0], $0xffff;
	(pc) =	sbr.rel @p1 .LBB2_9-.Ltmp3, $4  }
0x108: {  	v3 =	vld.idx.msk [tilespmem:v1+s4+$0x0], $0xffff  }
0x109: {  	s9 =	sadd.s32 $0x100, s9;
	v1 =	vld.idx.msk [tilespmem:v0+s4+$0x0], $0xffff  }
0x10a: {  	v0 =	vld.idx.msk [tilespmem:v2+s4+$0x0], $0xffff;
	[tilespmem:s9+$0x30] =	vst v6  }
0x10b: {  	s13 =	sadd.s32 $0x80, s13;
	v2 =	vld.idx.msk [tilespmem:v7+s4+$0x0], $0xffff;
	[tilespmem:s9+$0xFFFFFFD0] =	vst v8  }
0x10c: {  	[tilespmem:s9+$0xFFFFFFE0] =	vst v5  }
0x10d: {  	s3 =	sadd.s32 s5, s6;
	[tilespmem:s9+$0xFFFFFFF0] =	vst v4  }
0x10e: {  	s18 =	smul.u32 $0x300, s28;
	s10 =	sadd.s32 $0x3, s3;
	[tilespmem:s9+$0x0] =	vst v3  }
0x10f: {  	s3 =	sshll.u32 s3, $0xC;
	s13 =	sshll.u32 s10, $0xF;
	s10 =	sshll.u32 s10, $0x7;
	[tilespmem:s9+$0x10] =	vst v1  }
0x110: {  	s3 =	sand.u32 $0x1F8000, s3;
	s13 =	sand.u32 $0x7FFC0000, s13;
	s10 =	sand.u32 $0x380, s10;
	[tilespmem:s9+$0x20] =	vst v0  }
0x111: {  	s3 =	sadd.s32 s15, s3;
	s13 =	sadd.s32 s8, s13;
	[tilespmem:s9+$0xFFFFFFC0] =	vst v2;
	s9 =	sand.u32 $0x300, s18  }
0x112: {  	s10 =	sor.u32 s10, s13;
	s3 =	sor.u32 s9, s3  }
0x113: {  	s16 =	simm.s32 $0x0;
	s10 =	sshrl.u32 s10, $0x3;
	s3 =	sshrl.u32 s3, $0x3  }
0x114: {  	s13 =	sadd.s32 s1, s10;
	s9 =	sadd.s32 s2, s3;
	s10 =	simm.s32 $0x19000  }
0x115: {  	[tilespmem:s16], [sflag:$0x1] =	stream.strided.gather [hbm4b:s13+s25], $0x8000, s26, s25, $0x38;
	[tilespmem:$0x1B000] =	vst v63  }
0x116: {  	s13 =	simm.s32 $0x80;
	s18 =	sadd.s32 $0x0, s9;
	s16 =	simm.s32 $0x19100  }
.LBB2_11:
0x117: {  	[hbm4b:s18+s4] =	stream.linear.scatter [tilespmem:s10], [sflag:$0x4], $0x80, $0x38;
	[tilespmem:$0x1B000] =	vst v63  }
0x118: {  	s3 =	smov.u32 s13;
	s10 =	smov.u32 s16;
	p1 =	sne.s32 s13, $0xF80  }
.Ltmp4:
0x119: {  	s13 =	sadd.s32 $0x80, s13;
	(pc) =	sbr.rel @p1 .LBB2_11-.Ltmp4, $2  }
0x11a: {  	_ =	sdelay $0x2  }
0x11b: {  	s16 =	sadd.s32 $0x100, s16;
	s18 =	sadd.s32 s3, s9  }
0x11c: {  	[hbm4b:s18+s4] =	stream.linear.scatter [tilespmem:s10], [sflag:$0x4], $0x80, $0x38;
	[tilespmem:$0x1B000] =	vst v63  }
0x11d: {  	_ =	swait.ge [sflag:s23], $0x8000  }
0x11e: {  	[sflag:s23] =	ssyncset.done $0x0  }
0x11f: {  	s3 =	simm.s32 @!p0 $0x5;
	[sflag:s23] =	ssyncadd.s32 $0xFFFF8000  }
0x120: {  	_ =	swait.ge @!p0 [sflag:s3], $0x1000  }
0x121: {  	[sflag:s3] =	ssyncset.done @!p0 $0x0  }
0x122: {  	s18 =	simm.s32 $0x18040;
	[sflag:s3] =	ssyncadd.s32 @!p0 $0xFFFFF000  }
0x123: {  	v0 =	vld [tilespmem:s18+$0x30]  }
0x124: {  	v1 =	vld [tilespmem:s18+$0xFFFFFFD0]  }
0x125: {  	v2 =	vld [tilespmem:s18+$0xFFFFFFE0]  }
0x126: {  	v3 =	vld [tilespmem:s18+$0xFFFFFFF0]  }
0x127: {  	v6 =	vld [tilespmem:s18+$0x0]  }
0x128: {  	v7 =	vld [tilespmem:s18+$0x10]  }
0x129: {  	v8 =	vld [tilespmem:s18+$0x20]  }
0x12a: {  	v9 =	vld [tilespmem:s18+$0xFFFFFFC0]  }
0x12b: {  	v10 =	vld.idx.msk [tilespmem:v0+s29+$0x0], $0xffff  }
0x12c: {  	v11 =	vld.idx.msk [tilespmem:v1+s29+$0x0], $0xffff  }
0x12d: {  	v5 =	vld.idx.msk [tilespmem:v2+s29+$0x0], $0xffff  }
0x12e: {  	v4 =	vld.idx.msk [tilespmem:v3+s29+$0x0], $0xffff  }
0x12f: {  	v2 =	vld.idx.msk [tilespmem:v6+s29+$0x0], $0xffff  }
0x130: {  	s13 =	simm.s32 $0x190F0;
	v0 =	vld.idx.msk [tilespmem:v7+s29+$0x0], $0xffff  }
0x131: {  	s9 =	sadd.s32 $0x3, s6;
	v1 =	vld.idx.msk [tilespmem:v8+s29+$0x0], $0xffff;
	[tilespmem:s13+$0x0] =	vst v10  }
0x132: {  	s10 =	sor.u32 $0x1, s6;
	s16 =	simm.s32 $0x0;
	s18 =	simm.s32 $0x180C0;
	v3 =	vld.idx.msk [tilespmem:v9+s29+$0x0], $0xffff;
	[tilespmem:s13+$0xFFFFFFA0] =	vst v11  }
.LBB2_13:
0x133: {  	v6 =	vld [tilespmem:s18+$0x30];
	s16 =	sadd.s32 $0x80, s16;
	[tilespmem:s13+$0xFFFFFFB0] =	vst v5  }
0x134: {  	v5 =	vld [tilespmem:s18+$0xFFFFFFD0];
	p0 =	slt.u32 s16, $0xF80;
	[tilespmem:s13+$0xFFFFFFC0] =	vst v4  }
0x135: {  	v4 =	vld [tilespmem:s18+$0xFFFFFFE0];
	[tilespmem:s13+$0xFFFFFFD0] =	vst v2  }
0x136: {  	v2 =	vld [tilespmem:s18+$0xFFFFFFF0];
	[tilespmem:s13+$0xFFFFFFE0] =	vst v0  }
0x137: {  	v0 =	vld [tilespmem:s18+$0x0];
	[tilespmem:s13+$0xFFFFFFF0] =	vst v1  }
0x138: {  	v1 =	vld [tilespmem:s18+$0x10];
	[tilespmem:s13+$0xFFFFFF90] =	vst v3  }
0x139: {  	v3 =	vld [tilespmem:s18+$0x20]  }
0x13a: {  	v7 =	vld [tilespmem:s18+$0xFFFFFFC0]  }
0x13b: {  	v6 =	vld.idx.msk [tilespmem:v6+s29+$0x0], $0xffff  }
0x13c: {  	v8 =	vld.idx.msk [tilespmem:v5+s29+$0x0], $0xffff  }
0x13d: {  	v5 =	vld.idx.msk [tilespmem:v4+s29+$0x0], $0xffff  }
.Ltmp5:
0x13e: {  	v4 =	vld.idx.msk [tilespmem:v2+s29+$0x0], $0xffff;
	(pc) =	sbr.rel @p0 .LBB2_13-.Ltmp5, $4  }
0x13f: {  	v2 =	vld.idx.msk [tilespmem:v0+s29+$0x0], $0xffff  }
0x140: {  	s13 =	sadd.s32 $0x100, s13;
	v0 =	vld.idx.msk [tilespmem:v1+s29+$0x0], $0xffff  }
0x141: {  	v1 =	vld.idx.msk [tilespmem:v3+s29+$0x0], $0xffff;
	[tilespmem:s13+$0x0] =	vst v6  }
0x142: {  	s18 =	sadd.s32 $0x80, s18;
	v3 =	vld.idx.msk [tilespmem:v7+s29+$0x0], $0xffff;
	[tilespmem:s13+$0xFFFFFFA0] =	vst v8  }
0x143: {  	s3 =	sadd.s32 s5, s10  }
0x144: {  	s16 =	sadd.s32 $0x3, s3  }
0x145: {  	[tilespmem:s13+$0xFFFFFFB0] =	vst v5;
	s18 =	sshll.u32 s16, $0xF  }
0x146: {  	[tilespmem:s13+$0xFFFFFFC0] =	vst v4;
	s16 =	sshll.u32 s16, $0x7;
	s18 =	sand.u32 $0x7FFC0000, s18  }
0x147: {  	[tilespmem:s13+$0xFFFFFFD0] =	vst v2;
	s3 =	sshll.u32 s3, $0xC;
	s16 =	sand.u32 $0x300, s16;
	s18 =	sadd.s32 s8, s18  }
0x148: {  	[tilespmem:s13+$0xFFFFFFE0] =	vst v0;
	s3 =	sand.u32 $0x1F8000, s3;
	s16 =	sor.u32 s16, s18;
	s18 =	sshll.u32 s10, $0x7  }
0x149: {  	[tilespmem:s13+$0xFFFFFFF0] =	vst v1;
	s3 =	sadd.s32 s15, s3;
	s16 =	sshrl.u32 s16, $0x3;
	s10 =	sand.u32 $0x380, s18  }
0x14a: {  	[tilespmem:s13+$0xFFFFFF90] =	vst v3;
	s16 =	sadd.s32 s1, s16;
	s3 =	sor.u32 s10, s3  }
0x14b: {  	[tilespmem:s29], [sflag:$0x2] =	stream.strided.gather [hbm4b:s16+s25], $0x8000, s26, s25, $0x38;
	[tilespmem:$0x1B000] =	vst v63  }
0x14c: {  	s3 =	sshrl.u32 s3, $0x3  }
0x14d: {  	s13 =	simm.s32 $0x19080;
	s10 =	sadd.s32 s2, s3  }
0x14e: {  	s18 =	simm.s32 $0x19180;
	s16 =	simm.s32 $0x80;
	s3 =	sadd.s32 $0x0, s10  }
.LBB2_15:
0x14f: {  	[hbm4b:s3+s4] =	stream.linear.scatter [tilespmem:s13], [sflag:$0x5], $0x80, $0x38;
	[tilespmem:$0x1B000] =	vst v63  }
0x150: {  	s3 =	smov.u32 s16;
	s13 =	smov.u32 s18;
	p0 =	sne.s32 s16, $0xF80  }
.Ltmp6:
0x151: {  	s16 =	sadd.s32 $0x80, s16;
	(pc) =	sbr.rel @p0 .LBB2_15-.Ltmp6, $2  }
0x152: {  	_ =	sdelay $0x2  }
0x153: {  	s18 =	sadd.s32 $0x100, s18;
	s3 =	sadd.s32 s3, s10  }
0x154: {  	[hbm4b:s3+s4] =	stream.linear.scatter [tilespmem:s13], [sflag:$0x5], $0x80, $0x38;
	[tilespmem:$0x1B000] =	vst v63  }
0x155: {  	_ =	swait.ge [sflag:s7], $0x8000  }
0x156: {  	[sflag:s7] =	ssyncset.done $0x0  }
0x157: {  	[sflag:s7] =	ssyncadd.s32 $0xFFFF8000  }
0x158: {  	_ =	swait.ge [sflag:s31], $0x1000  }
0x159: {  	[sflag:s31] =	ssyncset.done $0x0  }
0x15a: {  	s18 =	simm.s32 $0x18040;
	[sflag:s31] =	ssyncadd.s32 $0xFFFFF000  }
0x15b: {  	v0 =	vld [tilespmem:s18+$0x30]  }
0x15c: {  	v1 =	vld [tilespmem:s18+$0xFFFFFFD0]  }
0x15d: {  	v2 =	vld [tilespmem:s18+$0xFFFFFFE0]  }
0x15e: {  	v3 =	vld [tilespmem:s18+$0xFFFFFFF0]  }
0x15f: {  	v6 =	vld [tilespmem:s18+$0x0]  }
0x160: {  	v7 =	vld [tilespmem:s18+$0x10]  }
0x161: {  	v8 =	vld [tilespmem:s18+$0x20]  }
0x162: {  	v9 =	vld [tilespmem:s18+$0xFFFFFFC0]  }
0x163: {  	v10 =	vld.idx.msk [tilespmem:v0+s30+$0x0], $0xffff  }
0x164: {  	v11 =	vld.idx.msk [tilespmem:v1+s30+$0x0], $0xffff  }
0x165: {  	v5 =	vld.idx.msk [tilespmem:v2+s30+$0x0], $0xffff  }
0x166: {  	v4 =	vld.idx.msk [tilespmem:v3+s30+$0x0], $0xffff  }
0x167: {  	v3 =	vld.idx.msk [tilespmem:v6+s30+$0x0], $0xffff  }
0x168: {  	s10 =	simm.s32 $0x19040;
	v1 =	vld.idx.msk [tilespmem:v7+s30+$0x0], $0xffff  }
0x169: {  	v0 =	vld.idx.msk [tilespmem:v8+s30+$0x0], $0xffff;
	[tilespmem:s10+$0x30] =	vst v10  }
0x16a: {  	s13 =	simm.s32 $0x0;
	s16 =	simm.s32 $0x180C0;
	v2 =	vld.idx.msk [tilespmem:v9+s30+$0x0], $0xffff;
	[tilespmem:s10+$0xFFFFFFD0] =	vst v11  }
.LBB2_17:
0x16b: {  	v6 =	vld [tilespmem:s16+$0x30];
	s13 =	sadd.s32 $0x80, s13;
	[tilespmem:s10+$0xFFFFFFE0] =	vst v5  }
0x16c: {  	v5 =	vld [tilespmem:s16+$0xFFFFFFD0];
	p0 =	slt.u32 s13, $0xF80;
	[tilespmem:s10+$0xFFFFFFF0] =	vst v4  }
0x16d: {  	v4 =	vld [tilespmem:s16+$0xFFFFFFE0];
	[tilespmem:s10+$0x0] =	vst v3  }
0x16e: {  	v3 =	vld [tilespmem:s16+$0xFFFFFFF0];
	[tilespmem:s10+$0x10] =	vst v1  }
0x16f: {  	v1 =	vld [tilespmem:s16+$0x0];
	[tilespmem:s10+$0x20] =	vst v0  }
0x170: {  	v0 =	vld [tilespmem:s16+$0x10];
	[tilespmem:s10+$0xFFFFFFC0] =	vst v2  }
0x171: {  	v2 =	vld [tilespmem:s16+$0x20]  }
0x172: {  	v7 =	vld [tilespmem:s16+$0xFFFFFFC0]  }
0x173: {  	v6 =	vld.idx.msk [tilespmem:v6+s30+$0x0], $0xffff  }
0x174: {  	v8 =	vld.idx.msk [tilespmem:v5+s30+$0x0], $0xffff  }
0x175: {  	v5 =	vld.idx.msk [tilespmem:v4+s30+$0x0], $0xffff  }
.Ltmp7:
0x176: {  	v4 =	vld.idx.msk [tilespmem:v3+s30+$0x0], $0xffff;
	(pc) =	sbr.rel @p0 .LBB2_17-.Ltmp7, $4  }
0x177: {  	v3 =	vld.idx.msk [tilespmem:v1+s30+$0x0], $0xffff  }
0x178: {  	s10 =	sadd.s32 $0x100, s10;
	v1 =	vld.idx.msk [tilespmem:v0+s30+$0x0], $0xffff  }
0x179: {  	v0 =	vld.idx.msk [tilespmem:v2+s30+$0x0], $0xffff;
	[tilespmem:s10+$0x30] =	vst v6  }
0x17a: {  	s16 =	sadd.s32 $0x80, s16;
	v2 =	vld.idx.msk [tilespmem:v7+s30+$0x0], $0xffff;
	[tilespmem:s10+$0xFFFFFFD0] =	vst v8  }
0x17b: {  	s3 =	sadd.s32 $0x2, s6  }
0x17c: {  	s13 =	sadd.s32 s5, s3  }
0x17d: {  	[tilespmem:s10+$0xFFFFFFE0] =	vst v5;
	s16 =	sadd.s32 $0x3, s13  }
0x17e: {  	[tilespmem:s10+$0xFFFFFFF0] =	vst v4;
	s18 =	sshll.u32 s16, $0xF  }
0x17f: {  	[tilespmem:s10+$0x0] =	vst v3;
	s16 =	sshll.u32 s16, $0x7;
	s18 =	sand.u32 $0x7FFC0000, s18  }
0x180: {  	[tilespmem:s10+$0x10] =	vst v1;
	s16 =	sand.u32 $0x380, s16;
	s18 =	sadd.s32 s8, s18  }
0x181: {  	[tilespmem:s10+$0x20] =	vst v0;
	s16 =	sor.u32 s16, s18;
	s18 =	sshll.u32 s13, $0xC  }
0x182: {  	s3 =	sshll.u32 s3, $0x7;
	[tilespmem:s10+$0xFFFFFFC0] =	vst v2;
	s16 =	sshrl.u32 s16, $0x3;
	s10 =	sand.u32 $0x1F8000, s18  }
0x183: {  	s3 =	sand.u32 $0x300, s3;
	s16 =	sadd.s32 s1, s16;
	s10 =	sadd.s32 s15, s10  }
0x184: {  	[tilespmem:s30], [sflag:$0x3] =	stream.strided.gather [hbm4b:s16+s25], $0x8000, s26, s25, $0x38;
	[tilespmem:$0x1B000] =	vst v63  }
0x185: {  	s3 =	sor.u32 s3, s10  }
0x186: {  	s3 =	sshrl.u32 s3, $0x3  }
0x187: {  	s13 =	simm.s32 $0x19000;
	s10 =	sadd.s32 s2, s3  }
0x188: {  	s18 =	simm.s32 $0x19100;
	s16 =	simm.s32 $0x80;
	s3 =	sadd.s32 $0x0, s10  }
.LBB2_19:
0x189: {  	[hbm4b:s3+s4] =	stream.linear.scatter [tilespmem:s13], [sflag:$0x4], $0x80, $0x38;
	[tilespmem:$0x1B000] =	vst v63  }
0x18a: {  	s3 =	smov.u32 s16;
	s13 =	smov.u32 s18;
	p0 =	sne.s32 s16, $0xF80  }
.Ltmp8:
0x18b: {  	s16 =	sadd.s32 $0x80, s16;
	(pc) =	sbr.rel @p0 .LBB2_19-.Ltmp8, $2  }
0x18c: {  	_ =	sdelay $0x2  }
0x18d: {  	s18 =	sadd.s32 $0x100, s18;
	s3 =	sadd.s32 s3, s10  }
0x18e: {  	[hbm4b:s3+s4] =	stream.linear.scatter [tilespmem:s13], [sflag:$0x4], $0x80, $0x38;
	[tilespmem:$0x1B000] =	vst v63  }
0x18f: {  	_ =	swait.ge [sflag:s0], $0x8000  }
0x190: {  	[sflag:s0] =	ssyncset.done $0x0  }
0x191: {  	[sflag:s0] =	ssyncadd.s32 $0xFFFF8000  }
0x192: {  	_ =	swait.ge [sflag:s11], $0x1000  }
0x193: {  	[sflag:s11] =	ssyncset.done $0x0  }
0x194: {  	s18 =	simm.s32 $0x18040;
	[sflag:s11] =	ssyncadd.s32 $0xFFFFF000  }
0x195: {  	v0 =	vld [tilespmem:s18+$0x30]  }
0x196: {  	v1 =	vld [tilespmem:s18+$0xFFFFFFD0]  }
0x197: {  	v2 =	vld [tilespmem:s18+$0xFFFFFFE0]  }
0x198: {  	v3 =	vld [tilespmem:s18+$0xFFFFFFF0]  }
0x199: {  	v6 =	vld [tilespmem:s18+$0x0]  }
0x19a: {  	v7 =	vld [tilespmem:s18+$0x10]  }
0x19b: {  	v8 =	vld [tilespmem:s18+$0x20]  }
0x19c: {  	v9 =	vld [tilespmem:s18+$0xFFFFFFC0]  }
0x19d: {  	v10 =	vld.idx.msk [tilespmem:v0+s4+$0x0], $0xffff  }
0x19e: {  	v11 =	vld.idx.msk [tilespmem:v1+s4+$0x0], $0xffff  }
0x19f: {  	v5 =	vld.idx.msk [tilespmem:v2+s4+$0x0], $0xffff  }
0x1a0: {  	v4 =	vld.idx.msk [tilespmem:v3+s4+$0x0], $0xffff  }
0x1a1: {  	v3 =	vld.idx.msk [tilespmem:v6+s4+$0x0], $0xffff  }
0x1a2: {  	s10 =	simm.s32 $0x190F0;
	v1 =	vld.idx.msk [tilespmem:v7+s4+$0x0], $0xffff  }
0x1a3: {  	v0 =	vld.idx.msk [tilespmem:v8+s4+$0x0], $0xffff;
	[tilespmem:s10+$0x0] =	vst v10  }
0x1a4: {  	s13 =	simm.s32 $0x0;
	s16 =	simm.s32 $0x180C0;
	v2 =	vld.idx.msk [tilespmem:v9+s4+$0x0], $0xffff;
	[tilespmem:s10+$0xFFFFFFA0] =	vst v11  }
.LBB2_21:
0x1a5: {  	v6 =	vld [tilespmem:s16+$0x30];
	s13 =	sadd.s32 $0x80, s13;
	[tilespmem:s10+$0xFFFFFFB0] =	vst v5  }
0x1a6: {  	v5 =	vld [tilespmem:s16+$0xFFFFFFD0];
	p0 =	slt.u32 s13, $0xF80;
	[tilespmem:s10+$0xFFFFFFC0] =	vst v4  }
0x1a7: {  	v4 =	vld [tilespmem:s16+$0xFFFFFFE0];
	[tilespmem:s10+$0xFFFFFFD0] =	vst v3  }
0x1a8: {  	v3 =	vld [tilespmem:s16+$0xFFFFFFF0];
	[tilespmem:s10+$0xFFFFFFE0] =	vst v1  }
0x1a9: {  	v1 =	vld [tilespmem:s16+$0x0];
	[tilespmem:s10+$0xFFFFFFF0] =	vst v0  }
0x1aa: {  	v0 =	vld [tilespmem:s16+$0x10];
	[tilespmem:s10+$0xFFFFFF90] =	vst v2  }
0x1ab: {  	v2 =	vld [tilespmem:s16+$0x20]  }
0x1ac: {  	v7 =	vld [tilespmem:s16+$0xFFFFFFC0]  }
0x1ad: {  	v6 =	vld.idx.msk [tilespmem:v6+s4+$0x0], $0xffff  }
0x1ae: {  	v8 =	vld.idx.msk [tilespmem:v5+s4+$0x0], $0xffff  }
0x1af: {  	v5 =	vld.idx.msk [tilespmem:v4+s4+$0x0], $0xffff  }
.Ltmp9:
0x1b0: {  	v4 =	vld.idx.msk [tilespmem:v3+s4+$0x0], $0xffff;
	(pc) =	sbr.rel @p0 .LBB2_21-.Ltmp9, $4  }
0x1b1: {  	v3 =	vld.idx.msk [tilespmem:v1+s4+$0x0], $0xffff  }
0x1b2: {  	s10 =	sadd.s32 $0x100, s10;
	v1 =	vld.idx.msk [tilespmem:v0+s4+$0x0], $0xffff  }
0x1b3: {  	v0 =	vld.idx.msk [tilespmem:v2+s4+$0x0], $0xffff;
	[tilespmem:s10+$0x0] =	vst v6  }
0x1b4: {  	s16 =	sadd.s32 $0x80, s16;
	v2 =	vld.idx.msk [tilespmem:v7+s4+$0x0], $0xffff;
	[tilespmem:s10+$0xFFFFFFA0] =	vst v8  }
0x1b5: {  	s3 =	sadd.s32 s5, s9  }
0x1b6: {  	[tilespmem:s10+$0xFFFFFFB0] =	vst v5;
	s18 =	sshll.u32 s9, $0x7;
	s13 =	sadd.s32 $0x3, s3  }
0x1b7: {  	[tilespmem:s10+$0xFFFFFFC0] =	vst v4;
	s3 =	sshll.u32 s3, $0xC;
	s9 =	sand.u32 $0x380, s18;
	s16 =	sshll.u32 s13, $0xF  }
0x1b8: {  	[tilespmem:s10+$0xFFFFFFD0] =	vst v3;
	s13 =	sshll.u32 s13, $0x7;
	s3 =	sand.u32 $0x1F8000, s3;
	s16 =	sand.u32 $0x7FFC0000, s16  }
0x1b9: {  	[tilespmem:s10+$0xFFFFFFE0] =	vst v1;
	s13 =	sand.u32 $0x300, s13;
	s3 =	sadd.s32 s15, s3;
	s16 =	sadd.s32 s8, s16  }
0x1ba: {  	[tilespmem:s10+$0xFFFFFFF0] =	vst v0;
	s3 =	sor.u32 s9, s3;
	s13 =	sor.u32 s13, s16  }
0x1bb: {  	[tilespmem:s10+$0xFFFFFF90] =	vst v2;
	s10 =	simm.s32 $0x19080;
	s3 =	sshrl.u32 s3, $0x3;
	s13 =	sshrl.u32 s13, $0x3  }
0x1bc: {  	s16 =	simm.s32 $0x0;
	s9 =	sadd.s32 s2, s3;
	s13 =	sadd.s32 s1, s13  }
0x1bd: {  	[tilespmem:s16], [sflag:$0x1] =	stream.strided.gather [hbm4b:s13+s25], $0x8000, s26, s25, $0x38;
	[tilespmem:$0x1B000] =	vst v63  }
0x1be: {  	s3 =	sadd.s32 $0x0, s9;
	s13 =	simm.s32 $0x80;
	s16 =	simm.s32 $0x19180  }
.LBB2_23:
0x1bf: {  	[hbm4b:s3+s4] =	stream.linear.scatter [tilespmem:s10], [sflag:$0x5], $0x80, $0x38;
	[tilespmem:$0x1B000] =	vst v63  }
0x1c0: {  	s3 =	smov.u32 s13;
	s10 =	smov.u32 s16;
	p0 =	sne.s32 s13, $0xF80  }
.Ltmp10:
0x1c1: {  	s13 =	sadd.s32 $0x80, s13;
	(pc) =	sbr.rel @p0 .LBB2_23-.Ltmp10, $2  }
0x1c2: {  	_ =	sdelay $0x2  }
0x1c3: {  	s16 =	sadd.s32 $0x100, s16;
	s3 =	sadd.s32 s3, s9  }
0x1c4: {  	[hbm4b:s3+s4] =	stream.linear.scatter [tilespmem:s10], [sflag:$0x5], $0x80, $0x38;
	[tilespmem:$0x1B000] =	vst v63  }
0x1c5: {  	_ =	swait.ge [sflag:s23], $0x8000  }
0x1c6: {  	[sflag:s23] =	ssyncset.done $0x0  }
0x1c7: {  	[sflag:s23] =	ssyncadd.s32 $0xFFFF8000  }
0x1c8: {  	_ =	swait.ge [sflag:s31], $0x1000  }
0x1c9: {  	[sflag:s31] =	ssyncset.done $0x0  }
0x1ca: {  	s18 =	simm.s32 $0x18040;
	[sflag:s31] =	ssyncadd.s32 $0xFFFFF000  }
0x1cb: {  	v0 =	vld [tilespmem:s18+$0x30]  }
0x1cc: {  	v1 =	vld [tilespmem:s18+$0xFFFFFFD0]  }
0x1cd: {  	v2 =	vld [tilespmem:s18+$0xFFFFFFE0]  }
0x1ce: {  	v3 =	vld [tilespmem:s18+$0xFFFFFFF0]  }
0x1cf: {  	v6 =	vld [tilespmem:s18+$0x0]  }
0x1d0: {  	v7 =	vld [tilespmem:s18+$0x10]  }
0x1d1: {  	v8 =	vld [tilespmem:s18+$0x20]  }
0x1d2: {  	v9 =	vld [tilespmem:s18+$0xFFFFFFC0]  }
0x1d3: {  	v10 =	vld.idx.msk [tilespmem:v0+s29+$0x0], $0xffff  }
0x1d4: {  	v11 =	vld.idx.msk [tilespmem:v1+s29+$0x0], $0xffff  }
0x1d5: {  	v5 =	vld.idx.msk [tilespmem:v2+s29+$0x0], $0xffff  }
0x1d6: {  	v4 =	vld.idx.msk [tilespmem:v3+s29+$0x0], $0xffff  }
0x1d7: {  	v3 =	vld.idx.msk [tilespmem:v6+s29+$0x0], $0xffff  }
0x1d8: {  	s9 =	simm.s32 $0x19040;
	v1 =	vld.idx.msk [tilespmem:v7+s29+$0x0], $0xffff  }
0x1d9: {  	v0 =	vld.idx.msk [tilespmem:v8+s29+$0x0], $0xffff;
	[tilespmem:s9+$0x30] =	vst v10  }
0x1da: {  	s10 =	simm.s32 $0x0;
	s13 =	simm.s32 $0x180C0;
	v2 =	vld.idx.msk [tilespmem:v9+s29+$0x0], $0xffff;
	[tilespmem:s9+$0xFFFFFFD0] =	vst v11  }
.LBB2_25:
0x1db: {  	v6 =	vld [tilespmem:s13+$0x30];
	s10 =	sadd.s32 $0x80, s10;
	[tilespmem:s9+$0xFFFFFFE0] =	vst v5  }
0x1dc: {  	v5 =	vld [tilespmem:s13+$0xFFFFFFD0];
	p0 =	slt.u32 s10, $0xF80;
	[tilespmem:s9+$0xFFFFFFF0] =	vst v4  }
0x1dd: {  	v4 =	vld [tilespmem:s13+$0xFFFFFFE0];
	[tilespmem:s9+$0x0] =	vst v3  }
0x1de: {  	v3 =	vld [tilespmem:s13+$0xFFFFFFF0];
	[tilespmem:s9+$0x10] =	vst v1  }
0x1df: {  	v1 =	vld [tilespmem:s13+$0x0];
	[tilespmem:s9+$0x20] =	vst v0  }
0x1e0: {  	v0 =	vld [tilespmem:s13+$0x10];
	[tilespmem:s9+$0xFFFFFFC0] =	vst v2  }
0x1e1: {  	v2 =	vld [tilespmem:s13+$0x20]  }
0x1e2: {  	v7 =	vld [tilespmem:s13+$0xFFFFFFC0]  }
0x1e3: {  	v6 =	vld.idx.msk [tilespmem:v6+s29+$0x0], $0xffff  }
0x1e4: {  	v8 =	vld.idx.msk [tilespmem:v5+s29+$0x0], $0xffff  }
0x1e5: {  	v5 =	vld.idx.msk [tilespmem:v4+s29+$0x0], $0xffff  }
.Ltmp11:
0x1e6: {  	v4 =	vld.idx.msk [tilespmem:v3+s29+$0x0], $0xffff;
	(pc) =	sbr.rel @p0 .LBB2_25-.Ltmp11, $4  }
0x1e7: {  	v3 =	vld.idx.msk [tilespmem:v1+s29+$0x0], $0xffff  }
0x1e8: {  	s9 =	sadd.s32 $0x100, s9;
	v1 =	vld.idx.msk [tilespmem:v0+s29+$0x0], $0xffff  }
0x1e9: {  	v0 =	vld.idx.msk [tilespmem:v2+s29+$0x0], $0xffff;
	[tilespmem:s9+$0x30] =	vst v6  }
0x1ea: {  	s13 =	sadd.s32 $0x80, s13;
	v2 =	vld.idx.msk [tilespmem:v7+s29+$0x0], $0xffff;
	[tilespmem:s9+$0xFFFFFFD0] =	vst v8  }
0x1eb: {  	[tilespmem:s9+$0xFFFFFFE0] =	vst v5  }
0x1ec: {  	s3 =	sadd.s32 $0x4, s6;
	[tilespmem:s9+$0xFFFFFFF0] =	vst v4  }
0x1ed: {  	s10 =	sadd.s32 s5, s3;
	[tilespmem:s9+$0x0] =	vst v3  }
0x1ee: {  	s3 =	sshll.u32 s3, $0x7;
	s13 =	sadd.s32 $0x3, s10;
	[tilespmem:s9+$0x10] =	vst v1  }
0x1ef: {  	s18 =	sshll.u32 s10, $0xC;
	s3 =	sand.u32 $0x300, s3;
	s16 =	sshll.u32 s13, $0xF;
	[tilespmem:s9+$0x20] =	vst v0  }
0x1f0: {  	s13 =	sshll.u32 s13, $0x7;
	s16 =	sand.u32 $0x7FFC0000, s16;
	[tilespmem:s9+$0xFFFFFFC0] =	vst v2;
	s9 =	sand.u32 $0x1F8000, s18  }
0x1f1: {  	s13 =	sand.u32 $0x380, s13;
	s16 =	sadd.s32 s8, s16;
	s9 =	sadd.s32 s15, s9  }
0x1f2: {  	s13 =	sor.u32 s13, s16;
	s3 =	sor.u32 s3, s9  }
0x1f3: {  	s13 =	sshrl.u32 s13, $0x3;
	s3 =	sshrl.u32 s3, $0x3  }
0x1f4: {  	s10 =	simm.s32 $0x19000;
	s16 =	sadd.s32 s1, s13;
	s9 =	sadd.s32 s2, s3  }
0x1f5: {  	[tilespmem:s29], [sflag:$0x2] =	stream.strided.gather [hbm4b:s16+s25], $0x8000, s26, s25, $0x38;
	[tilespmem:$0x1B000] =	vst v63  }
0x1f6: {  	s13 =	simm.s32 $0x80;
	s3 =	sadd.s32 $0x0, s9;
	s16 =	simm.s32 $0x19100  }
.LBB2_27:
0x1f7: {  	[hbm4b:s3+s4] =	stream.linear.scatter [tilespmem:s10], [sflag:$0x4], $0x80, $0x38;
	[tilespmem:$0x1B000] =	vst v63  }
0x1f8: {  	s3 =	smov.u32 s13;
	s10 =	smov.u32 s16;
	p0 =	sne.s32 s13, $0xF80  }
.Ltmp12:
0x1f9: {  	s13 =	sadd.s32 $0x80, s13;
	(pc) =	sbr.rel @p0 .LBB2_27-.Ltmp12, $2  }
0x1fa: {  	_ =	sdelay $0x2  }
0x1fb: {  	s16 =	sadd.s32 $0x100, s16;
	s3 =	sadd.s32 s3, s9  }
0x1fc: {  	[hbm4b:s3+s4] =	stream.linear.scatter [tilespmem:s10], [sflag:$0x4], $0x80, $0x38;
	[tilespmem:$0x1B000] =	vst v63  }
0x1fd: {  	_ =	swait.ge [sflag:s7], $0x8000  }
0x1fe: {  	[sflag:s7] =	ssyncset.done $0x0  }
0x1ff: {  	[sflag:s7] =	ssyncadd.s32 $0xFFFF8000  }
0x200: {  	_ =	swait.ge [sflag:s11], $0x1000  }
0x201: {  	[sflag:s11] =	ssyncset.done $0x0  }
0x202: {  	s18 =	simm.s32 $0x18040;
	[sflag:s11] =	ssyncadd.s32 $0xFFFFF000  }
0x203: {  	v0 =	vld [tilespmem:s18+$0x30]  }
0x204: {  	v1 =	vld [tilespmem:s18+$0xFFFFFFD0]  }
0x205: {  	v2 =	vld [tilespmem:s18+$0xFFFFFFE0]  }
0x206: {  	v3 =	vld [tilespmem:s18+$0xFFFFFFF0]  }
0x207: {  	v6 =	vld [tilespmem:s18+$0x0]  }
0x208: {  	v7 =	vld [tilespmem:s18+$0x10]  }
0x209: {  	v8 =	vld [tilespmem:s18+$0x20]  }
0x20a: {  	v9 =	vld [tilespmem:s18+$0xFFFFFFC0]  }
0x20b: {  	v10 =	vld.idx.msk [tilespmem:v0+s30+$0x0], $0xffff  }
0x20c: {  	v11 =	vld.idx.msk [tilespmem:v1+s30+$0x0], $0xffff  }
0x20d: {  	v5 =	vld.idx.msk [tilespmem:v2+s30+$0x0], $0xffff  }
0x20e: {  	v4 =	vld.idx.msk [tilespmem:v3+s30+$0x0], $0xffff  }
0x20f: {  	v3 =	vld.idx.msk [tilespmem:v6+s30+$0x0], $0xffff  }
0x210: {  	s9 =	simm.s32 $0x190F0;
	v1 =	vld.idx.msk [tilespmem:v7+s30+$0x0], $0xffff  }
0x211: {  	v0 =	vld.idx.msk [tilespmem:v8+s30+$0x0], $0xffff;
	[tilespmem:s9+$0x0] =	vst v10  }
0x212: {  	s10 =	simm.s32 $0x0;
	s13 =	simm.s32 $0x180C0;
	v2 =	vld.idx.msk [tilespmem:v9+s30+$0x0], $0xffff;
	[tilespmem:s9+$0xFFFFFFA0] =	vst v11  }
.LBB2_29:
0x213: {  	v6 =	vld [tilespmem:s13+$0x30];
	s10 =	sadd.s32 $0x80, s10;
	[tilespmem:s9+$0xFFFFFFB0] =	vst v5  }
0x214: {  	v5 =	vld [tilespmem:s13+$0xFFFFFFD0];
	p0 =	slt.u32 s10, $0xF80;
	[tilespmem:s9+$0xFFFFFFC0] =	vst v4  }
0x215: {  	v4 =	vld [tilespmem:s13+$0xFFFFFFE0];
	[tilespmem:s9+$0xFFFFFFD0] =	vst v3  }
0x216: {  	v3 =	vld [tilespmem:s13+$0xFFFFFFF0];
	[tilespmem:s9+$0xFFFFFFE0] =	vst v1  }
0x217: {  	v1 =	vld [tilespmem:s13+$0x0];
	[tilespmem:s9+$0xFFFFFFF0] =	vst v0  }
0x218: {  	v0 =	vld [tilespmem:s13+$0x10];
	[tilespmem:s9+$0xFFFFFF90] =	vst v2  }
0x219: {  	v2 =	vld [tilespmem:s13+$0x20]  }
0x21a: {  	v7 =	vld [tilespmem:s13+$0xFFFFFFC0]  }
0x21b: {  	v6 =	vld.idx.msk [tilespmem:v6+s30+$0x0], $0xffff  }
0x21c: {  	v8 =	vld.idx.msk [tilespmem:v5+s30+$0x0], $0xffff  }
0x21d: {  	v5 =	vld.idx.msk [tilespmem:v4+s30+$0x0], $0xffff  }
.Ltmp13:
0x21e: {  	v4 =	vld.idx.msk [tilespmem:v3+s30+$0x0], $0xffff;
	(pc) =	sbr.rel @p0 .LBB2_29-.Ltmp13, $4  }
0x21f: {  	v3 =	vld.idx.msk [tilespmem:v1+s30+$0x0], $0xffff  }
0x220: {  	s9 =	sadd.s32 $0x100, s9;
	v1 =	vld.idx.msk [tilespmem:v0+s30+$0x0], $0xffff  }
0x221: {  	v0 =	vld.idx.msk [tilespmem:v2+s30+$0x0], $0xffff;
	[tilespmem:s9+$0x0] =	vst v6  }
0x222: {  	s13 =	sadd.s32 $0x80, s13;
	v2 =	vld.idx.msk [tilespmem:v7+s30+$0x0], $0xffff;
	[tilespmem:s9+$0xFFFFFFA0] =	vst v8  }
0x223: {  	s3 =	sadd.s32 $0x5, s6  }
0x224: {  	[tilespmem:s9+$0xFFFFFFB0] =	vst v5;
	s6 =	sadd.s32 s5, s3  }
0x225: {  	[tilespmem:s9+$0xFFFFFFC0] =	vst v4;
	s3 =	sshll.u32 s3, $0x7;
	s10 =	sadd.s32 $0x3, s6;
	s6 =	sshll.u32 s6, $0xC  }
0x226: {  	[tilespmem:s9+$0xFFFFFFD0] =	vst v3;
	s3 =	sand.u32 $0x380, s3;
	s13 =	sshll.u32 s10, $0xF;
	s6 =	sand.u32 $0x1F8000, s6  }
0x227: {  	[tilespmem:s9+$0xFFFFFFE0] =	vst v1;
	s10 =	sshll.u32 s10, $0x7;
	s13 =	sand.u32 $0x7FFC0000, s13;
	s6 =	sadd.s32 s15, s6  }
0x228: {  	[tilespmem:s9+$0xFFFFFFF0] =	vst v0;
	s10 =	sand.u32 $0x300, s10;
	s13 =	sadd.s32 s8, s13;
	s3 =	sor.u32 s3, s6  }
0x229: {  	[tilespmem:s9+$0xFFFFFF90] =	vst v2;
	s9 =	simm.s32 $0x19080;
	s10 =	sor.u32 s10, s13;
	s3 =	sshrl.u32 s3, $0x3  }
0x22a: {  	s13 =	simm.s32 $0x19180;
	s10 =	sshrl.u32 s10, $0x3;
	s6 =	sadd.s32 s2, s3  }
0x22b: {  	s18 =	sadd.s32 s1, s10;
	s10 =	simm.s32 $0x80;
	s3 =	sadd.s32 $0x0, s6  }
0x22c: {  	[tilespmem:s30], [sflag:$0x3] =	stream.strided.gather [hbm4b:s18+s25], $0x8000, s26, s25, $0x38;
	[tilespmem:$0x1B000] =	vst v63  }
.LBB2_31:
0x22d: {  	[hbm4b:s3+s4] =	stream.linear.scatter [tilespmem:s9], [sflag:$0x5], $0x80, $0x38;
	[tilespmem:$0x1B000] =	vst v63  }
0x22e: {  	s3 =	smov.u32 s10;
	s9 =	smov.u32 s13;
	p0 =	sne.s32 s10, $0xF80  }
.Ltmp14:
0x22f: {  	s10 =	sadd.s32 $0x80, s10;
	(pc) =	sbr.rel @p0 .LBB2_31-.Ltmp14, $2  }
0x230: {  	_ =	sdelay $0x2  }
0x231: {  	s13 =	sadd.s32 $0x100, s13;
	s3 =	sadd.s32 s3, s6  }
0x232: {  	s28 =	sadd.s32 $0x1, s28  }
0x233: {  	p0 =	sne.s32 s28, $0xA  }
.Ltmp15:
0x234: {  	_ = 	snop;
	(pc) =	sbr.rel @p0 .LBB2_8-.Ltmp15, $2  }
0x235: {  	_ =	sdelay $0x2  }
0x236: {  	[hbm4b:s3+s4] =	stream.linear.scatter [tilespmem:s9], [sflag:$0x5], $0x80, $0x38;
	[tilespmem:$0x1B000] =	vst v63  }
0x237: {  	_ =	swait.ge [sflag:s0], $0x8000  }
0x238: {  	[sflag:s0] =	ssyncset.done $0x0  }
0x239: {  	[sflag:s0] =	ssyncadd.s32 $0xFFFF8000  }
0x23a: {  	_ =	swait.ge [sflag:s31], $0x1000  }
0x23b: {  	[sflag:s31] =	ssyncset.done $0x0  }
0x23c: {  	s3 =	simm.s32 $0x18040;
	[sflag:s31] =	ssyncadd.s32 $0xFFFFF000  }
0x23d: {  	v0 =	vld [tilespmem:s3+$0x30]  }
0x23e: {  	v1 =	vld [tilespmem:s3+$0xFFFFFFD0]  }
0x23f: {  	v2 =	vld [tilespmem:s3+$0xFFFFFFE0]  }
0x240: {  	v3 =	vld [tilespmem:s3+$0xFFFFFFF0]  }
0x241: {  	v4 =	vld [tilespmem:s3+$0x0]  }
0x242: {  	v6 =	vld [tilespmem:s3+$0x10]  }
0x243: {  	v7 =	vld [tilespmem:s3+$0x20]  }
0x244: {  	v8 =	vld [tilespmem:s3+$0xFFFFFFC0]  }
0x245: {  	v9 =	vld.idx.msk [tilespmem:v0+s4+$0x0], $0xffff  }
0x246: {  	v10 =	vld.idx.msk [tilespmem:v1+s4+$0x0], $0xffff  }
0x247: {  	v5 =	vld.idx.msk [tilespmem:v2+s4+$0x0], $0xffff  }
0x248: {  	v3 =	vld.idx.msk [tilespmem:v3+s4+$0x0], $0xffff  }
0x249: {  	v0 =	vld.idx.msk [tilespmem:v4+s4+$0x0], $0xffff  }
0x24a: {  	s6 =	simm.s32 $0x19040;
	v1 =	vld.idx.msk [tilespmem:v6+s4+$0x0], $0xffff  }
0x24b: {  	v2 =	vld.idx.msk [tilespmem:v7+s4+$0x0], $0xffff;
	[tilespmem:s6+$0x30] =	vst v9  }
0x24c: {  	s9 =	simm.s32 $0x0;
	s10 =	simm.s32 $0x180C0;
	v4 =	vld.idx.msk [tilespmem:v8+s4+$0x0], $0xffff;
	[tilespmem:s6+$0xFFFFFFD0] =	vst v10  }
.LBB2_34:
0x24d: {  	v6 =	vld [tilespmem:s10+$0x30];
	s9 =	sadd.s32 $0x80, s9;
	[tilespmem:s6+$0xFFFFFFE0] =	vst v5  }
0x24e: {  	v5 =	vld [tilespmem:s10+$0xFFFFFFD0];
	p0 =	slt.u32 s9, $0xF80;
	[tilespmem:s6+$0xFFFFFFF0] =	vst v3  }
0x24f: {  	v3 =	vld [tilespmem:s10+$0xFFFFFFE0];
	[tilespmem:s6+$0x0] =	vst v0  }
0x250: {  	v0 =	vld [tilespmem:s10+$0xFFFFFFF0];
	[tilespmem:s6+$0x10] =	vst v1  }
0x251: {  	v1 =	vld [tilespmem:s10+$0x0];
	[tilespmem:s6+$0x20] =	vst v2  }
0x252: {  	v2 =	vld [tilespmem:s10+$0x10];
	[tilespmem:s6+$0xFFFFFFC0] =	vst v4  }
0x253: {  	v4 =	vld [tilespmem:s10+$0x20]  }
0x254: {  	v7 =	vld [tilespmem:s10+$0xFFFFFFC0]  }
0x255: {  	v6 =	vld.idx.msk [tilespmem:v6+s4+$0x0], $0xffff  }
0x256: {  	v8 =	vld.idx.msk [tilespmem:v5+s4+$0x0], $0xffff  }
0x257: {  	v5 =	vld.idx.msk [tilespmem:v3+s4+$0x0], $0xffff  }
.Ltmp16:
0x258: {  	v3 =	vld.idx.msk [tilespmem:v0+s4+$0x0], $0xffff;
	(pc) =	sbr.rel @p0 .LBB2_34-.Ltmp16, $4  }
0x259: {  	v0 =	vld.idx.msk [tilespmem:v1+s4+$0x0], $0xffff  }
0x25a: {  	s6 =	sadd.s32 $0x100, s6;
	v1 =	vld.idx.msk [tilespmem:v2+s4+$0x0], $0xffff  }
0x25b: {  	v2 =	vld.idx.msk [tilespmem:v4+s4+$0x0], $0xffff;
	[tilespmem:s6+$0x30] =	vst v6  }
0x25c: {  	s10 =	sadd.s32 $0x80, s10;
	v4 =	vld.idx.msk [tilespmem:v7+s4+$0x0], $0xffff;
	[tilespmem:s6+$0xFFFFFFD0] =	vst v8  }
0x25d: {  	[tilespmem:s6+$0xFFFFFFE0] =	vst v5  }
0x25e: {  	[tilespmem:s6+$0xFFFFFFF0] =	vst v3  }
0x25f: {  	[tilespmem:s6+$0x0] =	vst v0  }
0x260: {  	[tilespmem:s6+$0x10] =	vst v1  }
0x261: {  	[tilespmem:s6+$0x20] =	vst v2  }
0x262: {  	s3 =	simm.s32 $0x0;
	[tilespmem:s6+$0xFFFFFFC0] =	vst v4  }
0x263: {  	s9 =	simm.s32 $0x80;
	s10 =	simm.s32 $0x19100;
	s6 =	rddreg [dreg:$0xd]  }
0x264: {  	[tilespmem:s3], [sflag:$0x1] =	stream.strided.gather [hbm4b:s6+s25], $0x8000, s26, s25, $0x38;
	[tilespmem:$0x1B000] =	vst v63  }
0x265: {  	s13 =	simm.s32 $0x19000;
	s6 =	simm.s32 $0x19000;
	s3 =	sadd.s32 $0x0, s19  }
.LBB2_36:
0x266: {  	[hbm4b:s3+s4] =	stream.linear.scatter [tilespmem:s6], [sflag:$0x4], $0x80, $0x38;
	[tilespmem:$0x1B000] =	vst v63  }
0x267: {  	s3 =	smov.u32 s9;
	s6 =	smov.u32 s10;
	p0 =	sne.s32 s9, $0xF80  }
.Ltmp17:
0x268: {  	s9 =	sadd.s32 $0x80, s9;
	(pc) =	sbr.rel @p0 .LBB2_36-.Ltmp17, $2  }
0x269: {  	_ =	sdelay $0x2  }
0x26a: {  	s10 =	sadd.s32 $0x100, s10;
	s3 =	sadd.s32 s3, s19  }
0x26b: {  	[hbm4b:s3+s4] =	stream.linear.scatter [tilespmem:s6], [sflag:$0x4], $0x80, $0x38;
	[tilespmem:$0x1B000] =	vst v63  }
0x26c: {  	_ =	swait.ge [sflag:s23], $0x8000  }
0x26d: {  	[sflag:s23] =	ssyncset.done $0x0  }
0x26e: {  	[sflag:s23] =	ssyncadd.s32 $0xFFFF8000  }
0x26f: {  	_ =	swait.ge [sflag:s11], $0x1000  }
0x270: {  	[sflag:s11] =	ssyncset.done $0x0  }
0x271: {  	s28 =	simm.s32 $0x18040;
	[sflag:s11] =	ssyncadd.s32 $0xFFFFF000  }
0x272: {  	v0 =	vld [tilespmem:s28+$0x30]  }
0x273: {  	v1 =	vld [tilespmem:s28+$0xFFFFFFD0]  }
0x274: {  	v2 =	vld [tilespmem:s28+$0xFFFFFFE0]  }
0x275: {  	v3 =	vld [tilespmem:s28+$0xFFFFFFF0]  }
0x276: {  	v4 =	vld [tilespmem:s28+$0x0]  }
0x277: {  	v6 =	vld [tilespmem:s28+$0x10]  }
0x278: {  	v7 =	vld [tilespmem:s28+$0x20]  }
0x279: {  	v8 =	vld [tilespmem:s28+$0xFFFFFFC0]  }
0x27a: {  	v9 =	vld.idx.msk [tilespmem:v0+s29+$0x0], $0xffff  }
0x27b: {  	v10 =	vld.idx.msk [tilespmem:v1+s29+$0x0], $0xffff  }
0x27c: {  	v5 =	vld.idx.msk [tilespmem:v2+s29+$0x0], $0xffff  }
0x27d: {  	v3 =	vld.idx.msk [tilespmem:v3+s29+$0x0], $0xffff  }
0x27e: {  	v0 =	vld.idx.msk [tilespmem:v4+s29+$0x0], $0xffff  }
0x27f: {  	s6 =	simm.s32 $0x190F0;
	v1 =	vld.idx.msk [tilespmem:v6+s29+$0x0], $0xffff  }
0x280: {  	v2 =	vld.idx.msk [tilespmem:v7+s29+$0x0], $0xffff;
	[tilespmem:s6+$0x0] =	vst v9  }
0x281: {  	s9 =	simm.s32 $0x0;
	s10 =	simm.s32 $0x180C0;
	v4 =	vld.idx.msk [tilespmem:v8+s29+$0x0], $0xffff;
	[tilespmem:s6+$0xFFFFFFA0] =	vst v10  }
.LBB2_38:
0x282: {  	v6 =	vld [tilespmem:s10+$0x30];
	s9 =	sadd.s32 $0x80, s9;
	[tilespmem:s6+$0xFFFFFFB0] =	vst v5  }
0x283: {  	v5 =	vld [tilespmem:s10+$0xFFFFFFD0];
	p0 =	slt.u32 s9, $0xF80;
	[tilespmem:s6+$0xFFFFFFC0] =	vst v3  }
0x284: {  	v3 =	vld [tilespmem:s10+$0xFFFFFFE0];
	[tilespmem:s6+$0xFFFFFFD0] =	vst v0  }
0x285: {  	v0 =	vld [tilespmem:s10+$0xFFFFFFF0];
	[tilespmem:s6+$0xFFFFFFE0] =	vst v1  }
0x286: {  	v1 =	vld [tilespmem:s10+$0x0];
	[tilespmem:s6+$0xFFFFFFF0] =	vst v2  }
0x287: {  	v2 =	vld [tilespmem:s10+$0x10];
	[tilespmem:s6+$0xFFFFFF90] =	vst v4  }
0x288: {  	v4 =	vld [tilespmem:s10+$0x20]  }
0x289: {  	v7 =	vld [tilespmem:s10+$0xFFFFFFC0]  }
0x28a: {  	v6 =	vld.idx.msk [tilespmem:v6+s29+$0x0], $0xffff  }
0x28b: {  	v8 =	vld.idx.msk [tilespmem:v5+s29+$0x0], $0xffff  }
0x28c: {  	v5 =	vld.idx.msk [tilespmem:v3+s29+$0x0], $0xffff  }
.Ltmp18:
0x28d: {  	v3 =	vld.idx.msk [tilespmem:v0+s29+$0x0], $0xffff;
	(pc) =	sbr.rel @p0 .LBB2_38-.Ltmp18, $4  }
0x28e: {  	v0 =	vld.idx.msk [tilespmem:v1+s29+$0x0], $0xffff  }
0x28f: {  	s6 =	sadd.s32 $0x100, s6;
	v1 =	vld.idx.msk [tilespmem:v2+s29+$0x0], $0xffff  }
0x290: {  	v2 =	vld.idx.msk [tilespmem:v4+s29+$0x0], $0xffff;
	[tilespmem:s6+$0x0] =	vst v6  }
0x291: {  	s10 =	sadd.s32 $0x80, s10;
	v4 =	vld.idx.msk [tilespmem:v7+s29+$0x0], $0xffff;
	[tilespmem:s6+$0xFFFFFFA0] =	vst v8  }
0x292: {  	[tilespmem:s6+$0xFFFFFFB0] =	vst v5  }
0x293: {  	[tilespmem:s6+$0xFFFFFFC0] =	vst v3  }
0x294: {  	[tilespmem:s6+$0xFFFFFFD0] =	vst v0  }
0x295: {  	[tilespmem:s6+$0xFFFFFFE0] =	vst v1  }
0x296: {  	s9 =	simm.s32 $0x19080;
	[tilespmem:s6+$0xFFFFFFF0] =	vst v2  }
0x297: {  	s3 =	sadd.s32 $0x0, s20;
	s10 =	simm.s32 $0x19180;
	[tilespmem:s6+$0xFFFFFF90] =	vst v4;
	s6 =	simm.s32 $0x80  }
.LBB2_40:
0x298: {  	[hbm4b:s3+s4] =	stream.linear.scatter [tilespmem:s9], [sflag:$0x5], $0x80, $0x38;
	[tilespmem:$0x1B000] =	vst v63  }
0x299: {  	s3 =	smov.u32 s6;
	s9 =	smov.u32 s10;
	p0 =	sne.s32 s6, $0xF80  }
.Ltmp19:
0x29a: {  	s6 =	sadd.s32 $0x80, s6;
	(pc) =	sbr.rel @p0 .LBB2_40-.Ltmp19, $2  }
0x29b: {  	_ =	sdelay $0x2  }
0x29c: {  	s10 =	sadd.s32 $0x100, s10;
	s3 =	sadd.s32 s3, s20  }
0x29d: {  	[hbm4b:s3+s4] =	stream.linear.scatter [tilespmem:s9], [sflag:$0x5], $0x80, $0x38;
	[tilespmem:$0x1B000] =	vst v63  }
0x29e: {  	_ =	swait.ge [sflag:s7], $0x8000  }
0x29f: {  	[sflag:s7] =	ssyncset.done $0x0  }
0x2a0: {  	[sflag:s7] =	ssyncadd.s32 $0xFFFF8000  }
0x2a1: {  	_ =	swait.ge [sflag:s31], $0x1000  }
0x2a2: {  	[sflag:s31] =	ssyncset.done $0x0  }
0x2a3: {  	s28 =	simm.s32 $0x18040;
	[sflag:s31] =	ssyncadd.s32 $0xFFFFF000  }
0x2a4: {  	v0 =	vld [tilespmem:s28+$0x30]  }
0x2a5: {  	v1 =	vld [tilespmem:s28+$0xFFFFFFD0]  }
0x2a6: {  	v2 =	vld [tilespmem:s28+$0xFFFFFFE0]  }
0x2a7: {  	v3 =	vld [tilespmem:s28+$0xFFFFFFF0]  }
0x2a8: {  	v4 =	vld [tilespmem:s28+$0x0]  }
0x2a9: {  	v6 =	vld [tilespmem:s28+$0x10]  }
0x2aa: {  	v7 =	vld [tilespmem:s28+$0x20]  }
0x2ab: {  	v8 =	vld [tilespmem:s28+$0xFFFFFFC0]  }
0x2ac: {  	v9 =	vld.idx.msk [tilespmem:v0+s30+$0x0], $0xffff  }
0x2ad: {  	v10 =	vld.idx.msk [tilespmem:v1+s30+$0x0], $0xffff  }
0x2ae: {  	v5 =	vld.idx.msk [tilespmem:v2+s30+$0x0], $0xffff  }
0x2af: {  	v3 =	vld.idx.msk [tilespmem:v3+s30+$0x0], $0xffff  }
0x2b0: {  	v0 =	vld.idx.msk [tilespmem:v4+s30+$0x0], $0xffff  }
0x2b1: {  	s6 =	simm.s32 $0x19040;
	v1 =	vld.idx.msk [tilespmem:v6+s30+$0x0], $0xffff  }
0x2b2: {  	v2 =	vld.idx.msk [tilespmem:v7+s30+$0x0], $0xffff;
	[tilespmem:s6+$0x30] =	vst v9  }
0x2b3: {  	s9 =	simm.s32 $0x0;
	s10 =	simm.s32 $0x180C0;
	v4 =	vld.idx.msk [tilespmem:v8+s30+$0x0], $0xffff;
	[tilespmem:s6+$0xFFFFFFD0] =	vst v10  }
.LBB2_42:
0x2b4: {  	v6 =	vld [tilespmem:s10+$0x30];
	s9 =	sadd.s32 $0x80, s9;
	[tilespmem:s6+$0xFFFFFFE0] =	vst v5  }
0x2b5: {  	v5 =	vld [tilespmem:s10+$0xFFFFFFD0];
	p0 =	slt.u32 s9, $0xF80;
	[tilespmem:s6+$0xFFFFFFF0] =	vst v3  }
0x2b6: {  	v3 =	vld [tilespmem:s10+$0xFFFFFFE0];
	[tilespmem:s6+$0x0] =	vst v0  }
0x2b7: {  	v0 =	vld [tilespmem:s10+$0xFFFFFFF0];
	[tilespmem:s6+$0x10] =	vst v1  }
0x2b8: {  	v1 =	vld [tilespmem:s10+$0x0];
	[tilespmem:s6+$0x20] =	vst v2  }
0x2b9: {  	v2 =	vld [tilespmem:s10+$0x10];
	[tilespmem:s6+$0xFFFFFFC0] =	vst v4  }
0x2ba: {  	v4 =	vld [tilespmem:s10+$0x20]  }
0x2bb: {  	v7 =	vld [tilespmem:s10+$0xFFFFFFC0]  }
0x2bc: {  	v6 =	vld.idx.msk [tilespmem:v6+s30+$0x0], $0xffff  }
0x2bd: {  	v8 =	vld.idx.msk [tilespmem:v5+s30+$0x0], $0xffff  }
0x2be: {  	v5 =	vld.idx.msk [tilespmem:v3+s30+$0x0], $0xffff  }
.Ltmp20:
0x2bf: {  	v3 =	vld.idx.msk [tilespmem:v0+s30+$0x0], $0xffff;
	(pc) =	sbr.rel @p0 .LBB2_42-.Ltmp20, $4  }
0x2c0: {  	v0 =	vld.idx.msk [tilespmem:v1+s30+$0x0], $0xffff  }
0x2c1: {  	s6 =	sadd.s32 $0x100, s6;
	v1 =	vld.idx.msk [tilespmem:v2+s30+$0x0], $0xffff  }
0x2c2: {  	v2 =	vld.idx.msk [tilespmem:v4+s30+$0x0], $0xffff;
	[tilespmem:s6+$0x30] =	vst v6  }
0x2c3: {  	s10 =	sadd.s32 $0x80, s10;
	v4 =	vld.idx.msk [tilespmem:v7+s30+$0x0], $0xffff;
	[tilespmem:s6+$0xFFFFFFD0] =	vst v8  }
0x2c4: {  	[tilespmem:s6+$0xFFFFFFE0] =	vst v5  }
0x2c5: {  	[tilespmem:s6+$0xFFFFFFF0] =	vst v3  }
0x2c6: {  	[tilespmem:s6+$0x0] =	vst v0  }
0x2c7: {  	[tilespmem:s6+$0x10] =	vst v1  }
0x2c8: {  	s9 =	simm.s32 $0x19000;
	[tilespmem:s6+$0x20] =	vst v2  }
0x2c9: {  	s3 =	sadd.s32 $0x0, s21;
	s10 =	simm.s32 $0x19100;
	[tilespmem:s6+$0xFFFFFFC0] =	vst v4;
	s6 =	simm.s32 $0x80  }
.LBB2_44:
0x2ca: {  	[hbm4b:s3+s4] =	stream.linear.scatter [tilespmem:s9], [sflag:$0x4], $0x80, $0x38;
	[tilespmem:$0x1B000] =	vst v63  }
0x2cb: {  	s3 =	smov.u32 s6;
	s9 =	smov.u32 s10;
	p0 =	sne.s32 s6, $0xF80  }
.Ltmp21:
0x2cc: {  	s6 =	sadd.s32 $0x80, s6;
	(pc) =	sbr.rel @p0 .LBB2_44-.Ltmp21, $2  }
0x2cd: {  	_ =	sdelay $0x2  }
0x2ce: {  	s10 =	sadd.s32 $0x100, s10;
	s3 =	sadd.s32 s3, s21  }
0x2cf: {  	[hbm4b:s3+s4] =	stream.linear.scatter [tilespmem:s9], [sflag:$0x4], $0x80, $0x38;
	[tilespmem:$0x1B000] =	vst v63  }
0x2d0: {  	_ =	swait.ge [sflag:s0], $0x8000  }
0x2d1: {  	[sflag:s0] =	ssyncset.done $0x0  }
0x2d2: {  	[sflag:s0] =	ssyncadd.s32 $0xFFFF8000  }
0x2d3: {  	_ =	swait.ge [sflag:s11], $0x1000  }
0x2d4: {  	[sflag:s11] =	ssyncset.done $0x0  }
0x2d5: {  	s28 =	simm.s32 $0x18040;
	[sflag:s11] =	ssyncadd.s32 $0xFFFFF000  }
0x2d6: {  	v0 =	vld [tilespmem:s28+$0x30]  }
0x2d7: {  	v1 =	vld [tilespmem:s28+$0xFFFFFFD0]  }
0x2d8: {  	v2 =	vld [tilespmem:s28+$0xFFFFFFE0]  }
0x2d9: {  	v3 =	vld [tilespmem:s28+$0xFFFFFFF0]  }
0x2da: {  	v4 =	vld [tilespmem:s28+$0x0]  }
0x2db: {  	v6 =	vld [tilespmem:s28+$0x10]  }
0x2dc: {  	v7 =	vld [tilespmem:s28+$0x20]  }
0x2dd: {  	v8 =	vld [tilespmem:s28+$0xFFFFFFC0]  }
0x2de: {  	v9 =	vld.idx.msk [tilespmem:v0+s4+$0x0], $0xffff  }
0x2df: {  	v10 =	vld.idx.msk [tilespmem:v1+s4+$0x0], $0xffff  }
0x2e0: {  	v5 =	vld.idx.msk [tilespmem:v2+s4+$0x0], $0xffff  }
0x2e1: {  	v3 =	vld.idx.msk [tilespmem:v3+s4+$0x0], $0xffff  }
0x2e2: {  	v0 =	vld.idx.msk [tilespmem:v4+s4+$0x0], $0xffff  }
0x2e3: {  	s6 =	simm.s32 $0x190F0;
	v1 =	vld.idx.msk [tilespmem:v6+s4+$0x0], $0xffff  }
0x2e4: {  	v2 =	vld.idx.msk [tilespmem:v7+s4+$0x0], $0xffff;
	[tilespmem:s6+$0x0] =	vst v9  }
0x2e5: {  	s9 =	simm.s32 $0x0;
	s10 =	simm.s32 $0x180C0;
	v4 =	vld.idx.msk [tilespmem:v8+s4+$0x0], $0xffff;
	[tilespmem:s6+$0xFFFFFFA0] =	vst v10  }
.LBB2_46:
0x2e6: {  	v6 =	vld [tilespmem:s10+$0x30];
	s9 =	sadd.s32 $0x80, s9;
	[tilespmem:s6+$0xFFFFFFB0] =	vst v5  }
0x2e7: {  	v5 =	vld [tilespmem:s10+$0xFFFFFFD0];
	p0 =	slt.u32 s9, $0xF80;
	[tilespmem:s6+$0xFFFFFFC0] =	vst v3  }
0x2e8: {  	v3 =	vld [tilespmem:s10+$0xFFFFFFE0];
	[tilespmem:s6+$0xFFFFFFD0] =	vst v0  }
0x2e9: {  	v0 =	vld [tilespmem:s10+$0xFFFFFFF0];
	[tilespmem:s6+$0xFFFFFFE0] =	vst v1  }
0x2ea: {  	v1 =	vld [tilespmem:s10+$0x0];
	[tilespmem:s6+$0xFFFFFFF0] =	vst v2  }
0x2eb: {  	v2 =	vld [tilespmem:s10+$0x10];
	[tilespmem:s6+$0xFFFFFF90] =	vst v4  }
0x2ec: {  	v4 =	vld [tilespmem:s10+$0x20]  }
0x2ed: {  	v7 =	vld [tilespmem:s10+$0xFFFFFFC0]  }
0x2ee: {  	v6 =	vld.idx.msk [tilespmem:v6+s4+$0x0], $0xffff  }
0x2ef: {  	v8 =	vld.idx.msk [tilespmem:v5+s4+$0x0], $0xffff  }
0x2f0: {  	v5 =	vld.idx.msk [tilespmem:v3+s4+$0x0], $0xffff  }
.Ltmp22:
0x2f1: {  	v3 =	vld.idx.msk [tilespmem:v0+s4+$0x0], $0xffff;
	(pc) =	sbr.rel @p0 .LBB2_46-.Ltmp22, $4  }
0x2f2: {  	v0 =	vld.idx.msk [tilespmem:v1+s4+$0x0], $0xffff  }
0x2f3: {  	s6 =	sadd.s32 $0x100, s6;
	v1 =	vld.idx.msk [tilespmem:v2+s4+$0x0], $0xffff  }
0x2f4: {  	v2 =	vld.idx.msk [tilespmem:v4+s4+$0x0], $0xffff;
	[tilespmem:s6+$0x0] =	vst v6  }
0x2f5: {  	s10 =	sadd.s32 $0x80, s10;
	v4 =	vld.idx.msk [tilespmem:v7+s4+$0x0], $0xffff;
	[tilespmem:s6+$0xFFFFFFA0] =	vst v8  }
0x2f6: {  	[tilespmem:s6+$0xFFFFFFB0] =	vst v5  }
0x2f7: {  	[tilespmem:s6+$0xFFFFFFC0] =	vst v3  }
0x2f8: {  	[tilespmem:s6+$0xFFFFFFD0] =	vst v0  }
0x2f9: {  	[tilespmem:s6+$0xFFFFFFE0] =	vst v1  }
0x2fa: {  	s9 =	simm.s32 $0x19080;
	[tilespmem:s6+$0xFFFFFFF0] =	vst v2  }
0x2fb: {  	s3 =	sadd.s32 $0x0, s22;
	s10 =	simm.s32 $0x19180;
	[tilespmem:s6+$0xFFFFFF90] =	vst v4;
	s6 =	simm.s32 $0x80  }
.LBB2_48:
0x2fc: {  	[hbm4b:s3+s4] =	stream.linear.scatter [tilespmem:s9], [sflag:$0x5], $0x80, $0x38;
	[tilespmem:$0x1B000] =	vst v63  }
0x2fd: {  	s3 =	smov.u32 s6;
	s9 =	smov.u32 s10;
	p0 =	sne.s32 s6, $0xF80  }
.Ltmp23:
0x2fe: {  	s6 =	sadd.s32 $0x80, s6;
	(pc) =	sbr.rel @p0 .LBB2_48-.Ltmp23, $2  }
0x2ff: {  	_ =	sdelay $0x2  }
0x300: {  	s10 =	sadd.s32 $0x100, s10;
	s3 =	sadd.s32 s3, s22  }
0x301: {  	[hbm4b:s3+s4] =	stream.linear.scatter [tilespmem:s9], [sflag:$0x5], $0x80, $0x38;
	[tilespmem:$0x1B000] =	vst v63  }
0x302: {  	_ =	swait.ge [sflag:s31], $0x1000  }
0x303: {  	[sflag:s31] =	ssyncset.done $0x0  }
0x304: {  	[sflag:s31] =	ssyncadd.s32 $0xFFFFF000  }
0x305: {  	_ =	swait.ge [sflag:s11], $0x1000  }
0x306: {  	s6 =	rddreg [dreg:$0xf]  }
0x307: {  	s28 =	rddreg [dreg:$0xe];
	s6 =	sadd.s32 $0x1, s6  }
0x308: {  	p0 =	sne.s32 s6, s28  }
.Ltmp24:
0x309: {  	_ = 	snop;
	(pc) =	sbr.rel @p0 .LBB2_1-.Ltmp24, $3  }
0x30a: {  	_ =	sdelay $0x1  }
0x30b: {  	[sflag:s11] =	ssyncset.done $0x0  }
0x30c: {  	[sflag:s11] =	ssyncadd.s32 $0xFFFFF000  }
0x30d: {  	_ =	sfence.sel $0x180000  }
0x30e: {  	[bflag:$0x0] =	sbarrier.arrive $0xFFFF  }
0x30f: {  	_ =	strace $0x90000047  }
0x310: {  	s0 =	stileid.u32;
	[bflag:$0x2] =	sbarrier.arrive $0xFFFF  }
0x311: {  	p0 =	sne.s32 s0, $0x0;
	s0 =	rddreg [dreg:$0x5]  }
0x312: {  	s0 =	sadd.s32 @!p0 $0x100000, s0  }
0x313: {  	[sflag:s0] =	ssyncadd.tile.s32 @!p0 $0x1;
	_ =	shalt  }
.Lfunc_end2:
_tile_overlayer_lowered:
.L_overlay_start_2:
0x314: {  	(tag) =	ssettag $0x2  }
0x315: {  	s0 =	rddreg [dreg:$0x0];
	s2 =	stileid.u32  }
0x316: {  	s1 =	rddreg [dreg:$0x1];
	p0 =	sne.s32 s2, $0x0  }
0x317: {  	s3 =	rddreg [dreg:$0x2];
	[bflag:$0x3] =	sbarrier.arrive $0xFFFF;
	s2 =	simm.s32 @!p0 $0x1C06  }
0x318: {  	[timem:s3], [sflag:s2] =	dma.local @!p0 [hbm:s0], s1  }
0x319: {  	s0 =	simm.s32 @!p0 $0x6  }
0x31a: {  	_ =	swait.ge @!p0 [sflag:s0], s1  }
0x31b: {  	s1 =	ssub.s32 @!p0 $0x0, s1;
	[sflag:s0] =	ssyncset.done @!p0 $0x0  }
0x31c: {  	[sflag:s0] =	ssyncadd.s32 @!p0 s1  }
0x31d: {  	[bflag:$0x3] =	sbarrier.arrive $0xFFFF  }
0x31e: {  	_ =	shalt  }

</sc_bundles>
